<compile_context>
chip_gen: v7x
topology: tpu7x:2x2x1
jax: 0.10.2.dev20260603
libtpu: 0.0.44.dev20260713+nightly
codegen_flags: <defaults>
</compile_context>

<pallas_src>
import functools

import jax
import jax.numpy as jnp
from jax import lax
from jax.experimental import pallas as pl
from jax.experimental.pallas import tpu as pltpu
from jax.experimental.pallas import tpu_sc as plsc

D_MODEL = 128
N_ROWS = 16384 * 200
NC, NS, L = 2, 16, 16
NW = NC * NS
SC_ROWS = 32768
TC_ROWS = N_ROWS - SC_ROWS
ROWS_PER_W = SC_ROWS // NW
CHUNK = 256
K = CHUNK // 128
N_CHUNKS = ROWS_PER_W // CHUNK
BM = 1024


def _build_xidx(xidx, base):
    lane8 = lax.iota(jnp.int32, L) * 8
    for m in range(CHUNK // L):
        xidx[pl.ds(m * L, L)] = lane8 + ((base + m * L) * 8 + 7)


def _start_xgather(x_hbm, xidx, fstage, sem):
    for j in range(K):
        pltpu.async_copy(
            x_hbm.at[xidx.at[pl.ds(j * 128, 128)]],
            fstage.at[pl.ds(j * 128, 128)], sem)


def _wait_xgather(x_hbm, xidx, fstage, sem):
    for j in range(K):
        pltpu.make_async_copy(
            x_hbm.at[xidx.at[pl.ds(j * 128, 128)]],
            fstage.at[pl.ds(j * 128, 128)], sem).wait()


def _start_tgather(table_hbm, idxb, rowbuf, sem):
    for j in range(K):
        pltpu.async_copy(
            table_hbm.at[idxb.at[pl.ds(j * 128, 128)]],
            rowbuf.at[pl.ds(j * 128, 128)], sem)


def _wait_tgather(table_hbm, idxb, rowbuf, sem):
    for j in range(K):
        pltpu.make_async_copy(
            table_hbm.at[idxb.at[pl.ds(j * 128, 128)]],
            rowbuf.at[pl.ds(j * 128, 128)], sem).wait()


def _sc_lookup(x_hbm, table_hbm, out_hbm,
               table_v, xidx0, xidx1, fst0, fst1, idx0, idx1, row0, row1,
               semx0, semx1, semt0, semt1, semw0, semw1):
    wid = lax.axis_index("s") * NC + lax.axis_index("c")
    w_base = wid * ROWS_PER_W
    sid = lax.axis_index("s")
    pltpu.sync_copy(table_hbm, table_v.at[pl.ds(sid * 16, 10)])
    plsc.subcore_barrier()
    table_hbm = table_v
    toff = sid * 16
    xidx = [xidx0, xidx1]
    fst = [fst0, fst1]
    idxb = [idx0, idx1]
    row = [row0, row1]
    semx = [semx0, semx1]
    semt = [semt0, semt1]
    semw = [semw0, semw1]

    def halfstep(g, p, first, last):
        base = w_base + g * CHUNK
        q = 1 - p
        _wait_xgather(x_hbm, xidx[p], fst[p], semx[p])
        for i in range(CHUNK // L):
            v = fst[p][pl.ds(i * L, L)]
            idxb[p][pl.ds(i * L, L)] = v.astype(jnp.int32) + toff
        if not first:
            pltpu.make_async_copy(
                row[p], out_hbm.at[pl.ds(base - 2 * CHUNK, CHUNK)],
                semw[p]).wait()
        _start_tgather(table_hbm, idxb[p], row[p], semt[p])
        if not last:
            nbase = w_base + (g + 1) * CHUNK
            _build_xidx(xidx[q], nbase)
            _start_xgather(x_hbm, xidx[q], fst[q], semx[q])
        _wait_tgather(table_hbm, idxb[p], row[p], semt[p])
        pltpu.async_copy(row[p], out_hbm.at[pl.ds(base, CHUNK)], semw[p])

    _build_xidx(xidx[0], w_base)
    _start_xgather(x_hbm, xidx[0], fst[0], semx[0])

    def pair_body(t, carry):
        g0 = t * 2

        @pl.when(t == 0)
        def _():
            halfstep(g0, 0, True, False)
            halfstep(g0 + 1, 1, True, False)

        @pl.when(jnp.logical_and(t > 0, t < N_CHUNKS // 2 - 1))
        def _():
            halfstep(g0, 0, False, False)
            halfstep(g0 + 1, 1, False, False)

        @pl.when(t == N_CHUNKS // 2 - 1)
        def _():
            halfstep(g0, 0, False, False)
            halfstep(g0 + 1, 1, False, True)

        return carry

    lax.fori_loop(0, N_CHUNKS // 2, pair_body, 0)

    endb = w_base + N_CHUNKS * CHUNK
    pltpu.make_async_copy(
        row[0], out_hbm.at[pl.ds(endb - 2 * CHUNK, CHUNK)], semw[0]).wait()
    pltpu.make_async_copy(
        row[1], out_hbm.at[pl.ds(endb - CHUNK, CHUNK)], semw[1]).wait()


BR = 8


def _tc_body(x_ref, e_ref, tab_ref, o_ref):
    xb = x_ref[...]
    idx8 = jnp.dot(xb, e_ref[...],
                   preferred_element_type=jnp.float32)
    idxt = jnp.transpose(idx8).astype(jnp.int32)
    tab = tab_ref[...]
    for c in range(BR):
        col = idxt[:, c:c + 1]
        oh = (col == lax.broadcasted_iota(jnp.int32, (128, 16), 1))
        o_ref[pl.ds(c * 128, 128), :] = jnp.dot(
            oh.astype(jnp.float32), tab,
            precision=lax.Precision.HIGHEST,
            preferred_element_type=jnp.float32)


def _tc_lookup(x2, table):
    tab16 = jnp.pad(table, ((0, 16 - table.shape[0]), (0, 0)))
    emat = (jnp.arange(1024)[:, None] ==
            (jnp.arange(128) * 8 + 7)[None, :]).astype(jnp.float32)
    return pl.pallas_call(
        _tc_body,
        grid=(TC_ROWS // (BR * 128),),
        in_specs=[
            pl.BlockSpec((BR, 1024), lambda i: (SC_ROWS // (BR * 128) + i, 0)),
            pl.BlockSpec((1024, 128), lambda i: (0, 0)),
            pl.BlockSpec((16, D_MODEL), lambda i: (0, 0)),
        ],
        out_specs=pl.BlockSpec((BR * 128, D_MODEL), lambda i: (i, 0)),
        out_shape=jax.ShapeDtypeStruct((TC_ROWS, D_MODEL), jnp.float32),
    )(x2, emat, tab16)


def kernel(x, table):
    x_flat = x.reshape(N_ROWS * 8)
    mesh = plsc.VectorSubcoreMesh(core_axis_name="c", subcore_axis_name="s")
    f = functools.partial(
        pl.kernel,
        mesh=mesh,
        out_type=jax.ShapeDtypeStruct((SC_ROWS, D_MODEL), jnp.float32),
        scratch_types=[
            pltpu.VMEM_SHARED((256, D_MODEL), jnp.float32),
            pltpu.VMEM((CHUNK,), jnp.int32),
            pltpu.VMEM((CHUNK,), jnp.int32),
            pltpu.VMEM((CHUNK,), jnp.float32),
            pltpu.VMEM((CHUNK,), jnp.float32),
            pltpu.VMEM((CHUNK,), jnp.int32),
            pltpu.VMEM((CHUNK,), jnp.int32),
            pltpu.VMEM((CHUNK, D_MODEL), jnp.float32),
            pltpu.VMEM((CHUNK, D_MODEL), jnp.float32),
            pltpu.SemaphoreType.DMA,
            pltpu.SemaphoreType.DMA,
            pltpu.SemaphoreType.DMA,
            pltpu.SemaphoreType.DMA,
            pltpu.SemaphoreType.DMA,
            pltpu.SemaphoreType.DMA,
        ],
    )(_sc_lookup)
    out_sc = f(x_flat, table)
    out_tc = _tc_lookup(x.reshape(N_ROWS * 8 // 1024, 1024), table)
    out = jnp.concatenate([out_sc, out_tc], axis=0)
    return out.reshape(x.shape[0], x.shape[1], D_MODEL)

# --- scband reference (transcript-rebuilt; emitter-appended) ---
"""Pipeline reference for scband-agent-type-embedding-31748398252187 (READ-ONLY COPY).

The authoritative reference and input builder live on the scoring server;
editing this copy changes nothing except your own understanding.
"""

import jax, jax.numpy as jnp
import numpy as np

NUM_TYPES = 10
D_MODEL = 128


def setup_inputs(seed: int = 0) -> dict:
    key = jax.random.key(seed)
    k_x, k_tab = jax.random.split(key)
    # x holds agent features; the last channel is an integer type id stored as float
    x = jax.random.randint(k_x, (16384, 200, 8), 0, NUM_TYPES).astype(jnp.float32)
    table = jax.random.normal(k_tab, (NUM_TYPES, D_MODEL), dtype=jnp.float32)
    return {"x": x, "table": table}


def reference(x, table):
    # obj_type = x[..., -1].long(); embedding lookup
    obj_type = x[..., -1].astype(jnp.int32)
    return jnp.take(table, obj_type, axis=0)

if __name__ == "__main__":
    import jax
    _d = setup_inputs()
    print(jax.jit(kernel)(*tuple(_d.values())))

</pallas_src>

<mosaic_0001>
#map = affine_map<(d0, d1) -> (0)>
#map1 = affine_map<(d0, d1) -> (0, 0)>
module attributes {stable_mosaic.version = 14 : i64} {
  func.func @_sc_lookup(%arg0: i32, %arg1: i32, %arg2: memref<26214400xf32, #tpu.memory_space<hbm>>, %arg3: memref<10x128xf32, #tpu.memory_space<hbm>>, %arg4: memref<32768x128xf32, #tpu.memory_space<hbm>>, %arg5: memref<256x128xf32, #tpu.memory_space<vmem_shared>>, %arg6: memref<256xi32, #tpu.memory_space<vmem>>, %arg7: memref<256xi32, #tpu.memory_space<vmem>>, %arg8: memref<256xf32, #tpu.memory_space<vmem>>, %arg9: memref<256xf32, #tpu.memory_space<vmem>>, %arg10: memref<256xi32, #tpu.memory_space<vmem>>, %arg11: memref<256xi32, #tpu.memory_space<vmem>>, %arg12: memref<256x128xf32, #tpu.memory_space<vmem>>, %arg13: memref<256x128xf32, #tpu.memory_space<vmem>>, %arg14: memref<!tpu.dma_semaphore, #tpu.memory_space<semaphore_mem>>, %arg15: memref<!tpu.dma_semaphore, #tpu.memory_space<semaphore_mem>>, %arg16: memref<!tpu.dma_semaphore, #tpu.memory_space<semaphore_mem>>, %arg17: memref<!tpu.dma_semaphore, #tpu.memory_space<semaphore_mem>>, %arg18: memref<!tpu.dma_semaphore, #tpu.memory_space<semaphore_mem>>, %arg19: memref<!tpu.dma_semaphore, #tpu.memory_space<semaphore_mem>>) attributes {dimension_semantics = [#tpu.dimension_semantics<core_parallel>, #tpu.dimension_semantics<subcore_parallel>], iteration_bounds = array<i64: 2, 16>, scalar_prefetch = 0 : i64, scratch_operands = 15 : i64, tpu.core_type = #tpu.core_type<sc_vector_subcore>, window_params = [{transform_indices = #map}, {transform_indices = #map1}, {transform_indices = #map1}]} {
    %mul3A = arith.constant 2 : i32
    %mul3A_0 = arith.muli %arg1, %mul3A : i32
    %add3A = arith.addi %mul3A_0, %arg0 : i32
    %mul3A_1 = arith.constant 1024 : i32
    %mul3A_2 = arith.muli %add3A, %mul3A_1 : i32
    %mul3A_3 = arith.constant 16 : i32
    %mul3A_4 = arith.muli %arg1, %mul3A_3 : i32
    "tpu.region"() ({
      %run_scoped3A = tpu.sem_alloc : memref<!tpu.dma_semaphore, #tpu.memory_space<semaphore_mem>>
      %dma_start3A_229 = arith.constant 0 : i32
      %dma_start3A_230 = tpu.memref_slice %arg5[%mul3A_4, %dma_start3A_229] : memref<256x128xf32, #tpu.memory_space<vmem_shared>> -> memref<10x128xf32, #tpu.memory_space<vmem_shared>>
      tpu.enqueue_dma source(%arg3 : memref<10x128xf32, #tpu.memory_space<hbm>>) target(%dma_start3A_230 : memref<10x128xf32, #tpu.memory_space<vmem_shared>>) target_semaphore(%run_scoped3A : memref<!tpu.dma_semaphore, #tpu.memory_space<semaphore_mem>>)
      %dma_wait3A_231 = arith.constant 0 : i32
      %dma_wait3A_232 = tpu.memref_slice %arg5[%mul3A_4, %dma_wait3A_231] : memref<256x128xf32, #tpu.memory_space<vmem_shared>> -> memref<10x128xf32, #tpu.memory_space<vmem_shared>>
      tpu.wait_dma2 semaphore(%run_scoped3A : memref<!tpu.dma_semaphore, #tpu.memory_space<semaphore_mem>>) src(%arg3 : memref<10x128xf32, #tpu.memory_space<hbm>>) dst(%dma_wait3A_232 : memref<10x128xf32, #tpu.memory_space<vmem_shared>>)
      tpu.yield
    }) : () -> ()
    %barrier3A = arith.constant 0 : index
    tpu.barrier barrier_id(%barrier3A)
    %mul3A_5 = arith.constant 16 : i32
    %mul3A_6 = arith.muli %arg1, %mul3A_5 : i32
    %iota3A = tpu.iota {dimensions = array<i32: 0>} : vector<16xi32>
    %mul3A_7 = arith.constant 8 : i32
    %mul3A_8 = vector.broadcast %mul3A_7 : i32 to vector<16xi32>
    %mul3A_9 = arith.muli %iota3A, %mul3A_8 : vector<16xi32>
    %add3A_10 = arith.constant 0 : i32
    %add3A_11 = arith.addi %mul3A_2, %add3A_10 : i32
    %mul3A_12 = arith.constant 8 : i32
    %mul3A_13 = arith.muli %add3A_11, %mul3A_12 : i32
    %add3A_14 = arith.constant 7 : i32
    %add3A_15 = arith.addi %mul3A_13, %add3A_14 : i32
    %add3A_16 = vector.broadcast %add3A_15 : i32 to vector<16xi32>
    %add3A_17 = arith.addi %mul3A_9, %add3A_16 : vector<16xi32>
    %swap3A = arith.constant 0 : index
    %swap3A_18 = tpu.vector_load %arg6[%swap3A] {strides = array<i32>} : memref<256xi32, #tpu.memory_space<vmem>>, vector<16xi32>,
    %swap3A_19 = vector.shape_cast %swap3A_18 : vector<16xi32> to vector<16xi32>
    %swap3A_20 = vector.shape_cast %add3A_17 : vector<16xi32> to vector<16xi32>
    tpu.vector_store %arg6[%swap3A], %swap3A_20 {strides = array<i32>} : memref<256xi32, #tpu.memory_space<vmem>>, vector<16xi32>,
    %add3A_21 = arith.constant 16 : i32
    %add3A_22 = arith.addi %mul3A_2, %add3A_21 : i32
    %mul3A_23 = arith.constant 8 : i32
    %mul3A_24 = arith.muli %add3A_22, %mul3A_23 : i32
    %add3A_25 = arith.constant 7 : i32
    %add3A_26 = arith.addi %mul3A_24, %add3A_25 : i32
    %add3A_27 = vector.broadcast %add3A_26 : i32 to vector<16xi32>
    %add3A_28 = arith.addi %mul3A_9, %add3A_27 : vector<16xi32>
    %swap3A_29 = arith.constant 16 : index
    %swap3A_30 = tpu.vector_load %arg6[%swap3A_29] {strides = array<i32>} : memref<256xi32, #tpu.memory_space<vmem>>, vector<16xi32>,
    %swap3A_31 = vector.shape_cast %swap3A_30 : vector<16xi32> to vector<16xi32>
    %swap3A_32 = vector.shape_cast %add3A_28 : vector<16xi32> to vector<16xi32>
    tpu.vector_store %arg6[%swap3A_29], %swap3A_32 {strides = array<i32>} : memref<256xi32, #tpu.memory_space<vmem>>, vector<16xi32>,
    %add3A_33 = arith.constant 32 : i32
    %add3A_34 = arith.addi %mul3A_2, %add3A_33 : i32
    %mul3A_35 = arith.constant 8 : i32
    %mul3A_36 = arith.muli %add3A_34, %mul3A_35 : i32
    %add3A_37 = arith.constant 7 : i32
    %add3A_38 = arith.addi %mul3A_36, %add3A_37 : i32
    %add3A_39 = vector.broadcast %add3A_38 : i32 to vector<16xi32>
    %add3A_40 = arith.addi %mul3A_9, %add3A_39 : vector<16xi32>
    %swap3A_41 = arith.constant 32 : index
    %swap3A_42 = tpu.vector_load %arg6[%swap3A_41] {strides = array<i32>} : memref<256xi32, #tpu.memory_space<vmem>>, vector<16xi32>,
    %swap3A_43 = vector.shape_cast %swap3A_42 : vector<16xi32> to vector<16xi32>
    %swap3A_44 = vector.shape_cast %add3A_40 : vector<16xi32> to vector<16xi32>
    tpu.vector_store %arg6[%swap3A_41], %swap3A_44 {strides = array<i32>} : memref<256xi32, #tpu.memory_space<vmem>>, vector<16xi32>,
    %add3A_45 = arith.constant 48 : i32
    %add3A_46 = arith.addi %mul3A_2, %add3A_45 : i32
    %mul3A_47 = arith.constant 8 : i32
    %mul3A_48 = arith.muli %add3A_46, %mul3A_47 : i32
    %add3A_49 = arith.constant 7 : i32
    %add3A_50 = arith.addi %mul3A_48, %add3A_49 : i32
    %add3A_51 = vector.broadcast %add3A_50 : i32 to vector<16xi32>
    %add3A_52 = arith.addi %mul3A_9, %add3A_51 : vector<16xi32>
    %swap3A_53 = arith.constant 48 : index
    %swap3A_54 = tpu.vector_load %arg6[%swap3A_53] {strides = array<i32>} : memref<256xi32, #tpu.memory_space<vmem>>, vector<16xi32>,
    %swap3A_55 = vector.shape_cast %swap3A_54 : vector<16xi32> to vector<16xi32>
    %swap3A_56 = vector.shape_cast %add3A_52 : vector<16xi32> to vector<16xi32>
    tpu.vector_store %arg6[%swap3A_53], %swap3A_56 {strides = array<i32>} : memref<256xi32, #tpu.memory_space<vmem>>, vector<16xi32>,
    %add3A_57 = arith.constant 64 : i32
    %add3A_58 = arith.addi %mul3A_2, %add3A_57 : i32
    %mul3A_59 = arith.constant 8 : i32
    %mul3A_60 = arith.muli %add3A_58, %mul3A_59 : i32
    %add3A_61 = arith.constant 7 : i32
    %add3A_62 = arith.addi %mul3A_60, %add3A_61 : i32
    %add3A_63 = vector.broadcast %add3A_62 : i32 to vector<16xi32>
    %add3A_64 = arith.addi %mul3A_9, %add3A_63 : vector<16xi32>
    %swap3A_65 = arith.constant 64 : index
    %swap3A_66 = tpu.vector_load %arg6[%swap3A_65] {strides = array<i32>} : memref<256xi32, #tpu.memory_space<vmem>>, vector<16xi32>,
    %swap3A_67 = vector.shape_cast %swap3A_66 : vector<16xi32> to vector<16xi32>
    %swap3A_68 = vector.shape_cast %add3A_64 : vector<16xi32> to vector<16xi32>
    tpu.vector_store %arg6[%swap3A_65], %swap3A_68 {strides = array<i32>} : memref<256xi32, #tpu.memory_space<vmem>>, vector<16xi32>,
    %add3A_69 = arith.constant 80 : i32
    %add3A_70 = arith.addi %mul3A_2, %add3A_69 : i32
    %mul3A_71 = arith.constant 8 : i32
    %mul3A_72 = arith.muli %add3A_70, %mul3A_71 : i32
    %add3A_73 = arith.constant 7 : i32
    %add3A_74 = arith.addi %mul3A_72, %add3A_73 : i32
    %add3A_75 = vector.broadcast %add3A_74 : i32 to vector<16xi32>
    %add3A_76 = arith.addi %mul3A_9, %add3A_75 : vector<16xi32>
    %swap3A_77 = arith.constant 80 : index
    %swap3A_78 = tpu.vector_load %arg6[%swap3A_77] {strides = array<i32>} : memref<256xi32, #tpu.memory_space<vmem>>, vector<16xi32>,
    %swap3A_79 = vector.shape_cast %swap3A_78 : vector<16xi32> to vector<16xi32>
    %swap3A_80 = vector.shape_cast %add3A_76 : vector<16xi32> to vector<16xi32>
    tpu.vector_store %arg6[%swap3A_77], %swap3A_80 {strides = array<i32>} : memref<256xi32, #tpu.memory_space<vmem>>, vector<16xi32>,
    %add3A_81 = arith.constant 96 : i32
    %add3A_82 = arith.addi %mul3A_2, %add3A_81 : i32
    %mul3A_83 = arith.constant 8 : i32
    %mul3A_84 = arith.muli %add3A_82, %mul3A_83 : i32
    %add3A_85 = arith.constant 7 : i32
    %add3A_86 = arith.addi %mul3A_84, %add3A_85 : i32
    %add3A_87 = vector.broadcast %add3A_86 : i32 to vector<16xi32>
    %add3A_88 = arith.addi %mul3A_9, %add3A_87 : vector<16xi32>
    %swap3A_89 = arith.constant 96 : index
    %swap3A_90 = tpu.vector_load %arg6[%swap3A_89] {strides = array<i32>} : memref<256xi32, #tpu.memory_space<vmem>>, vector<16xi32>,
    %swap3A_91 = vector.shape_cast %swap3A_90 : vector<16xi32> to vector<16xi32>
    %swap3A_92 = vector.shape_cast %add3A_88 : vector<16xi32> to vector<16xi32>
    tpu.vector_store %arg6[%swap3A_89], %swap3A_92 {strides = array<i32>} : memref<256xi32, #tpu.memory_space<vmem>>, vector<16xi32>,
    %add3A_93 = arith.constant 112 : i32
    %add3A_94 = arith.addi %mul3A_2, %add3A_93 : i32
    %mul3A_95 = arith.constant 8 : i32
    %mul3A_96 = arith.muli %add3A_94, %mul3A_95 : i32
    %add3A_97 = arith.constant 7 : i32
    %add3A_98 = arith.addi %mul3A_96, %add3A_97 : i32
    %add3A_99 = vector.broadcast %add3A_98 : i32 to vector<16xi32>
    %add3A_100 = arith.addi %mul3A_9, %add3A_99 : vector<16xi32>
    %swap3A_101 = arith.constant 112 : index
    %swap3A_102 = tpu.vector_load %arg6[%swap3A_101] {strides = array<i32>} : memref<256xi32, #tpu.memory_space<vmem>>, vector<16xi32>,
    %swap3A_103 = vector.shape_cast %swap3A_102 : vector<16xi32> to vector<16xi32>
    %swap3A_104 = vector.shape_cast %add3A_100 : vector<16xi32> to vector<16xi32>
    tpu.vector_store %arg6[%swap3A_101], %swap3A_104 {strides = array<i32>} : memref<256xi32, #tpu.memory_space<vmem>>, vector<16xi32>,
    %add3A_105 = arith.constant 128 : i32
    %add3A_106 = arith.addi %mul3A_2, %add3A_105 : i32
    %mul3A_107 = arith.constant 8 : i32
    %mul3A_108 = arith.muli %add3A_106, %mul3A_107 : i32
    %add3A_109 = arith.constant 7 : i32
    %add3A_110 = arith.addi %mul3A_108, %add3A_109 : i32
    %add3A_111 = vector.broadcast %add3A_110 : i32 to vector<16xi32>
    %add3A_112 = arith.addi %mul3A_9, %add3A_111 : vector<16xi32>
    %swap3A_113 = arith.constant 128 : index
    %swap3A_114 = tpu.vector_load %arg6[%swap3A_113] {strides = array<i32>} : memref<256xi32, #tpu.memory_space<vmem>>, vector<16xi32>,
    %swap3A_115 = vector.shape_cast %swap3A_114 : vector<16xi32> to vector<16xi32>
    %swap3A_116 = vector.shape_cast %add3A_112 : vector<16xi32> to vector<16xi32>
    tpu.vector_store %arg6[%swap3A_113], %swap3A_116 {strides = array<i32>} : memref<256xi32, #tpu.memory_space<vmem>>, vector<16xi32>,
    %add3A_117 = arith.constant 144 : i32
    %add3A_118 = arith.addi %mul3A_2, %add3A_117 : i32
    %mul3A_119 = arith.constant 8 : i32
    %mul3A_120 = arith.muli %add3A_118, %mul3A_119 : i32
    %add3A_121 = arith.constant 7 : i32
    %add3A_122 = arith.addi %mul3A_120, %add3A_121 : i32
    %add3A_123 = vector.broadcast %add3A_122 : i32 to vector<16xi32>
    %add3A_124 = arith.addi %mul3A_9, %add3A_123 : vector<16xi32>
    %swap3A_125 = arith.constant 144 : index
    %swap3A_126 = tpu.vector_load %arg6[%swap3A_125] {strides = array<i32>} : memref<256xi32, #tpu.memory_space<vmem>>, vector<16xi32>,
    %swap3A_127 = vector.shape_cast %swap3A_126 : vector<16xi32> to vector<16xi32>
    %swap3A_128 = vector.shape_cast %add3A_124 : vector<16xi32> to vector<16xi32>
    tpu.vector_store %arg6[%swap3A_125], %swap3A_128 {strides = array<i32>} : memref<256xi32, #tpu.memory_space<vmem>>, vector<16xi32>,
    %add3A_129 = arith.constant 160 : i32
    %add3A_130 = arith.addi %mul3A_2, %add3A_129 : i32
    %mul3A_131 = arith.constant 8 : i32
    %mul3A_132 = arith.muli %add3A_130, %mul3A_131 : i32
    %add3A_133 = arith.constant 7 : i32
    %add3A_134 = arith.addi %mul3A_132, %add3A_133 : i32
    %add3A_135 = vector.broadcast %add3A_134 : i32 to vector<16xi32>
    %add3A_136 = arith.addi %mul3A_9, %add3A_135 : vector<16xi32>
    %swap3A_137 = arith.constant 160 : index
    %swap3A_138 = tpu.vector_load %arg6[%swap3A_137] {strides = array<i32>} : memref<256xi32, #tpu.memory_space<vmem>>, vector<16xi32>,
    %swap3A_139 = vector.shape_cast %swap3A_138 : vector<16xi32> to vector<16xi32>
    %swap3A_140 = vector.shape_cast %add3A_136 : vector<16xi32> to vector<16xi32>
    tpu.vector_store %arg6[%swap3A_137], %swap3A_140 {strides = array<i32>} : memref<256xi32, #tpu.memory_space<vmem>>, vector<16xi32>,
    %add3A_141 = arith.constant 176 : i32
    %add3A_142 = arith.addi %mul3A_2, %add3A_141 : i32
    %mul3A_143 = arith.constant 8 : i32
    %mul3A_144 = arith.muli %add3A_142, %mul3A_143 : i32
    %add3A_145 = arith.constant 7 : i32
    %add3A_146 = arith.addi %mul3A_144, %add3A_145 : i32
    %add3A_147 = vector.broadcast %add3A_146 : i32 to vector<16xi32>
    %add3A_148 = arith.addi %mul3A_9, %add3A_147 : vector<16xi32>
    %swap3A_149 = arith.constant 176 : index
    %swap3A_150 = tpu.vector_load %arg6[%swap3A_149] {strides = array<i32>} : memref<256xi32, #tpu.memory_space<vmem>>, vector<16xi32>,
    %swap3A_151 = vector.shape_cast %swap3A_150 : vector<16xi32> to vector<16xi32>
    %swap3A_152 = vector.shape_cast %add3A_148 : vector<16xi32> to vector<16xi32>
    tpu.vector_store %arg6[%swap3A_149], %swap3A_152 {strides = array<i32>} : memref<256xi32, #tpu.memory_space<vmem>>, vector<16xi32>,
    %add3A_153 = arith.constant 192 : i32
    %add3A_154 = arith.addi %mul3A_2, %add3A_153 : i32
    %mul3A_155 = arith.constant 8 : i32
    %mul3A_156 = arith.muli %add3A_154, %mul3A_155 : i32
    %add3A_157 = arith.constant 7 : i32
    %add3A_158 = arith.addi %mul3A_156, %add3A_157 : i32
    %add3A_159 = vector.broadcast %add3A_158 : i32 to vector<16xi32>
    %add3A_160 = arith.addi %mul3A_9, %add3A_159 : vector<16xi32>
    %swap3A_161 = arith.constant 192 : index
    %swap3A_162 = tpu.vector_load %arg6[%swap3A_161] {strides = array<i32>} : memref<256xi32, #tpu.memory_space<vmem>>, vector<16xi32>,
    %swap3A_163 = vector.shape_cast %swap3A_162 : vector<16xi32> to vector<16xi32>
    %swap3A_164 = vector.shape_cast %add3A_160 : vector<16xi32> to vector<16xi32>
    tpu.vector_store %arg6[%swap3A_161], %swap3A_164 {strides = array<i32>} : memref<256xi32, #tpu.memory_space<vmem>>, vector<16xi32>,
    %add3A_165 = arith.constant 208 : i32
    %add3A_166 = arith.addi %mul3A_2, %add3A_165 : i32
    %mul3A_167 = arith.constant 8 : i32
    %mul3A_168 = arith.muli %add3A_166, %mul3A_167 : i32
    %add3A_169 = arith.constant 7 : i32
    %add3A_170 = arith.addi %mul3A_168, %add3A_169 : i32
    %add3A_171 = vector.broadcast %add3A_170 : i32 to vector<16xi32>
    %add3A_172 = arith.addi %mul3A_9, %add3A_171 : vector<16xi32>
    %swap3A_173 = arith.constant 208 : index
    %swap3A_174 = tpu.vector_load %arg6[%swap3A_173] {strides = array<i32>} : memref<256xi32, #tpu.memory_space<vmem>>, vector<16xi32>,
    %swap3A_175 = vector.shape_cast %swap3A_174 : vector<16xi32> to vector<16xi32>
    %swap3A_176 = vector.shape_cast %add3A_172 : vector<16xi32> to vector<16xi32>
    tpu.vector_store %arg6[%swap3A_173], %swap3A_176 {strides = array<i32>} : memref<256xi32, #tpu.memory_space<vmem>>, vector<16xi32>,
    %add3A_177 = arith.constant 224 : i32
    %add3A_178 = arith.addi %mul3A_2, %add3A_177 : i32
    %mul3A_179 = arith.constant 8 : i32
    %mul3A_180 = arith.muli %add3A_178, %mul3A_179 : i32
    %add3A_181 = arith.constant 7 : i32
    %add3A_182 = arith.addi %mul3A_180, %add3A_181 : i32
    %add3A_183 = vector.broadcast %add3A_182 : i32 to vector<16xi32>
    %add3A_184 = arith.addi %mul3A_9, %add3A_183 : vector<16xi32>
    %swap3A_185 = arith.constant 224 : index
    %swap3A_186 = tpu.vector_load %arg6[%swap3A_185] {strides = array<i32>} : memref<256xi32, #tpu.memory_space<vmem>>, vector<16xi32>,
    %swap3A_187 = vector.shape_cast %swap3A_186 : vector<16xi32> to vector<16xi32>
    %swap3A_188 = vector.shape_cast %add3A_184 : vector<16xi32> to vector<16xi32>
    tpu.vector_store %arg6[%swap3A_185], %swap3A_188 {strides = array<i32>} : memref<256xi32, #tpu.memory_space<vmem>>, vector<16xi32>,
    %add3A_189 = arith.constant 240 : i32
    %add3A_190 = arith.addi %mul3A_2, %add3A_189 : i32
    %mul3A_191 = arith.constant 8 : i32
    %mul3A_192 = arith.muli %add3A_190, %mul3A_191 : i32
    %add3A_193 = arith.constant 7 : i32
    %add3A_194 = arith.addi %mul3A_192, %add3A_193 : i32
    %add3A_195 = vector.broadcast %add3A_194 : i32 to vector<16xi32>
    %add3A_196 = arith.addi %mul3A_9, %add3A_195 : vector<16xi32>
    %swap3A_197 = arith.constant 240 : index
    %swap3A_198 = tpu.vector_load %arg6[%swap3A_197] {strides = array<i32>} : memref<256xi32, #tpu.memory_space<vmem>>, vector<16xi32>,
    %swap3A_199 = vector.shape_cast %swap3A_198 : vector<16xi32> to vector<16xi32>
    %swap3A_200 = vector.shape_cast %add3A_196 : vector<16xi32> to vector<16xi32>
    tpu.vector_store %arg6[%swap3A_197], %swap3A_200 {strides = array<i32>} : memref<256xi32, #tpu.memory_space<vmem>>, vector<16xi32>,
    %dma_start3A = arith.constant 0 : i32
    %dma_start3A_201 = tpu.memref_slice %arg8[%dma_start3A] : memref<256xf32, #tpu.memory_space<vmem>> -> memref<128xf32, #tpu.memory_space<vmem>>
    %dma_start3A_202 = arith.constant 0 : i32
    %dma_start3A_203 = tpu.memref_slice %arg6[%dma_start3A_202] : memref<256xi32, #tpu.memory_space<vmem>> -> memref<128xi32, #tpu.memory_space<vmem>>
    %dma_start3A_204 = arith.constant 0 : i32
    %dma_start3A_205 = tpu.memref_slice %arg2[%dma_start3A_204] : memref<26214400xf32, #tpu.memory_space<hbm>> -> memref<26214400xf32, #tpu.memory_space<hbm>>
    tpu.enqueue_indirect_dma source(%dma_start3A_205 : memref<26214400xf32, #tpu.memory_space<hbm>>) target(%dma_start3A_201 : memref<128xf32, #tpu.memory_space<vmem>>) offsets(%dma_start3A_203 : memref<128xi32, #tpu.memory_space<vmem>>) semaphore(%arg14 : memref<!tpu.dma_semaphore, #tpu.memory_space<semaphore_mem>>)
    %dma_start3A_206 = arith.constant 128 : i32
    %dma_start3A_207 = tpu.memref_slice %arg8[%dma_start3A_206] : memref<256xf32, #tpu.memory_space<vmem>> -> memref<128xf32, #tpu.memory_space<vmem>>
    %dma_start3A_208 = arith.constant 128 : i32
    %dma_start3A_209 = tpu.memref_slice %arg6[%dma_start3A_208] : memref<256xi32, #tpu.memory_space<vmem>> -> memref<128xi32, #tpu.memory_space<vmem>>
    %dma_start3A_210 = arith.constant 0 : i32
    %dma_start3A_211 = tpu.memref_slice %arg2[%dma_start3A_210] : memref<26214400xf32, #tpu.memory_space<hbm>> -> memref<26214400xf32, #tpu.memory_space<hbm>>
    tpu.enqueue_indirect_dma source(%dma_start3A_211 : memref<26214400xf32, #tpu.memory_space<hbm>>) target(%dma_start3A_207 : memref<128xf32, #tpu.memory_space<vmem>>) offsets(%dma_start3A_209 : memref<128xi32, #tpu.memory_space<vmem>>) semaphore(%arg14 : memref<!tpu.dma_semaphore, #tpu.memory_space<semaphore_mem>>)
    %scan3A = arith.constant 0 : i32
    %scan3A_212 = arith.constant 0 : i32
    %scan3A_213 = arith.constant 2 : i32
    %scan3A_214 = arith.addi %scan3A_212, %scan3A_213 : i32
    %scan3A_215 = arith.constant 1 : i32
    scf.for %scan3A_229 = %scan3A_212 to %scan3A_214 step %scan3A_215  : i32 {
      %mul3A_230 = arith.constant 2 : i32
      %mul3A_231 = arith.muli %scan3A_229, %mul3A_230 : i32
      %eq3A = arith.constant 0 : i32
      %eq3A_232 = arith.cmpi eq, %scan3A_229, %eq3A : i32
      %convert_element_type3A = arith.extui %eq3A_232 : i1 to i32
      %cond3A = arith.constant 0 : i32
      %cond3A_233 = arith.cmpi ne, %convert_element_type3A, %cond3A : i32
      scf.if %cond3A_233 {
        %mul3A_244 = arith.constant 256 : i32
        %mul3A_245 = arith.muli %mul3A_231, %mul3A_244 : i32
        %add3A_246 = arith.addi %mul3A_2, %mul3A_245 : i32
        %dma_wait3A_247 = arith.constant 0 : i32
        %dma_wait3A_248 = tpu.memref_slice %arg8[%dma_wait3A_247] : memref<256xf32, #tpu.memory_space<vmem>> -> memref<128xf32, #tpu.memory_space<vmem>>
        %dma_wait3A_249 = arith.constant 0 : i32
        %dma_wait3A_250 = tpu.memref_slice %arg6[%dma_wait3A_249] : memref<256xi32, #tpu.memory_space<vmem>> -> memref<128xi32, #tpu.memory_space<vmem>>
        %dma_wait3A_251 = arith.constant 0 : i32
        %dma_wait3A_252 = tpu.memref_slice %arg2[%dma_wait3A_251] : memref<26214400xf32, #tpu.memory_space<hbm>> -> memref<26214400xf32, #tpu.memory_space<hbm>>
        tpu.wait_indirect_dma semaphore(%arg14 : memref<!tpu.dma_semaphore, #tpu.memory_space<semaphore_mem>>) src(%dma_wait3A_252 : memref<26214400xf32, #tpu.memory_space<hbm>>) dst(%dma_wait3A_248 : memref<128xf32, #tpu.memory_space<vmem>>)
        %dma_wait3A_253 = arith.constant 128 : i32
        %dma_wait3A_254 = tpu.memref_slice %arg8[%dma_wait3A_253] : memref<256xf32, #tpu.memory_space<vmem>> -> memref<128xf32, #tpu.memory_space<vmem>>
        %dma_wait3A_255 = arith.constant 128 : i32
        %dma_wait3A_256 = tpu.memref_slice %arg6[%dma_wait3A_255] : memref<256xi32, #tpu.memory_space<vmem>> -> memref<128xi32, #tpu.memory_space<vmem>>
        %dma_wait3A_257 = arith.constant 0 : i32
        %dma_wait3A_258 = tpu.memref_slice %arg2[%dma_wait3A_257] : memref<26214400xf32, #tpu.memory_space<hbm>> -> memref<26214400xf32, #tpu.memory_space<hbm>>
        tpu.wait_indirect_dma semaphore(%arg14 : memref<!tpu.dma_semaphore, #tpu.memory_space<semaphore_mem>>) src(%dma_wait3A_258 : memref<26214400xf32, #tpu.memory_space<hbm>>) dst(%dma_wait3A_254 : memref<128xf32, #tpu.memory_space<vmem>>)
        %get3A = arith.constant 0 : index
        %get3A_259 = tpu.vector_load %arg8[%get3A] {strides = array<i32>} : memref<256xf32, #tpu.memory_space<vmem>>, vector<16xf32>,
        %get3A_260 = vector.shape_cast %get3A_259 : vector<16xf32> to vector<16xf32>
        %convert_element_type3A_261 = arith.fptosi %get3A_260 : vector<16xf32> to vector<16xi32>
        %add3A_262 = vector.broadcast %mul3A_6 : i32 to vector<16xi32>
        %add3A_263 = arith.addi %convert_element_type3A_261, %add3A_262 : vector<16xi32>
        %swap3A_264 = arith.constant 0 : index
        %swap3A_265 = tpu.vector_load %arg10[%swap3A_264] {strides = array<i32>} : memref<256xi32, #tpu.memory_space<vmem>>, vector<16xi32>,
        %swap3A_266 = vector.shape_cast %swap3A_265 : vector<16xi32> to vector<16xi32>
        %swap3A_267 = vector.shape_cast %add3A_263 : vector<16xi32> to vector<16xi32>
        tpu.vector_store %arg10[%swap3A_264], %swap3A_267 {strides = array<i32>} : memref<256xi32, #tpu.memory_space<vmem>>, vector<16xi32>,
        %get3A_268 = arith.constant 16 : index
        %get3A_269 = tpu.vector_load %arg8[%get3A_268] {strides = array<i32>} : memref<256xf32, #tpu.memory_space<vmem>>, vector<16xf32>,
        %get3A_270 = vector.shape_cast %get3A_269 : vector<16xf32> to vector<16xf32>
        %convert_element_type3A_271 = arith.fptosi %get3A_270 : vector<16xf32> to vector<16xi32>
        %add3A_272 = vector.broadcast %mul3A_6 : i32 to vector<16xi32>
        %add3A_273 = arith.addi %convert_element_type3A_271, %add3A_272 : vector<16xi32>
        %swap3A_274 = arith.constant 16 : index
        %swap3A_275 = tpu.vector_load %arg10[%swap3A_274] {strides = array<i32>} : memref<256xi32, #tpu.memory_space<vmem>>, vector<16xi32>,
        %swap3A_276 = vector.shape_cast %swap3A_275 : vector<16xi32> to vector<16xi32>
        %swap3A_277 = vector.shape_cast %add3A_273 : vector<16xi32> to vector<16xi32>
        tpu.vector_store %arg10[%swap3A_274], %swap3A_277 {strides = array<i32>} : memref<256xi32, #tpu.memory_space<vmem>>, vector<16xi32>,
        %get3A_278 = arith.constant 32 : index
        %get3A_279 = tpu.vector_load %arg8[%get3A_278] {strides = array<i32>} : memref<256xf32, #tpu.memory_space<vmem>>, vector<16xf32>,
        %get3A_280 = vector.shape_cast %get3A_279 : vector<16xf32> to vector<16xf32>
        %convert_element_type3A_281 = arith.fptosi %get3A_280 : vector<16xf32> to vector<16xi32>
        %add3A_282 = vector.broadcast %mul3A_6 : i32 to vector<16xi32>
        %add3A_283 = arith.addi %convert_element_type3A_281, %add3A_282 : vector<16xi32>
        %swap3A_284 = arith.constant 32 : index
        %swap3A_285 = tpu.vector_load %arg10[%swap3A_284] {strides = array<i32>} : memref<256xi32, #tpu.memory_space<vmem>>, vector<16xi32>,
        %swap3A_286 = vector.shape_cast %swap3A_285 : vector<16xi32> to vector<16xi32>
        %swap3A_287 = vector.shape_cast %add3A_283 : vector<16xi32> to vector<16xi32>
        tpu.vector_store %arg10[%swap3A_284], %swap3A_287 {strides = array<i32>} : memref<256xi32, #tpu.memory_space<vmem>>, vector<16xi32>,
        %get3A_288 = arith.constant 48 : index
        %get3A_289 = tpu.vector_load %arg8[%get3A_288] {strides = array<i32>} : memref<256xf32, #tpu.memory_space<vmem>>, vector<16xf32>,
        %get3A_290 = vector.shape_cast %get3A_289 : vector<16xf32> to vector<16xf32>
        %convert_element_type3A_291 = arith.fptosi %get3A_290 : vector<16xf32> to vector<16xi32>
        %add3A_292 = vector.broadcast %mul3A_6 : i32 to vector<16xi32>
        %add3A_293 = arith.addi %convert_element_type3A_291, %add3A_292 : vector<16xi32>
        %swap3A_294 = arith.constant 48 : index
        %swap3A_295 = tpu.vector_load %arg10[%swap3A_294] {strides = array<i32>} : memref<256xi32, #tpu.memory_space<vmem>>, vector<16xi32>,
        %swap3A_296 = vector.shape_cast %swap3A_295 : vector<16xi32> to vector<16xi32>
        %swap3A_297 = vector.shape_cast %add3A_293 : vector<16xi32> to vector<16xi32>
        tpu.vector_store %arg10[%swap3A_294], %swap3A_297 {strides = array<i32>} : memref<256xi32, #tpu.memory_space<vmem>>, vector<16xi32>,
        %get3A_298 = arith.constant 64 : index
        %get3A_299 = tpu.vector_load %arg8[%get3A_298] {strides = array<i32>} : memref<256xf32, #tpu.memory_space<vmem>>, vector<16xf32>,
        %get3A_300 = vector.shape_cast %get3A_299 : vector<16xf32> to vector<16xf32>
        %convert_element_type3A_301 = arith.fptosi %get3A_300 : vector<16xf32> to vector<16xi32>
        %add3A_302 = vector.broadcast %mul3A_6 : i32 to vector<16xi32>
        %add3A_303 = arith.addi %convert_element_type3A_301, %add3A_302 : vector<16xi32>
        %swap3A_304 = arith.constant 64 : index
        %swap3A_305 = tpu.vector_load %arg10[%swap3A_304] {strides = array<i32>} : memref<256xi32, #tpu.memory_space<vmem>>, vector<16xi32>,
        %swap3A_306 = vector.shape_cast %swap3A_305 : vector<16xi32> to vector<16xi32>
        %swap3A_307 = vector.shape_cast %add3A_303 : vector<16xi32> to vector<16xi32>
        tpu.vector_store %arg10[%swap3A_304], %swap3A_307 {strides = array<i32>} : memref<256xi32, #tpu.memory_space<vmem>>, vector<16xi32>,
        %get3A_308 = arith.constant 80 : index
        %get3A_309 = tpu.vector_load %arg8[%get3A_308] {strides = array<i32>} : memref<256xf32, #tpu.memory_space<vmem>>, vector<16xf32>,
        %get3A_310 = vector.shape_cast %get3A_309 : vector<16xf32> to vector<16xf32>
        %convert_element_type3A_311 = arith.fptosi %get3A_310 : vector<16xf32> to vector<16xi32>
        %add3A_312 = vector.broadcast %mul3A_6 : i32 to vector<16xi32>
        %add3A_313 = arith.addi %convert_element_type3A_311, %add3A_312 : vector<16xi32>
        %swap3A_314 = arith.constant 80 : index
        %swap3A_315 = tpu.vector_load %arg10[%swap3A_314] {strides = array<i32>} : memref<256xi32, #tpu.memory_space<vmem>>, vector<16xi32>,
        %swap3A_316 = vector.shape_cast %swap3A_315 : vector<16xi32> to vector<16xi32>
        %swap3A_317 = vector.shape_cast %add3A_313 : vector<16xi32> to vector<16xi32>
        tpu.vector_store %arg10[%swap3A_314], %swap3A_317 {strides = array<i32>} : memref<256xi32, #tpu.memory_space<vmem>>, vector<16xi32>,
        %get3A_318 = arith.constant 96 : index
        %get3A_319 = tpu.vector_load %arg8[%get3A_318] {strides = array<i32>} : memref<256xf32, #tpu.memory_space<vmem>>, vector<16xf32>,
        %get3A_320 = vector.shape_cast %get3A_319 : vector<16xf32> to vector<16xf32>
        %convert_element_type3A_321 = arith.fptosi %get3A_320 : vector<16xf32> to vector<16xi32>
        %add3A_322 = vector.broadcast %mul3A_6 : i32 to vector<16xi32>
        %add3A_323 = arith.addi %convert_element_type3A_321, %add3A_322 : vector<16xi32>
        %swap3A_324 = arith.constant 96 : index
        %swap3A_325 = tpu.vector_load %arg10[%swap3A_324] {strides = array<i32>} : memref<256xi32, #tpu.memory_space<vmem>>, vector<16xi32>,
        %swap3A_326 = vector.shape_cast %swap3A_325 : vector<16xi32> to vector<16xi32>
        %swap3A_327 = vector.shape_cast %add3A_323 : vector<16xi32> to vector<16xi32>
        tpu.vector_store %arg10[%swap3A_324], %swap3A_327 {strides = array<i32>} : memref<256xi32, #tpu.memory_space<vmem>>, vector<16xi32>,
        %get3A_328 = arith.constant 112 : index
        %get3A_329 = tpu.vector_load %arg8[%get3A_328] {strides = array<i32>} : memref<256xf32, #tpu.memory_space<vmem>>, vector<16xf32>,
        %get3A_330 = vector.shape_cast %get3A_329 : vector<16xf32> to vector<16xf32>
        %convert_element_type3A_331 = arith.fptosi %get3A_330 : vector<16xf32> to vector<16xi32>
        %add3A_332 = vector.broadcast %mul3A_6 : i32 to vector<16xi32>
        %add3A_333 = arith.addi %convert_element_type3A_331, %add3A_332 : vector<16xi32>
        %swap3A_334 = arith.constant 112 : index
        %swap3A_335 = tpu.vector_load %arg10[%swap3A_334] {strides = array<i32>} : memref<256xi32, #tpu.memory_space<vmem>>, vector<16xi32>,
        %swap3A_336 = vector.shape_cast %swap3A_335 : vector<16xi32> to vector<16xi32>
        %swap3A_337 = vector.shape_cast %add3A_333 : vector<16xi32> to vector<16xi32>
        tpu.vector_store %arg10[%swap3A_334], %swap3A_337 {strides = array<i32>} : memref<256xi32, #tpu.memory_space<vmem>>, vector<16xi32>,
        %get3A_338 = arith.constant 128 : index
        %get3A_339 = tpu.vector_load %arg8[%get3A_338] {strides = array<i32>} : memref<256xf32, #tpu.memory_space<vmem>>, vector<16xf32>,
        %get3A_340 = vector.shape_cast %get3A_339 : vector<16xf32> to vector<16xf32>
        %convert_element_type3A_341 = arith.fptosi %get3A_340 : vector<16xf32> to vector<16xi32>
        %add3A_342 = vector.broadcast %mul3A_6 : i32 to vector<16xi32>
        %add3A_343 = arith.addi %convert_element_type3A_341, %add3A_342 : vector<16xi32>
        %swap3A_344 = arith.constant 128 : index
        %swap3A_345 = tpu.vector_load %arg10[%swap3A_344] {strides = array<i32>} : memref<256xi32, #tpu.memory_space<vmem>>, vector<16xi32>,
        %swap3A_346 = vector.shape_cast %swap3A_345 : vector<16xi32> to vector<16xi32>
        %swap3A_347 = vector.shape_cast %add3A_343 : vector<16xi32> to vector<16xi32>
        tpu.vector_store %arg10[%swap3A_344], %swap3A_347 {strides = array<i32>} : memref<256xi32, #tpu.memory_space<vmem>>, vector<16xi32>,
        %get3A_348 = arith.constant 144 : index
        %get3A_349 = tpu.vector_load %arg8[%get3A_348] {strides = array<i32>} : memref<256xf32, #tpu.memory_space<vmem>>, vector<16xf32>,
        %get3A_350 = vector.shape_cast %get3A_349 : vector<16xf32> to vector<16xf32>
        %convert_element_type3A_351 = arith.fptosi %get3A_350 : vector<16xf32> to vector<16xi32>
        %add3A_352 = vector.broadcast %mul3A_6 : i32 to vector<16xi32>
        %add3A_353 = arith.addi %convert_element_type3A_351, %add3A_352 : vector<16xi32>
        %swap3A_354 = arith.constant 144 : index
        %swap3A_355 = tpu.vector_load %arg10[%swap3A_354] {strides = array<i32>} : memref<256xi32, #tpu.memory_space<vmem>>, vector<16xi32>,
        %swap3A_356 = vector.shape_cast %swap3A_355 : vector<16xi32> to vector<16xi32>
        %swap3A_357 = vector.shape_cast %add3A_353 : vector<16xi32> to vector<16xi32>
        tpu.vector_store %arg10[%swap3A_354], %swap3A_357 {strides = array<i32>} : memref<256xi32, #tpu.memory_space<vmem>>, vector<16xi32>,
        %get3A_358 = arith.constant 160 : index
        %get3A_359 = tpu.vector_load %arg8[%get3A_358] {strides = array<i32>} : memref<256xf32, #tpu.memory_space<vmem>>, vector<16xf32>,
        %get3A_360 = vector.shape_cast %get3A_359 : vector<16xf32> to vector<16xf32>
        %convert_element_type3A_361 = arith.fptosi %get3A_360 : vector<16xf32> to vector<16xi32>
        %add3A_362 = vector.broadcast %mul3A_6 : i32 to vector<16xi32>
        %add3A_363 = arith.addi %convert_element_type3A_361, %add3A_362 : vector<16xi32>
        %swap3A_364 = arith.constant 160 : index
        %swap3A_365 = tpu.vector_load %arg10[%swap3A_364] {strides = array<i32>} : memref<256xi32, #tpu.memory_space<vmem>>, vector<16xi32>,
        %swap3A_366 = vector.shape_cast %swap3A_365 : vector<16xi32> to vector<16xi32>
        %swap3A_367 = vector.shape_cast %add3A_363 : vector<16xi32> to vector<16xi32>
        tpu.vector_store %arg10[%swap3A_364], %swap3A_367 {strides = array<i32>} : memref<256xi32, #tpu.memory_space<vmem>>, vector<16xi32>,
        %get3A_368 = arith.constant 176 : index
        %get3A_369 = tpu.vector_load %arg8[%get3A_368] {strides = array<i32>} : memref<256xf32, #tpu.memory_space<vmem>>, vector<16xf32>,
        %get3A_370 = vector.shape_cast %get3A_369 : vector<16xf32> to vector<16xf32>
        %convert_element_type3A_371 = arith.fptosi %get3A_370 : vector<16xf32> to vector<16xi32>
        %add3A_372 = vector.broadcast %mul3A_6 : i32 to vector<16xi32>
        %add3A_373 = arith.addi %convert_element_type3A_371, %add3A_372 : vector<16xi32>
        %swap3A_374 = arith.constant 176 : index
        %swap3A_375 = tpu.vector_load %arg10[%swap3A_374] {strides = array<i32>} : memref<256xi32, #tpu.memory_space<vmem>>, vector<16xi32>,
        %swap3A_376 = vector.shape_cast %swap3A_375 : vector<16xi32> to vector<16xi32>
        %swap3A_377 = vector.shape_cast %add3A_373 : vector<16xi32> to vector<16xi32>
        tpu.vector_store %arg10[%swap3A_374], %swap3A_377 {strides = array<i32>} : memref<256xi32, #tpu.memory_space<vmem>>, vector<16xi32>,
        %get3A_378 = arith.constant 192 : index
        %get3A_379 = tpu.vector_load %arg8[%get3A_378] {strides = array<i32>} : memref<256xf32, #tpu.memory_space<vmem>>, vector<16xf32>,
        %get3A_380 = vector.shape_cast %get3A_379 : vector<16xf32> to vector<16xf32>
        %convert_element_type3A_381 = arith.fptosi %get3A_380 : vector<16xf32> to vector<16xi32>
        %add3A_382 = vector.broadcast %mul3A_6 : i32 to vector<16xi32>
        %add3A_383 = arith.addi %convert_element_type3A_381, %add3A_382 : vector<16xi32>
        %swap3A_384 = arith.constant 192 : index
        %swap3A_385 = tpu.vector_load %arg10[%swap3A_384] {strides = array<i32>} : memref<256xi32, #tpu.memory_space<vmem>>, vector<16xi32>,
        %swap3A_386 = vector.shape_cast %swap3A_385 : vector<16xi32> to vector<16xi32>
        %swap3A_387 = vector.shape_cast %add3A_383 : vector<16xi32> to vector<16xi32>
        tpu.vector_store %arg10[%swap3A_384], %swap3A_387 {strides = array<i32>} : memref<256xi32, #tpu.memory_space<vmem>>, vector<16xi32>,
        %get3A_388 = arith.constant 208 : index
        %get3A_389 = tpu.vector_load %arg8[%get3A_388] {strides = array<i32>} : memref<256xf32, #tpu.memory_space<vmem>>, vector<16xf32>,
        %get3A_390 = vector.shape_cast %get3A_389 : vector<16xf32> to vector<16xf32>
        %convert_element_type3A_391 = arith.fptosi %get3A_390 : vector<16xf32> to vector<16xi32>
        %add3A_392 = vector.broadcast %mul3A_6 : i32 to vector<16xi32>
        %add3A_393 = arith.addi %convert_element_type3A_391, %add3A_392 : vector<16xi32>
        %swap3A_394 = arith.constant 208 : index
        %swap3A_395 = tpu.vector_load %arg10[%swap3A_394] {strides = array<i32>} : memref<256xi32, #tpu.memory_space<vmem>>, vector<16xi32>,
        %swap3A_396 = vector.shape_cast %swap3A_395 : vector<16xi32> to vector<16xi32>
        %swap3A_397 = vector.shape_cast %add3A_393 : vector<16xi32> to vector<16xi32>
        tpu.vector_store %arg10[%swap3A_394], %swap3A_397 {strides = array<i32>} : memref<256xi32, #tpu.memory_space<vmem>>, vector<16xi32>,
        %get3A_398 = arith.constant 224 : index
        %get3A_399 = tpu.vector_load %arg8[%get3A_398] {strides = array<i32>} : memref<256xf32, #tpu.memory_space<vmem>>, vector<16xf32>,
        %get3A_400 = vector.shape_cast %get3A_399 : vector<16xf32> to vector<16xf32>
        %convert_element_type3A_401 = arith.fptosi %get3A_400 : vector<16xf32> to vector<16xi32>
        %add3A_402 = vector.broadcast %mul3A_6 : i32 to vector<16xi32>
        %add3A_403 = arith.addi %convert_element_type3A_401, %add3A_402 : vector<16xi32>
        %swap3A_404 = arith.constant 224 : index
        %swap3A_405 = tpu.vector_load %arg10[%swap3A_404] {strides = array<i32>} : memref<256xi32, #tpu.memory_space<vmem>>, vector<16xi32>,
        %swap3A_406 = vector.shape_cast %swap3A_405 : vector<16xi32> to vector<16xi32>
        %swap3A_407 = vector.shape_cast %add3A_403 : vector<16xi32> to vector<16xi32>
        tpu.vector_store %arg10[%swap3A_404], %swap3A_407 {strides = array<i32>} : memref<256xi32, #tpu.memory_space<vmem>>, vector<16xi32>,
        %get3A_408 = arith.constant 240 : index
        %get3A_409 = tpu.vector_load %arg8[%get3A_408] {strides = array<i32>} : memref<256xf32, #tpu.memory_space<vmem>>, vector<16xf32>,
        %get3A_410 = vector.shape_cast %get3A_409 : vector<16xf32> to vector<16xf32>
        %convert_element_type3A_411 = arith.fptosi %get3A_410 : vector<16xf32> to vector<16xi32>
        %add3A_412 = vector.broadcast %mul3A_6 : i32 to vector<16xi32>
        %add3A_413 = arith.addi %convert_element_type3A_411, %add3A_412 : vector<16xi32>
        %swap3A_414 = arith.constant 240 : index
        %swap3A_415 = tpu.vector_load %arg10[%swap3A_414] {strides = array<i32>} : memref<256xi32, #tpu.memory_space<vmem>>, vector<16xi32>,
        %swap3A_416 = vector.shape_cast %swap3A_415 : vector<16xi32> to vector<16xi32>
        %swap3A_417 = vector.shape_cast %add3A_413 : vector<16xi32> to vector<16xi32>
        tpu.vector_store %arg10[%swap3A_414], %swap3A_417 {strides = array<i32>} : memref<256xi32, #tpu.memory_space<vmem>>, vector<16xi32>,
        %dma_start3A_418 = arith.constant 0 : i32
        %dma_start3A_419 = arith.constant 0 : i32
        %dma_start3A_420 = tpu.memref_slice %arg12[%dma_start3A_418, %dma_start3A_419] : memref<256x128xf32, #tpu.memory_space<vmem>> -> memref<128x128xf32, #tpu.memory_space<vmem>>
        %dma_start3A_421 = arith.constant 0 : i32
        %dma_start3A_422 = tpu.memref_slice %arg10[%dma_start3A_421] : memref<256xi32, #tpu.memory_space<vmem>> -> memref<128xi32, #tpu.memory_space<vmem>>
        %dma_start3A_423 = arith.constant 0 : i32
        %dma_start3A_424 = arith.constant 0 : i32
        %dma_start3A_425 = tpu.memref_slice %arg5[%dma_start3A_423, %dma_start3A_424] : memref<256x128xf32, #tpu.memory_space<vmem_shared>> -> memref<256x128xf32, #tpu.memory_space<vmem_shared>>
        tpu.enqueue_indirect_dma source(%dma_start3A_425 : memref<256x128xf32, #tpu.memory_space<vmem_shared>>) target(%dma_start3A_420 : memref<128x128xf32, #tpu.memory_space<vmem>>) offsets(%dma_start3A_422 : memref<128xi32, #tpu.memory_space<vmem>>) semaphore(%arg16 : memref<!tpu.dma_semaphore, #tpu.memory_space<semaphore_mem>>)
        %dma_start3A_426 = arith.constant 128 : i32
        %dma_start3A_427 = arith.constant 0 : i32
        %dma_start3A_428 = tpu.memref_slice %arg12[%dma_start3A_426, %dma_start3A_427] : memref<256x128xf32, #tpu.memory_space<vmem>> -> memref<128x128xf32, #tpu.memory_space<vmem>>
        %dma_start3A_429 = arith.constant 128 : i32
        %dma_start3A_430 = tpu.memref_slice %arg10[%dma_start3A_429] : memref<256xi32, #tpu.memory_space<vmem>> -> memref<128xi32, #tpu.memory_space<vmem>>
        %dma_start3A_431 = arith.constant 0 : i32
        %dma_start3A_432 = arith.constant 0 : i32
        %dma_start3A_433 = tpu.memref_slice %arg5[%dma_start3A_431, %dma_start3A_432] : memref<256x128xf32, #tpu.memory_space<vmem_shared>> -> memref<256x128xf32, #tpu.memory_space<vmem_shared>>
        tpu.enqueue_indirect_dma source(%dma_start3A_433 : memref<256x128xf32, #tpu.memory_space<vmem_shared>>) target(%dma_start3A_428 : memref<128x128xf32, #tpu.memory_space<vmem>>) offsets(%dma_start3A_430 : memref<128xi32, #tpu.memory_space<vmem>>) semaphore(%arg16 : memref<!tpu.dma_semaphore, #tpu.memory_space<semaphore_mem>>)
        %add3A_434 = arith.constant 1 : i32
        %add3A_435 = arith.addi %mul3A_231, %add3A_434 : i32
        %mul3A_436 = arith.constant 256 : i32
        %mul3A_437 = arith.muli %add3A_435, %mul3A_436 : i32
        %add3A_438 = arith.addi %mul3A_2, %mul3A_437 : i32
        %iota3A_439 = tpu.iota {dimensions = array<i32: 0>} : vector<16xi32>
        %mul3A_440 = arith.constant 8 : i32
        %mul3A_441 = vector.broadcast %mul3A_440 : i32 to vector<16xi32>
        %mul3A_442 = arith.muli %iota3A_439, %mul3A_441 : vector<16xi32>
        %add3A_443 = arith.constant 0 : i32
        %add3A_444 = arith.addi %add3A_438, %add3A_443 : i32
        %mul3A_445 = arith.constant 8 : i32
        %mul3A_446 = arith.muli %add3A_444, %mul3A_445 : i32
        %add3A_447 = arith.constant 7 : i32
        %add3A_448 = arith.addi %mul3A_446, %add3A_447 : i32
        %add3A_449 = vector.broadcast %add3A_448 : i32 to vector<16xi32>
        %add3A_450 = arith.addi %mul3A_442, %add3A_449 : vector<16xi32>
        %swap3A_451 = arith.constant 0 : index
        %swap3A_452 = tpu.vector_load %arg7[%swap3A_451] {strides = array<i32>} : memref<256xi32, #tpu.memory_space<vmem>>, vector<16xi32>,
        %swap3A_453 = vector.shape_cast %swap3A_452 : vector<16xi32> to vector<16xi32>
        %swap3A_454 = vector.shape_cast %add3A_450 : vector<16xi32> to vector<16xi32>
        tpu.vector_store %arg7[%swap3A_451], %swap3A_454 {strides = array<i32>} : memref<256xi32, #tpu.memory_space<vmem>>, vector<16xi32>,
        %add3A_455 = arith.constant 16 : i32
        %add3A_456 = arith.addi %add3A_438, %add3A_455 : i32
        %mul3A_457 = arith.constant 8 : i32
        %mul3A_458 = arith.muli %add3A_456, %mul3A_457 : i32
        %add3A_459 = arith.constant 7 : i32
        %add3A_460 = arith.addi %mul3A_458, %add3A_459 : i32
        %add3A_461 = vector.broadcast %add3A_460 : i32 to vector<16xi32>
        %add3A_462 = arith.addi %mul3A_442, %add3A_461 : vector<16xi32>
        %swap3A_463 = arith.constant 16 : index
        %swap3A_464 = tpu.vector_load %arg7[%swap3A_463] {strides = array<i32>} : memref<256xi32, #tpu.memory_space<vmem>>, vector<16xi32>,
        %swap3A_465 = vector.shape_cast %swap3A_464 : vector<16xi32> to vector<16xi32>
        %swap3A_466 = vector.shape_cast %add3A_462 : vector<16xi32> to vector<16xi32>
        tpu.vector_store %arg7[%swap3A_463], %swap3A_466 {strides = array<i32>} : memref<256xi32, #tpu.memory_space<vmem>>, vector<16xi32>,
        %add3A_467 = arith.constant 32 : i32
        %add3A_468 = arith.addi %add3A_438, %add3A_467 : i32
        %mul3A_469 = arith.constant 8 : i32
        %mul3A_470 = arith.muli %add3A_468, %mul3A_469 : i32
        %add3A_471 = arith.constant 7 : i32
        %add3A_472 = arith.addi %mul3A_470, %add3A_471 : i32
        %add3A_473 = vector.broadcast %add3A_472 : i32 to vector<16xi32>
        %add3A_474 = arith.addi %mul3A_442, %add3A_473 : vector<16xi32>
        %swap3A_475 = arith.constant 32 : index
        %swap3A_476 = tpu.vector_load %arg7[%swap3A_475] {strides = array<i32>} : memref<256xi32, #tpu.memory_space<vmem>>, vector<16xi32>,
        %swap3A_477 = vector.shape_cast %swap3A_476 : vector<16xi32> to vector<16xi32>
        %swap3A_478 = vector.shape_cast %add3A_474 : vector<16xi32> to vector<16xi32>
        tpu.vector_store %arg7[%swap3A_475], %swap3A_478 {strides = array<i32>} : memref<256xi32, #tpu.memory_space<vmem>>, vector<16xi32>,
        %add3A_479 = arith.constant 48 : i32
        %add3A_480 = arith.addi %add3A_438, %add3A_479 : i32
        %mul3A_481 = arith.constant 8 : i32
        %mul3A_482 = arith.muli %add3A_480, %mul3A_481 : i32
        %add3A_483 = arith.constant 7 : i32
        %add3A_484 = arith.addi %mul3A_482, %add3A_483 : i32
        %add3A_485 = vector.broadcast %add3A_484 : i32 to vector<16xi32>
        %add3A_486 = arith.addi %mul3A_442, %add3A_485 : vector<16xi32>
        %swap3A_487 = arith.constant 48 : index
        %swap3A_488 = tpu.vector_load %arg7[%swap3A_487] {strides = array<i32>} : memref<256xi32, #tpu.memory_space<vmem>>, vector<16xi32>,
        %swap3A_489 = vector.shape_cast %swap3A_488 : vector<16xi32> to vector<16xi32>
        %swap3A_490 = vector.shape_cast %add3A_486 : vector<16xi32> to vector<16xi32>
        tpu.vector_store %arg7[%swap3A_487], %swap3A_490 {strides = array<i32>} : memref<256xi32, #tpu.memory_space<vmem>>, vector<16xi32>,
        %add3A_491 = arith.constant 64 : i32
        %add3A_492 = arith.addi %add3A_438, %add3A_491 : i32
        %mul3A_493 = arith.constant 8 : i32
        %mul3A_494 = arith.muli %add3A_492, %mul3A_493 : i32
        %add3A_495 = arith.constant 7 : i32
        %add3A_496 = arith.addi %mul3A_494, %add3A_495 : i32
        %add3A_497 = vector.broadcast %add3A_496 : i32 to vector<16xi32>
        %add3A_498 = arith.addi %mul3A_442, %add3A_497 : vector<16xi32>
        %swap3A_499 = arith.constant 64 : index
        %swap3A_500 = tpu.vector_load %arg7[%swap3A_499] {strides = array<i32>} : memref<256xi32, #tpu.memory_space<vmem>>, vector<16xi32>,
        %swap3A_501 = vector.shape_cast %swap3A_500 : vector<16xi32> to vector<16xi32>
        %swap3A_502 = vector.shape_cast %add3A_498 : vector<16xi32> to vector<16xi32>
        tpu.vector_store %arg7[%swap3A_499], %swap3A_502 {strides = array<i32>} : memref<256xi32, #tpu.memory_space<vmem>>, vector<16xi32>,
        %add3A_503 = arith.constant 80 : i32
        %add3A_504 = arith.addi %add3A_438, %add3A_503 : i32
        %mul3A_505 = arith.constant 8 : i32
        %mul3A_506 = arith.muli %add3A_504, %mul3A_505 : i32
        %add3A_507 = arith.constant 7 : i32
        %add3A_508 = arith.addi %mul3A_506, %add3A_507 : i32
        %add3A_509 = vector.broadcast %add3A_508 : i32 to vector<16xi32>
        %add3A_510 = arith.addi %mul3A_442, %add3A_509 : vector<16xi32>
        %swap3A_511 = arith.constant 80 : index
        %swap3A_512 = tpu.vector_load %arg7[%swap3A_511] {strides = array<i32>} : memref<256xi32, #tpu.memory_space<vmem>>, vector<16xi32>,
        %swap3A_513 = vector.shape_cast %swap3A_512 : vector<16xi32> to vector<16xi32>
        %swap3A_514 = vector.shape_cast %add3A_510 : vector<16xi32> to vector<16xi32>
        tpu.vector_store %arg7[%swap3A_511], %swap3A_514 {strides = array<i32>} : memref<256xi32, #tpu.memory_space<vmem>>, vector<16xi32>,
        %add3A_515 = arith.constant 96 : i32
        %add3A_516 = arith.addi %add3A_438, %add3A_515 : i32
        %mul3A_517 = arith.constant 8 : i32
        %mul3A_518 = arith.muli %add3A_516, %mul3A_517 : i32
        %add3A_519 = arith.constant 7 : i32
        %add3A_520 = arith.addi %mul3A_518, %add3A_519 : i32
        %add3A_521 = vector.broadcast %add3A_520 : i32 to vector<16xi32>
        %add3A_522 = arith.addi %mul3A_442, %add3A_521 : vector<16xi32>
        %swap3A_523 = arith.constant 96 : index
        %swap3A_524 = tpu.vector_load %arg7[%swap3A_523] {strides = array<i32>} : memref<256xi32, #tpu.memory_space<vmem>>, vector<16xi32>,
        %swap3A_525 = vector.shape_cast %swap3A_524 : vector<16xi32> to vector<16xi32>
        %swap3A_526 = vector.shape_cast %add3A_522 : vector<16xi32> to vector<16xi32>
        tpu.vector_store %arg7[%swap3A_523], %swap3A_526 {strides = array<i32>} : memref<256xi32, #tpu.memory_space<vmem>>, vector<16xi32>,
        %add3A_527 = arith.constant 112 : i32
        %add3A_528 = arith.addi %add3A_438, %add3A_527 : i32
        %mul3A_529 = arith.constant 8 : i32
        %mul3A_530 = arith.muli %add3A_528, %mul3A_529 : i32
        %add3A_531 = arith.constant 7 : i32
        %add3A_532 = arith.addi %mul3A_530, %add3A_531 : i32
        %add3A_533 = vector.broadcast %add3A_532 : i32 to vector<16xi32>
        %add3A_534 = arith.addi %mul3A_442, %add3A_533 : vector<16xi32>
        %swap3A_535 = arith.constant 112 : index
        %swap3A_536 = tpu.vector_load %arg7[%swap3A_535] {strides = array<i32>} : memref<256xi32, #tpu.memory_space<vmem>>, vector<16xi32>,
        %swap3A_537 = vector.shape_cast %swap3A_536 : vector<16xi32> to vector<16xi32>
        %swap3A_538 = vector.shape_cast %add3A_534 : vector<16xi32> to vector<16xi32>
        tpu.vector_store %arg7[%swap3A_535], %swap3A_538 {strides = array<i32>} : memref<256xi32, #tpu.memory_space<vmem>>, vector<16xi32>,
        %add3A_539 = arith.constant 128 : i32
        %add3A_540 = arith.addi %add3A_438, %add3A_539 : i32
        %mul3A_541 = arith.constant 8 : i32
        %mul3A_542 = arith.muli %add3A_540, %mul3A_541 : i32
        %add3A_543 = arith.constant 7 : i32
        %add3A_544 = arith.addi %mul3A_542, %add3A_543 : i32
        %add3A_545 = vector.broadcast %add3A_544 : i32 to vector<16xi32>
        %add3A_546 = arith.addi %mul3A_442, %add3A_545 : vector<16xi32>
        %swap3A_547 = arith.constant 128 : index
        %swap3A_548 = tpu.vector_load %arg7[%swap3A_547] {strides = array<i32>} : memref<256xi32, #tpu.memory_space<vmem>>, vector<16xi32>,
        %swap3A_549 = vector.shape_cast %swap3A_548 : vector<16xi32> to vector<16xi32>
        %swap3A_550 = vector.shape_cast %add3A_546 : vector<16xi32> to vector<16xi32>
        tpu.vector_store %arg7[%swap3A_547], %swap3A_550 {strides = array<i32>} : memref<256xi32, #tpu.memory_space<vmem>>, vector<16xi32>,
        %add3A_551 = arith.constant 144 : i32
        %add3A_552 = arith.addi %add3A_438, %add3A_551 : i32
        %mul3A_553 = arith.constant 8 : i32
        %mul3A_554 = arith.muli %add3A_552, %mul3A_553 : i32
        %add3A_555 = arith.constant 7 : i32
        %add3A_556 = arith.addi %mul3A_554, %add3A_555 : i32
        %add3A_557 = vector.broadcast %add3A_556 : i32 to vector<16xi32>
        %add3A_558 = arith.addi %mul3A_442, %add3A_557 : vector<16xi32>
        %swap3A_559 = arith.constant 144 : index
        %swap3A_560 = tpu.vector_load %arg7[%swap3A_559] {strides = array<i32>} : memref<256xi32, #tpu.memory_space<vmem>>, vector<16xi32>,
        %swap3A_561 = vector.shape_cast %swap3A_560 : vector<16xi32> to vector<16xi32>
        %swap3A_562 = vector.shape_cast %add3A_558 : vector<16xi32> to vector<16xi32>
        tpu.vector_store %arg7[%swap3A_559], %swap3A_562 {strides = array<i32>} : memref<256xi32, #tpu.memory_space<vmem>>, vector<16xi32>,
        %add3A_563 = arith.constant 160 : i32
        %add3A_564 = arith.addi %add3A_438, %add3A_563 : i32
        %mul3A_565 = arith.constant 8 : i32
        %mul3A_566 = arith.muli %add3A_564, %mul3A_565 : i32
        %add3A_567 = arith.constant 7 : i32
        %add3A_568 = arith.addi %mul3A_566, %add3A_567 : i32
        %add3A_569 = vector.broadcast %add3A_568 : i32 to vector<16xi32>
        %add3A_570 = arith.addi %mul3A_442, %add3A_569 : vector<16xi32>
        %swap3A_571 = arith.constant 160 : index
        %swap3A_572 = tpu.vector_load %arg7[%swap3A_571] {strides = array<i32>} : memref<256xi32, #tpu.memory_space<vmem>>, vector<16xi32>,
        %swap3A_573 = vector.shape_cast %swap3A_572 : vector<16xi32> to vector<16xi32>
        %swap3A_574 = vector.shape_cast %add3A_570 : vector<16xi32> to vector<16xi32>
        tpu.vector_store %arg7[%swap3A_571], %swap3A_574 {strides = array<i32>} : memref<256xi32, #tpu.memory_space<vmem>>, vector<16xi32>,
        %add3A_575 = arith.constant 176 : i32
        %add3A_576 = arith.addi %add3A_438, %add3A_575 : i32
        %mul3A_577 = arith.constant 8 : i32
        %mul3A_578 = arith.muli %add3A_576, %mul3A_577 : i32
        %add3A_579 = arith.constant 7 : i32
        %add3A_580 = arith.addi %mul3A_578, %add3A_579 : i32
        %add3A_581 = vector.broadcast %add3A_580 : i32 to vector<16xi32>
        %add3A_582 = arith.addi %mul3A_442, %add3A_581 : vector<16xi32>
        %swap3A_583 = arith.constant 176 : index
        %swap3A_584 = tpu.vector_load %arg7[%swap3A_583] {strides = array<i32>} : memref<256xi32, #tpu.memory_space<vmem>>, vector<16xi32>,
        %swap3A_585 = vector.shape_cast %swap3A_584 : vector<16xi32> to vector<16xi32>
        %swap3A_586 = vector.shape_cast %add3A_582 : vector<16xi32> to vector<16xi32>
        tpu.vector_store %arg7[%swap3A_583], %swap3A_586 {strides = array<i32>} : memref<256xi32, #tpu.memory_space<vmem>>, vector<16xi32>,
        %add3A_587 = arith.constant 192 : i32
        %add3A_588 = arith.addi %add3A_438, %add3A_587 : i32
        %mul3A_589 = arith.constant 8 : i32
        %mul3A_590 = arith.muli %add3A_588, %mul3A_589 : i32
        %add3A_591 = arith.constant 7 : i32
        %add3A_592 = arith.addi %mul3A_590, %add3A_591 : i32
        %add3A_593 = vector.broadcast %add3A_592 : i32 to vector<16xi32>
        %add3A_594 = arith.addi %mul3A_442, %add3A_593 : vector<16xi32>
        %swap3A_595 = arith.constant 192 : index
        %swap3A_596 = tpu.vector_load %arg7[%swap3A_595] {strides = array<i32>} : memref<256xi32, #tpu.memory_space<vmem>>, vector<16xi32>,
        %swap3A_597 = vector.shape_cast %swap3A_596 : vector<16xi32> to vector<16xi32>
        %swap3A_598 = vector.shape_cast %add3A_594 : vector<16xi32> to vector<16xi32>
        tpu.vector_store %arg7[%swap3A_595], %swap3A_598 {strides = array<i32>} : memref<256xi32, #tpu.memory_space<vmem>>, vector<16xi32>,
        %add3A_599 = arith.constant 208 : i32
        %add3A_600 = arith.addi %add3A_438, %add3A_599 : i32
        %mul3A_601 = arith.constant 8 : i32
        %mul3A_602 = arith.muli %add3A_600, %mul3A_601 : i32
        %add3A_603 = arith.constant 7 : i32
        %add3A_604 = arith.addi %mul3A_602, %add3A_603 : i32
        %add3A_605 = vector.broadcast %add3A_604 : i32 to vector<16xi32>
        %add3A_606 = arith.addi %mul3A_442, %add3A_605 : vector<16xi32>
        %swap3A_607 = arith.constant 208 : index
        %swap3A_608 = tpu.vector_load %arg7[%swap3A_607] {strides = array<i32>} : memref<256xi32, #tpu.memory_space<vmem>>, vector<16xi32>,
        %swap3A_609 = vector.shape_cast %swap3A_608 : vector<16xi32> to vector<16xi32>
        %swap3A_610 = vector.shape_cast %add3A_606 : vector<16xi32> to vector<16xi32>
        tpu.vector_store %arg7[%swap3A_607], %swap3A_610 {strides = array<i32>} : memref<256xi32, #tpu.memory_space<vmem>>, vector<16xi32>,
        %add3A_611 = arith.constant 224 : i32
        %add3A_612 = arith.addi %add3A_438, %add3A_611 : i32
        %mul3A_613 = arith.constant 8 : i32
        %mul3A_614 = arith.muli %add3A_612, %mul3A_613 : i32
        %add3A_615 = arith.constant 7 : i32
        %add3A_616 = arith.addi %mul3A_614, %add3A_615 : i32
        %add3A_617 = vector.broadcast %add3A_616 : i32 to vector<16xi32>
        %add3A_618 = arith.addi %mul3A_442, %add3A_617 : vector<16xi32>
        %swap3A_619 = arith.constant 224 : index
        %swap3A_620 = tpu.vector_load %arg7[%swap3A_619] {strides = array<i32>} : memref<256xi32, #tpu.memory_space<vmem>>, vector<16xi32>,
        %swap3A_621 = vector.shape_cast %swap3A_620 : vector<16xi32> to vector<16xi32>
        %swap3A_622 = vector.shape_cast %add3A_618 : vector<16xi32> to vector<16xi32>
        tpu.vector_store %arg7[%swap3A_619], %swap3A_622 {strides = array<i32>} : memref<256xi32, #tpu.memory_space<vmem>>, vector<16xi32>,
        %add3A_623 = arith.constant 240 : i32
        %add3A_624 = arith.addi %add3A_438, %add3A_623 : i32
        %mul3A_625 = arith.constant 8 : i32
        %mul3A_626 = arith.muli %add3A_624, %mul3A_625 : i32
        %add3A_627 = arith.constant 7 : i32
        %add3A_628 = arith.addi %mul3A_626, %add3A_627 : i32
        %add3A_629 = vector.broadcast %add3A_628 : i32 to vector<16xi32>
        %add3A_630 = arith.addi %mul3A_442, %add3A_629 : vector<16xi32>
        %swap3A_631 = arith.constant 240 : index
        %swap3A_632 = tpu.vector_load %arg7[%swap3A_631] {strides = array<i32>} : memref<256xi32, #tpu.memory_space<vmem>>, vector<16xi32>,
        %swap3A_633 = vector.shape_cast %swap3A_632 : vector<16xi32> to vector<16xi32>
        %swap3A_634 = vector.shape_cast %add3A_630 : vector<16xi32> to vector<16xi32>
        tpu.vector_store %arg7[%swap3A_631], %swap3A_634 {strides = array<i32>} : memref<256xi32, #tpu.memory_space<vmem>>, vector<16xi32>,
        %dma_start3A_635 = arith.constant 0 : i32
        %dma_start3A_636 = tpu.memref_slice %arg9[%dma_start3A_635] : memref<256xf32, #tpu.memory_space<vmem>> -> memref<128xf32, #tpu.memory_space<vmem>>
        %dma_start3A_637 = arith.constant 0 : i32
        %dma_start3A_638 = tpu.memref_slice %arg7[%dma_start3A_637] : memref<256xi32, #tpu.memory_space<vmem>> -> memref<128xi32, #tpu.memory_space<vmem>>
        %dma_start3A_639 = arith.constant 0 : i32
        %dma_start3A_640 = tpu.memref_slice %arg2[%dma_start3A_639] : memref<26214400xf32, #tpu.memory_space<hbm>> -> memref<26214400xf32, #tpu.memory_space<hbm>>
        tpu.enqueue_indirect_dma source(%dma_start3A_640 : memref<26214400xf32, #tpu.memory_space<hbm>>) target(%dma_start3A_636 : memref<128xf32, #tpu.memory_space<vmem>>) offsets(%dma_start3A_638 : memref<128xi32, #tpu.memory_space<vmem>>) semaphore(%arg15 : memref<!tpu.dma_semaphore, #tpu.memory_space<semaphore_mem>>)
        %dma_start3A_641 = arith.constant 128 : i32
        %dma_start3A_642 = tpu.memref_slice %arg9[%dma_start3A_641] : memref<256xf32, #tpu.memory_space<vmem>> -> memref<128xf32, #tpu.memory_space<vmem>>
        %dma_start3A_643 = arith.constant 128 : i32
        %dma_start3A_644 = tpu.memref_slice %arg7[%dma_start3A_643] : memref<256xi32, #tpu.memory_space<vmem>> -> memref<128xi32, #tpu.memory_space<vmem>>
        %dma_start3A_645 = arith.constant 0 : i32
        %dma_start3A_646 = tpu.memref_slice %arg2[%dma_start3A_645] : memref<26214400xf32, #tpu.memory_space<hbm>> -> memref<26214400xf32, #tpu.memory_space<hbm>>
        tpu.enqueue_indirect_dma source(%dma_start3A_646 : memref<26214400xf32, #tpu.memory_space<hbm>>) target(%dma_start3A_642 : memref<128xf32, #tpu.memory_space<vmem>>) offsets(%dma_start3A_644 : memref<128xi32, #tpu.memory_space<vmem>>) semaphore(%arg15 : memref<!tpu.dma_semaphore, #tpu.memory_space<semaphore_mem>>)
        %dma_wait3A_647 = arith.constant 0 : i32
        %dma_wait3A_648 = arith.constant 0 : i32
        %dma_wait3A_649 = tpu.memref_slice %arg12[%dma_wait3A_647, %dma_wait3A_648] : memref<256x128xf32, #tpu.memory_space<vmem>> -> memref<128x128xf32, #tpu.memory_space<vmem>>
        %dma_wait3A_650 = arith.constant 0 : i32
        %dma_wait3A_651 = tpu.memref_slice %arg10[%dma_wait3A_650] : memref<256xi32, #tpu.memory_space<vmem>> -> memref<128xi32, #tpu.memory_space<vmem>>
        %dma_wait3A_652 = arith.constant 0 : i32
        %dma_wait3A_653 = arith.constant 0 : i32
        %dma_wait3A_654 = tpu.memref_slice %arg5[%dma_wait3A_652, %dma_wait3A_653] : memref<256x128xf32, #tpu.memory_space<vmem_shared>> -> memref<256x128xf32, #tpu.memory_space<vmem_shared>>
        tpu.wait_indirect_dma semaphore(%arg16 : memref<!tpu.dma_semaphore, #tpu.memory_space<semaphore_mem>>) src(%dma_wait3A_654 : memref<256x128xf32, #tpu.memory_space<vmem_shared>>) dst(%dma_wait3A_649 : memref<128x128xf32, #tpu.memory_space<vmem>>)
        %dma_wait3A_655 = arith.constant 128 : i32
        %dma_wait3A_656 = arith.constant 0 : i32
        %dma_wait3A_657 = tpu.memref_slice %arg12[%dma_wait3A_655, %dma_wait3A_656] : memref<256x128xf32, #tpu.memory_space<vmem>> -> memref<128x128xf32, #tpu.memory_space<vmem>>
        %dma_wait3A_658 = arith.constant 128 : i32
        %dma_wait3A_659 = tpu.memref_slice %arg10[%dma_wait3A_658] : memref<256xi32, #tpu.memory_space<vmem>> -> memref<128xi32, #tpu.memory_space<vmem>>
        %dma_wait3A_660 = arith.constant 0 : i32
        %dma_wait3A_661 = arith.constant 0 : i32
        %dma_wait3A_662 = tpu.memref_slice %arg5[%dma_wait3A_660, %dma_wait3A_661] : memref<256x128xf32, #tpu.memory_space<vmem_shared>> -> memref<256x128xf32, #tpu.memory_space<vmem_shared>>
        tpu.wait_indirect_dma semaphore(%arg16 : memref<!tpu.dma_semaphore, #tpu.memory_space<semaphore_mem>>) src(%dma_wait3A_662 : memref<256x128xf32, #tpu.memory_space<vmem_shared>>) dst(%dma_wait3A_657 : memref<128x128xf32, #tpu.memory_space<vmem>>)
        %dma_start3A_663 = arith.constant 0 : i32
        %dma_start3A_664 = tpu.memref_slice %arg4[%add3A_246, %dma_start3A_663] : memref<32768x128xf32, #tpu.memory_space<hbm>> -> memref<256x128xf32, #tpu.memory_space<hbm>>
        %dma_start3A_665 = arith.constant 0 : i32
        %dma_start3A_666 = tpu.memref_slice %arg4[%add3A_246, %dma_start3A_665] : memref<32768x128xf32, #tpu.memory_space<hbm>> -> memref<256x128xf32, #tpu.memory_space<hbm>>
        tpu.enqueue_dma source(%arg12 : memref<256x128xf32, #tpu.memory_space<vmem>>) target(%dma_start3A_666 : memref<256x128xf32, #tpu.memory_space<hbm>>) target_semaphore(%arg18 : memref<!tpu.dma_semaphore, #tpu.memory_space<semaphore_mem>>)
        %add3A_667 = arith.constant 1 : i32
        %add3A_668 = arith.addi %mul3A_231, %add3A_667 : i32
        %mul3A_669 = arith.constant 256 : i32
        %mul3A_670 = arith.muli %add3A_668, %mul3A_669 : i32
        %add3A_671 = arith.addi %mul3A_2, %mul3A_670 : i32
        %dma_wait3A_672 = arith.constant 0 : i32
        %dma_wait3A_673 = tpu.memref_slice %arg9[%dma_wait3A_672] : memref<256xf32, #tpu.memory_space<vmem>> -> memref<128xf32, #tpu.memory_space<vmem>>
        %dma_wait3A_674 = arith.constant 0 : i32
        %dma_wait3A_675 = tpu.memref_slice %arg7[%dma_wait3A_674] : memref<256xi32, #tpu.memory_space<vmem>> -> memref<128xi32, #tpu.memory_space<vmem>>
        %dma_wait3A_676 = arith.constant 0 : i32
        %dma_wait3A_677 = tpu.memref_slice %arg2[%dma_wait3A_676] : memref<26214400xf32, #tpu.memory_space<hbm>> -> memref<26214400xf32, #tpu.memory_space<hbm>>
        tpu.wait_indirect_dma semaphore(%arg15 : memref<!tpu.dma_semaphore, #tpu.memory_space<semaphore_mem>>) src(%dma_wait3A_677 : memref<26214400xf32, #tpu.memory_space<hbm>>) dst(%dma_wait3A_673 : memref<128xf32, #tpu.memory_space<vmem>>)
        %dma_wait3A_678 = arith.constant 128 : i32
        %dma_wait3A_679 = tpu.memref_slice %arg9[%dma_wait3A_678] : memref<256xf32, #tpu.memory_space<vmem>> -> memref<128xf32, #tpu.memory_space<vmem>>
        %dma_wait3A_680 = arith.constant 128 : i32
        %dma_wait3A_681 = tpu.memref_slice %arg7[%dma_wait3A_680] : memref<256xi32, #tpu.memory_space<vmem>> -> memref<128xi32, #tpu.memory_space<vmem>>
        %dma_wait3A_682 = arith.constant 0 : i32
        %dma_wait3A_683 = tpu.memref_slice %arg2[%dma_wait3A_682] : memref<26214400xf32, #tpu.memory_space<hbm>> -> memref<26214400xf32, #tpu.memory_space<hbm>>
        tpu.wait_indirect_dma semaphore(%arg15 : memref<!tpu.dma_semaphore, #tpu.memory_space<semaphore_mem>>) src(%dma_wait3A_683 : memref<26214400xf32, #tpu.memory_space<hbm>>) dst(%dma_wait3A_679 : memref<128xf32, #tpu.memory_space<vmem>>)
        %get3A_684 = arith.constant 0 : index
        %get3A_685 = tpu.vector_load %arg9[%get3A_684] {strides = array<i32>} : memref<256xf32, #tpu.memory_space<vmem>>, vector<16xf32>,
        %get3A_686 = vector.shape_cast %get3A_685 : vector<16xf32> to vector<16xf32>
        %convert_element_type3A_687 = arith.fptosi %get3A_686 : vector<16xf32> to vector<16xi32>
        %add3A_688 = vector.broadcast %mul3A_6 : i32 to vector<16xi32>
        %add3A_689 = arith.addi %convert_element_type3A_687, %add3A_688 : vector<16xi32>
        %swap3A_690 = arith.constant 0 : index
        %swap3A_691 = tpu.vector_load %arg11[%swap3A_690] {strides = array<i32>} : memref<256xi32, #tpu.memory_space<vmem>>, vector<16xi32>,
        %swap3A_692 = vector.shape_cast %swap3A_691 : vector<16xi32> to vector<16xi32>
        %swap3A_693 = vector.shape_cast %add3A_689 : vector<16xi32> to vector<16xi32>
        tpu.vector_store %arg11[%swap3A_690], %swap3A_693 {strides = array<i32>} : memref<256xi32, #tpu.memory_space<vmem>>, vector<16xi32>,
        %get3A_694 = arith.constant 16 : index
        %get3A_695 = tpu.vector_load %arg9[%get3A_694] {strides = array<i32>} : memref<256xf32, #tpu.memory_space<vmem>>, vector<16xf32>,
        %get3A_696 = vector.shape_cast %get3A_695 : vector<16xf32> to vector<16xf32>
        %convert_element_type3A_697 = arith.fptosi %get3A_696 : vector<16xf32> to vector<16xi32>
        %add3A_698 = vector.broadcast %mul3A_6 : i32 to vector<16xi32>
        %add3A_699 = arith.addi %convert_element_type3A_697, %add3A_698 : vector<16xi32>
        %swap3A_700 = arith.constant 16 : index
        %swap3A_701 = tpu.vector_load %arg11[%swap3A_700] {strides = array<i32>} : memref<256xi32, #tpu.memory_space<vmem>>, vector<16xi32>,
        %swap3A_702 = vector.shape_cast %swap3A_701 : vector<16xi32> to vector<16xi32>
        %swap3A_703 = vector.shape_cast %add3A_699 : vector<16xi32> to vector<16xi32>
        tpu.vector_store %arg11[%swap3A_700], %swap3A_703 {strides = array<i32>} : memref<256xi32, #tpu.memory_space<vmem>>, vector<16xi32>,
        %get3A_704 = arith.constant 32 : index
        %get3A_705 = tpu.vector_load %arg9[%get3A_704] {strides = array<i32>} : memref<256xf32, #tpu.memory_space<vmem>>, vector<16xf32>,
        %get3A_706 = vector.shape_cast %get3A_705 : vector<16xf32> to vector<16xf32>
        %convert_element_type3A_707 = arith.fptosi %get3A_706 : vector<16xf32> to vector<16xi32>
        %add3A_708 = vector.broadcast %mul3A_6 : i32 to vector<16xi32>
        %add3A_709 = arith.addi %convert_element_type3A_707, %add3A_708 : vector<16xi32>
        %swap3A_710 = arith.constant 32 : index
        %swap3A_711 = tpu.vector_load %arg11[%swap3A_710] {strides = array<i32>} : memref<256xi32, #tpu.memory_space<vmem>>, vector<16xi32>,
        %swap3A_712 = vector.shape_cast %swap3A_711 : vector<16xi32> to vector<16xi32>
        %swap3A_713 = vector.shape_cast %add3A_709 : vector<16xi32> to vector<16xi32>
        tpu.vector_store %arg11[%swap3A_710], %swap3A_713 {strides = array<i32>} : memref<256xi32, #tpu.memory_space<vmem>>, vector<16xi32>,
        %get3A_714 = arith.constant 48 : index
        %get3A_715 = tpu.vector_load %arg9[%get3A_714] {strides = array<i32>} : memref<256xf32, #tpu.memory_space<vmem>>, vector<16xf32>,
        %get3A_716 = vector.shape_cast %get3A_715 : vector<16xf32> to vector<16xf32>
        %convert_element_type3A_717 = arith.fptosi %get3A_716 : vector<16xf32> to vector<16xi32>
        %add3A_718 = vector.broadcast %mul3A_6 : i32 to vector<16xi32>
        %add3A_719 = arith.addi %convert_element_type3A_717, %add3A_718 : vector<16xi32>
        %swap3A_720 = arith.constant 48 : index
        %swap3A_721 = tpu.vector_load %arg11[%swap3A_720] {strides = array<i32>} : memref<256xi32, #tpu.memory_space<vmem>>, vector<16xi32>,
        %swap3A_722 = vector.shape_cast %swap3A_721 : vector<16xi32> to vector<16xi32>
        %swap3A_723 = vector.shape_cast %add3A_719 : vector<16xi32> to vector<16xi32>
        tpu.vector_store %arg11[%swap3A_720], %swap3A_723 {strides = array<i32>} : memref<256xi32, #tpu.memory_space<vmem>>, vector<16xi32>,
        %get3A_724 = arith.constant 64 : index
        %get3A_725 = tpu.vector_load %arg9[%get3A_724] {strides = array<i32>} : memref<256xf32, #tpu.memory_space<vmem>>, vector<16xf32>,
        %get3A_726 = vector.shape_cast %get3A_725 : vector<16xf32> to vector<16xf32>
        %convert_element_type3A_727 = arith.fptosi %get3A_726 : vector<16xf32> to vector<16xi32>
        %add3A_728 = vector.broadcast %mul3A_6 : i32 to vector<16xi32>
        %add3A_729 = arith.addi %convert_element_type3A_727, %add3A_728 : vector<16xi32>
        %swap3A_730 = arith.constant 64 : index
        %swap3A_731 = tpu.vector_load %arg11[%swap3A_730] {strides = array<i32>} : memref<256xi32, #tpu.memory_space<vmem>>, vector<16xi32>,
        %swap3A_732 = vector.shape_cast %swap3A_731 : vector<16xi32> to vector<16xi32>
        %swap3A_733 = vector.shape_cast %add3A_729 : vector<16xi32> to vector<16xi32>
        tpu.vector_store %arg11[%swap3A_730], %swap3A_733 {strides = array<i32>} : memref<256xi32, #tpu.memory_space<vmem>>, vector<16xi32>,
        %get3A_734 = arith.constant 80 : index
        %get3A_735 = tpu.vector_load %arg9[%get3A_734] {strides = array<i32>} : memref<256xf32, #tpu.memory_space<vmem>>, vector<16xf32>,
        %get3A_736 = vector.shape_cast %get3A_735 : vector<16xf32> to vector<16xf32>
        %convert_element_type3A_737 = arith.fptosi %get3A_736 : vector<16xf32> to vector<16xi32>
        %add3A_738 = vector.broadcast %mul3A_6 : i32 to vector<16xi32>
        %add3A_739 = arith.addi %convert_element_type3A_737, %add3A_738 : vector<16xi32>
        %swap3A_740 = arith.constant 80 : index
        %swap3A_741 = tpu.vector_load %arg11[%swap3A_740] {strides = array<i32>} : memref<256xi32, #tpu.memory_space<vmem>>, vector<16xi32>,
        %swap3A_742 = vector.shape_cast %swap3A_741 : vector<16xi32> to vector<16xi32>
        %swap3A_743 = vector.shape_cast %add3A_739 : vector<16xi32> to vector<16xi32>
        tpu.vector_store %arg11[%swap3A_740], %swap3A_743 {strides = array<i32>} : memref<256xi32, #tpu.memory_space<vmem>>, vector<16xi32>,
        %get3A_744 = arith.constant 96 : index
        %get3A_745 = tpu.vector_load %arg9[%get3A_744] {strides = array<i32>} : memref<256xf32, #tpu.memory_space<vmem>>, vector<16xf32>,
        %get3A_746 = vector.shape_cast %get3A_745 : vector<16xf32> to vector<16xf32>
        %convert_element_type3A_747 = arith.fptosi %get3A_746 : vector<16xf32> to vector<16xi32>
        %add3A_748 = vector.broadcast %mul3A_6 : i32 to vector<16xi32>
        %add3A_749 = arith.addi %convert_element_type3A_747, %add3A_748 : vector<16xi32>
        %swap3A_750 = arith.constant 96 : index
        %swap3A_751 = tpu.vector_load %arg11[%swap3A_750] {strides = array<i32>} : memref<256xi32, #tpu.memory_space<vmem>>, vector<16xi32>,
        %swap3A_752 = vector.shape_cast %swap3A_751 : vector<16xi32> to vector<16xi32>
        %swap3A_753 = vector.shape_cast %add3A_749 : vector<16xi32> to vector<16xi32>
        tpu.vector_store %arg11[%swap3A_750], %swap3A_753 {strides = array<i32>} : memref<256xi32, #tpu.memory_space<vmem>>, vector<16xi32>,
        %get3A_754 = arith.constant 112 : index
        %get3A_755 = tpu.vector_load %arg9[%get3A_754] {strides = array<i32>} : memref<256xf32, #tpu.memory_space<vmem>>, vector<16xf32>,
        %get3A_756 = vector.shape_cast %get3A_755 : vector<16xf32> to vector<16xf32>
        %convert_element_type3A_757 = arith.fptosi %get3A_756 : vector<16xf32> to vector<16xi32>
        %add3A_758 = vector.broadcast %mul3A_6 : i32 to vector<16xi32>
        %add3A_759 = arith.addi %convert_element_type3A_757, %add3A_758 : vector<16xi32>
        %swap3A_760 = arith.constant 112 : index
        %swap3A_761 = tpu.vector_load %arg11[%swap3A_760] {strides = array<i32>} : memref<256xi32, #tpu.memory_space<vmem>>, vector<16xi32>,
        %swap3A_762 = vector.shape_cast %swap3A_761 : vector<16xi32> to vector<16xi32>
        %swap3A_763 = vector.shape_cast %add3A_759 : vector<16xi32> to vector<16xi32>
        tpu.vector_store %arg11[%swap3A_760], %swap3A_763 {strides = array<i32>} : memref<256xi32, #tpu.memory_space<vmem>>, vector<16xi32>,
        %get3A_764 = arith.constant 128 : index
        %get3A_765 = tpu.vector_load %arg9[%get3A_764] {strides = array<i32>} : memref<256xf32, #tpu.memory_space<vmem>>, vector<16xf32>,
        %get3A_766 = vector.shape_cast %get3A_765 : vector<16xf32> to vector<16xf32>
        %convert_element_type3A_767 = arith.fptosi %get3A_766 : vector<16xf32> to vector<16xi32>
        %add3A_768 = vector.broadcast %mul3A_6 : i32 to vector<16xi32>
        %add3A_769 = arith.addi %convert_element_type3A_767, %add3A_768 : vector<16xi32>
        %swap3A_770 = arith.constant 128 : index
        %swap3A_771 = tpu.vector_load %arg11[%swap3A_770] {strides = array<i32>} : memref<256xi32, #tpu.memory_space<vmem>>, vector<16xi32>,
        %swap3A_772 = vector.shape_cast %swap3A_771 : vector<16xi32> to vector<16xi32>
        %swap3A_773 = vector.shape_cast %add3A_769 : vector<16xi32> to vector<16xi32>
        tpu.vector_store %arg11[%swap3A_770], %swap3A_773 {strides = array<i32>} : memref<256xi32, #tpu.memory_space<vmem>>, vector<16xi32>,
        %get3A_774 = arith.constant 144 : index
        %get3A_775 = tpu.vector_load %arg9[%get3A_774] {strides = array<i32>} : memref<256xf32, #tpu.memory_space<vmem>>, vector<16xf32>,
        %get3A_776 = vector.shape_cast %get3A_775 : vector<16xf32> to vector<16xf32>
        %convert_element_type3A_777 = arith.fptosi %get3A_776 : vector<16xf32> to vector<16xi32>
        %add3A_778 = vector.broadcast %mul3A_6 : i32 to vector<16xi32>
        %add3A_779 = arith.addi %convert_element_type3A_777, %add3A_778 : vector<16xi32>
        %swap3A_780 = arith.constant 144 : index
        %swap3A_781 = tpu.vector_load %arg11[%swap3A_780] {strides = array<i32>} : memref<256xi32, #tpu.memory_space<vmem>>, vector<16xi32>,
        %swap3A_782 = vector.shape_cast %swap3A_781 : vector<16xi32> to vector<16xi32>
        %swap3A_783 = vector.shape_cast %add3A_779 : vector<16xi32> to vector<16xi32>
        tpu.vector_store %arg11[%swap3A_780], %swap3A_783 {strides = array<i32>} : memref<256xi32, #tpu.memory_space<vmem>>, vector<16xi32>,
        %get3A_784 = arith.constant 160 : index
        %get3A_785 = tpu.vector_load %arg9[%get3A_784] {strides = array<i32>} : memref<256xf32, #tpu.memory_space<vmem>>, vector<16xf32>,
        %get3A_786 = vector.shape_cast %get3A_785 : vector<16xf32> to vector<16xf32>
        %convert_element_type3A_787 = arith.fptosi %get3A_786 : vector<16xf32> to vector<16xi32>
        %add3A_788 = vector.broadcast %mul3A_6 : i32 to vector<16xi32>
        %add3A_789 = arith.addi %convert_element_type3A_787, %add3A_788 : vector<16xi32>
        %swap3A_790 = arith.constant 160 : index
        %swap3A_791 = tpu.vector_load %arg11[%swap3A_790] {strides = array<i32>} : memref<256xi32, #tpu.memory_space<vmem>>, vector<16xi32>,
        %swap3A_792 = vector.shape_cast %swap3A_791 : vector<16xi32> to vector<16xi32>
        %swap3A_793 = vector.shape_cast %add3A_789 : vector<16xi32> to vector<16xi32>
        tpu.vector_store %arg11[%swap3A_790], %swap3A_793 {strides = array<i32>} : memref<256xi32, #tpu.memory_space<vmem>>, vector<16xi32>,
        %get3A_794 = arith.constant 176 : index
        %get3A_795 = tpu.vector_load %arg9[%get3A_794] {strides = array<i32>} : memref<256xf32, #tpu.memory_space<vmem>>, vector<16xf32>,
        %get3A_796 = vector.shape_cast %get3A_795 : vector<16xf32> to vector<16xf32>
        %convert_element_type3A_797 = arith.fptosi %get3A_796 : vector<16xf32> to vector<16xi32>
        %add3A_798 = vector.broadcast %mul3A_6 : i32 to vector<16xi32>
        %add3A_799 = arith.addi %convert_element_type3A_797, %add3A_798 : vector<16xi32>
        %swap3A_800 = arith.constant 176 : index
        %swap3A_801 = tpu.vector_load %arg11[%swap3A_800] {strides = array<i32>} : memref<256xi32, #tpu.memory_space<vmem>>, vector<16xi32>,
        %swap3A_802 = vector.shape_cast %swap3A_801 : vector<16xi32> to vector<16xi32>
        %swap3A_803 = vector.shape_cast %add3A_799 : vector<16xi32> to vector<16xi32>
        tpu.vector_store %arg11[%swap3A_800], %swap3A_803 {strides = array<i32>} : memref<256xi32, #tpu.memory_space<vmem>>, vector<16xi32>,
        %get3A_804 = arith.constant 192 : index
        %get3A_805 = tpu.vector_load %arg9[%get3A_804] {strides = array<i32>} : memref<256xf32, #tpu.memory_space<vmem>>, vector<16xf32>,
        %get3A_806 = vector.shape_cast %get3A_805 : vector<16xf32> to vector<16xf32>
        %convert_element_type3A_807 = arith.fptosi %get3A_806 : vector<16xf32> to vector<16xi32>
        %add3A_808 = vector.broadcast %mul3A_6 : i32 to vector<16xi32>
        %add3A_809 = arith.addi %convert_element_type3A_807, %add3A_808 : vector<16xi32>
        %swap3A_810 = arith.constant 192 : index
        %swap3A_811 = tpu.vector_load %arg11[%swap3A_810] {strides = array<i32>} : memref<256xi32, #tpu.memory_space<vmem>>, vector<16xi32>,
        %swap3A_812 = vector.shape_cast %swap3A_811 : vector<16xi32> to vector<16xi32>
        %swap3A_813 = vector.shape_cast %add3A_809 : vector<16xi32> to vector<16xi32>
        tpu.vector_store %arg11[%swap3A_810], %swap3A_813 {strides = array<i32>} : memref<256xi32, #tpu.memory_space<vmem>>, vector<16xi32>,
        %get3A_814 = arith.constant 208 : index
        %get3A_815 = tpu.vector_load %arg9[%get3A_814] {strides = array<i32>} : memref<256xf32, #tpu.memory_space<vmem>>, vector<16xf32>,
        %get3A_816 = vector.shape_cast %get3A_815 : vector<16xf32> to vector<16xf32>
        %convert_element_type3A_817 = arith.fptosi %get3A_816 : vector<16xf32> to vector<16xi32>
        %add3A_818 = vector.broadcast %mul3A_6 : i32 to vector<16xi32>
        %add3A_819 = arith.addi %convert_element_type3A_817, %add3A_818 : vector<16xi32>
        %swap3A_820 = arith.constant 208 : index
        %swap3A_821 = tpu.vector_load %arg11[%swap3A_820] {strides = array<i32>} : memref<256xi32, #tpu.memory_space<vmem>>, vector<16xi32>,
        %swap3A_822 = vector.shape_cast %swap3A_821 : vector<16xi32> to vector<16xi32>
        %swap3A_823 = vector.shape_cast %add3A_819 : vector<16xi32> to vector<16xi32>
        tpu.vector_store %arg11[%swap3A_820], %swap3A_823 {strides = array<i32>} : memref<256xi32, #tpu.memory_space<vmem>>, vector<16xi32>,
        %get3A_824 = arith.constant 224 : index
        %get3A_825 = tpu.vector_load %arg9[%get3A_824] {strides = array<i32>} : memref<256xf32, #tpu.memory_space<vmem>>, vector<16xf32>,
        %get3A_826 = vector.shape_cast %get3A_825 : vector<16xf32> to vector<16xf32>
        %convert_element_type3A_827 = arith.fptosi %get3A_826 : vector<16xf32> to vector<16xi32>
        %add3A_828 = vector.broadcast %mul3A_6 : i32 to vector<16xi32>
        %add3A_829 = arith.addi %convert_element_type3A_827, %add3A_828 : vector<16xi32>
        %swap3A_830 = arith.constant 224 : index
        %swap3A_831 = tpu.vector_load %arg11[%swap3A_830] {strides = array<i32>} : memref<256xi32, #tpu.memory_space<vmem>>, vector<16xi32>,
        %swap3A_832 = vector.shape_cast %swap3A_831 : vector<16xi32> to vector<16xi32>
        %swap3A_833 = vector.shape_cast %add3A_829 : vector<16xi32> to vector<16xi32>
        tpu.vector_store %arg11[%swap3A_830], %swap3A_833 {strides = array<i32>} : memref<256xi32, #tpu.memory_space<vmem>>, vector<16xi32>,
        %get3A_834 = arith.constant 240 : index
        %get3A_835 = tpu.vector_load %arg9[%get3A_834] {strides = array<i32>} : memref<256xf32, #tpu.memory_space<vmem>>, vector<16xf32>,
        %get3A_836 = vector.shape_cast %get3A_835 : vector<16xf32> to vector<16xf32>
        %convert_element_type3A_837 = arith.fptosi %get3A_836 : vector<16xf32> to vector<16xi32>
        %add3A_838 = vector.broadcast %mul3A_6 : i32 to vector<16xi32>
        %add3A_839 = arith.addi %convert_element_type3A_837, %add3A_838 : vector<16xi32>
        %swap3A_840 = arith.constant 240 : index
        %swap3A_841 = tpu.vector_load %arg11[%swap3A_840] {strides = array<i32>} : memref<256xi32, #tpu.memory_space<vmem>>, vector<16xi32>,
        %swap3A_842 = vector.shape_cast %swap3A_841 : vector<16xi32> to vector<16xi32>
        %swap3A_843 = vector.shape_cast %add3A_839 : vector<16xi32> to vector<16xi32>
        tpu.vector_store %arg11[%swap3A_840], %swap3A_843 {strides = array<i32>} : memref<256xi32, #tpu.memory_space<vmem>>, vector<16xi32>,
        %dma_start3A_844 = arith.constant 0 : i32
        %dma_start3A_845 = arith.constant 0 : i32
        %dma_start3A_846 = tpu.memref_slice %arg13[%dma_start3A_844, %dma_start3A_845] : memref<256x128xf32, #tpu.memory_space<vmem>> -> memref<128x128xf32, #tpu.memory_space<vmem>>
        %dma_start3A_847 = arith.constant 0 : i32
        %dma_start3A_848 = tpu.memref_slice %arg11[%dma_start3A_847] : memref<256xi32, #tpu.memory_space<vmem>> -> memref<128xi32, #tpu.memory_space<vmem>>
        %dma_start3A_849 = arith.constant 0 : i32
        %dma_start3A_850 = arith.constant 0 : i32
        %dma_start3A_851 = tpu.memref_slice %arg5[%dma_start3A_849, %dma_start3A_850] : memref<256x128xf32, #tpu.memory_space<vmem_shared>> -> memref<256x128xf32, #tpu.memory_space<vmem_shared>>
        tpu.enqueue_indirect_dma source(%dma_start3A_851 : memref<256x128xf32, #tpu.memory_space<vmem_shared>>) target(%dma_start3A_846 : memref<128x128xf32, #tpu.memory_space<vmem>>) offsets(%dma_start3A_848 : memref<128xi32, #tpu.memory_space<vmem>>) semaphore(%arg17 : memref<!tpu.dma_semaphore, #tpu.memory_space<semaphore_mem>>)
        %dma_start3A_852 = arith.constant 128 : i32
        %dma_start3A_853 = arith.constant 0 : i32
        %dma_start3A_854 = tpu.memref_slice %arg13[%dma_start3A_852, %dma_start3A_853] : memref<256x128xf32, #tpu.memory_space<vmem>> -> memref<128x128xf32, #tpu.memory_space<vmem>>
        %dma_start3A_855 = arith.constant 128 : i32
        %dma_start3A_856 = tpu.memref_slice %arg11[%dma_start3A_855] : memref<256xi32, #tpu.memory_space<vmem>> -> memref<128xi32, #tpu.memory_space<vmem>>
        %dma_start3A_857 = arith.constant 0 : i32
        %dma_start3A_858 = arith.constant 0 : i32
        %dma_start3A_859 = tpu.memref_slice %arg5[%dma_start3A_857, %dma_start3A_858] : memref<256x128xf32, #tpu.memory_space<vmem_shared>> -> memref<256x128xf32, #tpu.memory_space<vmem_shared>>
        tpu.enqueue_indirect_dma source(%dma_start3A_859 : memref<256x128xf32, #tpu.memory_space<vmem_shared>>) target(%dma_start3A_854 : memref<128x128xf32, #tpu.memory_space<vmem>>) offsets(%dma_start3A_856 : memref<128xi32, #tpu.memory_space<vmem>>) semaphore(%arg17 : memref<!tpu.dma_semaphore, #tpu.memory_space<semaphore_mem>>)
        %add3A_860 = arith.constant 1 : i32
        %add3A_861 = arith.addi %add3A_668, %add3A_860 : i32
        %mul3A_862 = arith.constant 256 : i32
        %mul3A_863 = arith.muli %add3A_861, %mul3A_862 : i32
        %add3A_864 = arith.addi %mul3A_2, %mul3A_863 : i32
        %iota3A_865 = tpu.iota {dimensions = array<i32: 0>} : vector<16xi32>
        %mul3A_866 = arith.constant 8 : i32
        %mul3A_867 = vector.broadcast %mul3A_866 : i32 to vector<16xi32>
        %mul3A_868 = arith.muli %iota3A_865, %mul3A_867 : vector<16xi32>
        %add3A_869 = arith.constant 0 : i32
        %add3A_870 = arith.addi %add3A_864, %add3A_869 : i32
        %mul3A_871 = arith.constant 8 : i32
        %mul3A_872 = arith.muli %add3A_870, %mul3A_871 : i32
        %add3A_873 = arith.constant 7 : i32
        %add3A_874 = arith.addi %mul3A_872, %add3A_873 : i32
        %add3A_875 = vector.broadcast %add3A_874 : i32 to vector<16xi32>
        %add3A_876 = arith.addi %mul3A_868, %add3A_875 : vector<16xi32>
        %swap3A_877 = arith.constant 0 : index
        %swap3A_878 = tpu.vector_load %arg6[%swap3A_877] {strides = array<i32>} : memref<256xi32, #tpu.memory_space<vmem>>, vector<16xi32>,
        %swap3A_879 = vector.shape_cast %swap3A_878 : vector<16xi32> to vector<16xi32>
        %swap3A_880 = vector.shape_cast %add3A_876 : vector<16xi32> to vector<16xi32>
        tpu.vector_store %arg6[%swap3A_877], %swap3A_880 {strides = array<i32>} : memref<256xi32, #tpu.memory_space<vmem>>, vector<16xi32>,
        %add3A_881 = arith.constant 16 : i32
        %add3A_882 = arith.addi %add3A_864, %add3A_881 : i32
        %mul3A_883 = arith.constant 8 : i32
        %mul3A_884 = arith.muli %add3A_882, %mul3A_883 : i32
        %add3A_885 = arith.constant 7 : i32
        %add3A_886 = arith.addi %mul3A_884, %add3A_885 : i32
        %add3A_887 = vector.broadcast %add3A_886 : i32 to vector<16xi32>
        %add3A_888 = arith.addi %mul3A_868, %add3A_887 : vector<16xi32>
        %swap3A_889 = arith.constant 16 : index
        %swap3A_890 = tpu.vector_load %arg6[%swap3A_889] {strides = array<i32>} : memref<256xi32, #tpu.memory_space<vmem>>, vector<16xi32>,
        %swap3A_891 = vector.shape_cast %swap3A_890 : vector<16xi32> to vector<16xi32>
        %swap3A_892 = vector.shape_cast %add3A_888 : vector<16xi32> to vector<16xi32>
        tpu.vector_store %arg6[%swap3A_889], %swap3A_892 {strides = array<i32>} : memref<256xi32, #tpu.memory_space<vmem>>, vector<16xi32>,
        %add3A_893 = arith.constant 32 : i32
        %add3A_894 = arith.addi %add3A_864, %add3A_893 : i32
        %mul3A_895 = arith.constant 8 : i32
        %mul3A_896 = arith.muli %add3A_894, %mul3A_895 : i32
        %add3A_897 = arith.constant 7 : i32
        %add3A_898 = arith.addi %mul3A_896, %add3A_897 : i32
        %add3A_899 = vector.broadcast %add3A_898 : i32 to vector<16xi32>
        %add3A_900 = arith.addi %mul3A_868, %add3A_899 : vector<16xi32>
        %swap3A_901 = arith.constant 32 : index
        %swap3A_902 = tpu.vector_load %arg6[%swap3A_901] {strides = array<i32>} : memref<256xi32, #tpu.memory_space<vmem>>, vector<16xi32>,
        %swap3A_903 = vector.shape_cast %swap3A_902 : vector<16xi32> to vector<16xi32>
        %swap3A_904 = vector.shape_cast %add3A_900 : vector<16xi32> to vector<16xi32>
        tpu.vector_store %arg6[%swap3A_901], %swap3A_904 {strides = array<i32>} : memref<256xi32, #tpu.memory_space<vmem>>, vector<16xi32>,
        %add3A_905 = arith.constant 48 : i32
        %add3A_906 = arith.addi %add3A_864, %add3A_905 : i32
        %mul3A_907 = arith.constant 8 : i32
        %mul3A_908 = arith.muli %add3A_906, %mul3A_907 : i32
        %add3A_909 = arith.constant 7 : i32
        %add3A_910 = arith.addi %mul3A_908, %add3A_909 : i32
        %add3A_911 = vector.broadcast %add3A_910 : i32 to vector<16xi32>
        %add3A_912 = arith.addi %mul3A_868, %add3A_911 : vector<16xi32>
        %swap3A_913 = arith.constant 48 : index
        %swap3A_914 = tpu.vector_load %arg6[%swap3A_913] {strides = array<i32>} : memref<256xi32, #tpu.memory_space<vmem>>, vector<16xi32>,
        %swap3A_915 = vector.shape_cast %swap3A_914 : vector<16xi32> to vector<16xi32>
        %swap3A_916 = vector.shape_cast %add3A_912 : vector<16xi32> to vector<16xi32>
        tpu.vector_store %arg6[%swap3A_913], %swap3A_916 {strides = array<i32>} : memref<256xi32, #tpu.memory_space<vmem>>, vector<16xi32>,
        %add3A_917 = arith.constant 64 : i32
        %add3A_918 = arith.addi %add3A_864, %add3A_917 : i32
        %mul3A_919 = arith.constant 8 : i32
        %mul3A_920 = arith.muli %add3A_918, %mul3A_919 : i32
        %add3A_921 = arith.constant 7 : i32
        %add3A_922 = arith.addi %mul3A_920, %add3A_921 : i32
        %add3A_923 = vector.broadcast %add3A_922 : i32 to vector<16xi32>
        %add3A_924 = arith.addi %mul3A_868, %add3A_923 : vector<16xi32>
        %swap3A_925 = arith.constant 64 : index
        %swap3A_926 = tpu.vector_load %arg6[%swap3A_925] {strides = array<i32>} : memref<256xi32, #tpu.memory_space<vmem>>, vector<16xi32>,
        %swap3A_927 = vector.shape_cast %swap3A_926 : vector<16xi32> to vector<16xi32>
        %swap3A_928 = vector.shape_cast %add3A_924 : vector<16xi32> to vector<16xi32>
        tpu.vector_store %arg6[%swap3A_925], %swap3A_928 {strides = array<i32>} : memref<256xi32, #tpu.memory_space<vmem>>, vector<16xi32>,
        %add3A_929 = arith.constant 80 : i32
        %add3A_930 = arith.addi %add3A_864, %add3A_929 : i32
        %mul3A_931 = arith.constant 8 : i32
        %mul3A_932 = arith.muli %add3A_930, %mul3A_931 : i32
        %add3A_933 = arith.constant 7 : i32
        %add3A_934 = arith.addi %mul3A_932, %add3A_933 : i32
        %add3A_935 = vector.broadcast %add3A_934 : i32 to vector<16xi32>
        %add3A_936 = arith.addi %mul3A_868, %add3A_935 : vector<16xi32>
        %swap3A_937 = arith.constant 80 : index
        %swap3A_938 = tpu.vector_load %arg6[%swap3A_937] {strides = array<i32>} : memref<256xi32, #tpu.memory_space<vmem>>, vector<16xi32>,
        %swap3A_939 = vector.shape_cast %swap3A_938 : vector<16xi32> to vector<16xi32>
        %swap3A_940 = vector.shape_cast %add3A_936 : vector<16xi32> to vector<16xi32>
        tpu.vector_store %arg6[%swap3A_937], %swap3A_940 {strides = array<i32>} : memref<256xi32, #tpu.memory_space<vmem>>, vector<16xi32>,
        %add3A_941 = arith.constant 96 : i32
        %add3A_942 = arith.addi %add3A_864, %add3A_941 : i32
        %mul3A_943 = arith.constant 8 : i32
        %mul3A_944 = arith.muli %add3A_942, %mul3A_943 : i32
        %add3A_945 = arith.constant 7 : i32
        %add3A_946 = arith.addi %mul3A_944, %add3A_945 : i32
        %add3A_947 = vector.broadcast %add3A_946 : i32 to vector<16xi32>
        %add3A_948 = arith.addi %mul3A_868, %add3A_947 : vector<16xi32>
        %swap3A_949 = arith.constant 96 : index
        %swap3A_950 = tpu.vector_load %arg6[%swap3A_949] {strides = array<i32>} : memref<256xi32, #tpu.memory_space<vmem>>, vector<16xi32>,
        %swap3A_951 = vector.shape_cast %swap3A_950 : vector<16xi32> to vector<16xi32>
        %swap3A_952 = vector.shape_cast %add3A_948 : vector<16xi32> to vector<16xi32>
        tpu.vector_store %arg6[%swap3A_949], %swap3A_952 {strides = array<i32>} : memref<256xi32, #tpu.memory_space<vmem>>, vector<16xi32>,
        %add3A_953 = arith.constant 112 : i32
        %add3A_954 = arith.addi %add3A_864, %add3A_953 : i32
        %mul3A_955 = arith.constant 8 : i32
        %mul3A_956 = arith.muli %add3A_954, %mul3A_955 : i32
        %add3A_957 = arith.constant 7 : i32
        %add3A_958 = arith.addi %mul3A_956, %add3A_957 : i32
        %add3A_959 = vector.broadcast %add3A_958 : i32 to vector<16xi32>
        %add3A_960 = arith.addi %mul3A_868, %add3A_959 : vector<16xi32>
        %swap3A_961 = arith.constant 112 : index
        %swap3A_962 = tpu.vector_load %arg6[%swap3A_961] {strides = array<i32>} : memref<256xi32, #tpu.memory_space<vmem>>, vector<16xi32>,
        %swap3A_963 = vector.shape_cast %swap3A_962 : vector<16xi32> to vector<16xi32>
        %swap3A_964 = vector.shape_cast %add3A_960 : vector<16xi32> to vector<16xi32>
        tpu.vector_store %arg6[%swap3A_961], %swap3A_964 {strides = array<i32>} : memref<256xi32, #tpu.memory_space<vmem>>, vector<16xi32>,
        %add3A_965 = arith.constant 128 : i32
        %add3A_966 = arith.addi %add3A_864, %add3A_965 : i32
        %mul3A_967 = arith.constant 8 : i32
        %mul3A_968 = arith.muli %add3A_966, %mul3A_967 : i32
        %add3A_969 = arith.constant 7 : i32
        %add3A_970 = arith.addi %mul3A_968, %add3A_969 : i32
        %add3A_971 = vector.broadcast %add3A_970 : i32 to vector<16xi32>
        %add3A_972 = arith.addi %mul3A_868, %add3A_971 : vector<16xi32>
        %swap3A_973 = arith.constant 128 : index
        %swap3A_974 = tpu.vector_load %arg6[%swap3A_973] {strides = array<i32>} : memref<256xi32, #tpu.memory_space<vmem>>, vector<16xi32>,
        %swap3A_975 = vector.shape_cast %swap3A_974 : vector<16xi32> to vector<16xi32>
        %swap3A_976 = vector.shape_cast %add3A_972 : vector<16xi32> to vector<16xi32>
        tpu.vector_store %arg6[%swap3A_973], %swap3A_976 {strides = array<i32>} : memref<256xi32, #tpu.memory_space<vmem>>, vector<16xi32>,
        %add3A_977 = arith.constant 144 : i32
        %add3A_978 = arith.addi %add3A_864, %add3A_977 : i32
        %mul3A_979 = arith.constant 8 : i32
        %mul3A_980 = arith.muli %add3A_978, %mul3A_979 : i32
        %add3A_981 = arith.constant 7 : i32
        %add3A_982 = arith.addi %mul3A_980, %add3A_981 : i32
        %add3A_983 = vector.broadcast %add3A_982 : i32 to vector<16xi32>
        %add3A_984 = arith.addi %mul3A_868, %add3A_983 : vector<16xi32>
        %swap3A_985 = arith.constant 144 : index
        %swap3A_986 = tpu.vector_load %arg6[%swap3A_985] {strides = array<i32>} : memref<256xi32, #tpu.memory_space<vmem>>, vector<16xi32>,
        %swap3A_987 = vector.shape_cast %swap3A_986 : vector<16xi32> to vector<16xi32>
        %swap3A_988 = vector.shape_cast %add3A_984 : vector<16xi32> to vector<16xi32>
        tpu.vector_store %arg6[%swap3A_985], %swap3A_988 {strides = array<i32>} : memref<256xi32, #tpu.memory_space<vmem>>, vector<16xi32>,
        %add3A_989 = arith.constant 160 : i32
        %add3A_990 = arith.addi %add3A_864, %add3A_989 : i32
        %mul3A_991 = arith.constant 8 : i32
        %mul3A_992 = arith.muli %add3A_990, %mul3A_991 : i32
        %add3A_993 = arith.constant 7 : i32
        %add3A_994 = arith.addi %mul3A_992, %add3A_993 : i32
        %add3A_995 = vector.broadcast %add3A_994 : i32 to vector<16xi32>
        %add3A_996 = arith.addi %mul3A_868, %add3A_995 : vector<16xi32>
        %swap3A_997 = arith.constant 160 : index
        %swap3A_998 = tpu.vector_load %arg6[%swap3A_997] {strides = array<i32>} : memref<256xi32, #tpu.memory_space<vmem>>, vector<16xi32>,
        %swap3A_999 = vector.shape_cast %swap3A_998 : vector<16xi32> to vector<16xi32>
        %swap3A_1000 = vector.shape_cast %add3A_996 : vector<16xi32> to vector<16xi32>
        tpu.vector_store %arg6[%swap3A_997], %swap3A_1000 {strides = array<i32>} : memref<256xi32, #tpu.memory_space<vmem>>, vector<16xi32>,
        %add3A_1001 = arith.constant 176 : i32
        %add3A_1002 = arith.addi %add3A_864, %add3A_1001 : i32
        %mul3A_1003 = arith.constant 8 : i32
        %mul3A_1004 = arith.muli %add3A_1002, %mul3A_1003 : i32
        %add3A_1005 = arith.constant 7 : i32
        %add3A_1006 = arith.addi %mul3A_1004, %add3A_1005 : i32
        %add3A_1007 = vector.broadcast %add3A_1006 : i32 to vector<16xi32>
        %add3A_1008 = arith.addi %mul3A_868, %add3A_1007 : vector<16xi32>
        %swap3A_1009 = arith.constant 176 : index
        %swap3A_1010 = tpu.vector_load %arg6[%swap3A_1009] {strides = array<i32>} : memref<256xi32, #tpu.memory_space<vmem>>, vector<16xi32>,
        %swap3A_1011 = vector.shape_cast %swap3A_1010 : vector<16xi32> to vector<16xi32>
        %swap3A_1012 = vector.shape_cast %add3A_1008 : vector<16xi32> to vector<16xi32>
        tpu.vector_store %arg6[%swap3A_1009], %swap3A_1012 {strides = array<i32>} : memref<256xi32, #tpu.memory_space<vmem>>, vector<16xi32>,
        %add3A_1013 = arith.constant 192 : i32
        %add3A_1014 = arith.addi %add3A_864, %add3A_1013 : i32
        %mul3A_1015 = arith.constant 8 : i32
        %mul3A_1016 = arith.muli %add3A_1014, %mul3A_1015 : i32
        %add3A_1017 = arith.constant 7 : i32
        %add3A_1018 = arith.addi %mul3A_1016, %add3A_1017 : i32
        %add3A_1019 = vector.broadcast %add3A_1018 : i32 to vector<16xi32>
        %add3A_1020 = arith.addi %mul3A_868, %add3A_1019 : vector<16xi32>
        %swap3A_1021 = arith.constant 192 : index
        %swap3A_1022 = tpu.vector_load %arg6[%swap3A_1021] {strides = array<i32>} : memref<256xi32, #tpu.memory_space<vmem>>, vector<16xi32>,
        %swap3A_1023 = vector.shape_cast %swap3A_1022 : vector<16xi32> to vector<16xi32>
        %swap3A_1024 = vector.shape_cast %add3A_1020 : vector<16xi32> to vector<16xi32>
        tpu.vector_store %arg6[%swap3A_1021], %swap3A_1024 {strides = array<i32>} : memref<256xi32, #tpu.memory_space<vmem>>, vector<16xi32>,
        %add3A_1025 = arith.constant 208 : i32
        %add3A_1026 = arith.addi %add3A_864, %add3A_1025 : i32
        %mul3A_1027 = arith.constant 8 : i32
        %mul3A_1028 = arith.muli %add3A_1026, %mul3A_1027 : i32
        %add3A_1029 = arith.constant 7 : i32
        %add3A_1030 = arith.addi %mul3A_1028, %add3A_1029 : i32
        %add3A_1031 = vector.broadcast %add3A_1030 : i32 to vector<16xi32>
        %add3A_1032 = arith.addi %mul3A_868, %add3A_1031 : vector<16xi32>
        %swap3A_1033 = arith.constant 208 : index
        %swap3A_1034 = tpu.vector_load %arg6[%swap3A_1033] {strides = array<i32>} : memref<256xi32, #tpu.memory_space<vmem>>, vector<16xi32>,
        %swap3A_1035 = vector.shape_cast %swap3A_1034 : vector<16xi32> to vector<16xi32>
        %swap3A_1036 = vector.shape_cast %add3A_1032 : vector<16xi32> to vector<16xi32>
        tpu.vector_store %arg6[%swap3A_1033], %swap3A_1036 {strides = array<i32>} : memref<256xi32, #tpu.memory_space<vmem>>, vector<16xi32>,
        %add3A_1037 = arith.constant 224 : i32
        %add3A_1038 = arith.addi %add3A_864, %add3A_1037 : i32
        %mul3A_1039 = arith.constant 8 : i32
        %mul3A_1040 = arith.muli %add3A_1038, %mul3A_1039 : i32
        %add3A_1041 = arith.constant 7 : i32
        %add3A_1042 = arith.addi %mul3A_1040, %add3A_1041 : i32
        %add3A_1043 = vector.broadcast %add3A_1042 : i32 to vector<16xi32>
        %add3A_1044 = arith.addi %mul3A_868, %add3A_1043 : vector<16xi32>
        %swap3A_1045 = arith.constant 224 : index
        %swap3A_1046 = tpu.vector_load %arg6[%swap3A_1045] {strides = array<i32>} : memref<256xi32, #tpu.memory_space<vmem>>, vector<16xi32>,
        %swap3A_1047 = vector.shape_cast %swap3A_1046 : vector<16xi32> to vector<16xi32>
        %swap3A_1048 = vector.shape_cast %add3A_1044 : vector<16xi32> to vector<16xi32>
        tpu.vector_store %arg6[%swap3A_1045], %swap3A_1048 {strides = array<i32>} : memref<256xi32, #tpu.memory_space<vmem>>, vector<16xi32>,
        %add3A_1049 = arith.constant 240 : i32
        %add3A_1050 = arith.addi %add3A_864, %add3A_1049 : i32
        %mul3A_1051 = arith.constant 8 : i32
        %mul3A_1052 = arith.muli %add3A_1050, %mul3A_1051 : i32
        %add3A_1053 = arith.constant 7 : i32
        %add3A_1054 = arith.addi %mul3A_1052, %add3A_1053 : i32
        %add3A_1055 = vector.broadcast %add3A_1054 : i32 to vector<16xi32>
        %add3A_1056 = arith.addi %mul3A_868, %add3A_1055 : vector<16xi32>
        %swap3A_1057 = arith.constant 240 : index
        %swap3A_1058 = tpu.vector_load %arg6[%swap3A_1057] {strides = array<i32>} : memref<256xi32, #tpu.memory_space<vmem>>, vector<16xi32>,
        %swap3A_1059 = vector.shape_cast %swap3A_1058 : vector<16xi32> to vector<16xi32>
        %swap3A_1060 = vector.shape_cast %add3A_1056 : vector<16xi32> to vector<16xi32>
        tpu.vector_store %arg6[%swap3A_1057], %swap3A_1060 {strides = array<i32>} : memref<256xi32, #tpu.memory_space<vmem>>, vector<16xi32>,
        %dma_start3A_1061 = arith.constant 0 : i32
        %dma_start3A_1062 = tpu.memref_slice %arg8[%dma_start3A_1061] : memref<256xf32, #tpu.memory_space<vmem>> -> memref<128xf32, #tpu.memory_space<vmem>>
        %dma_start3A_1063 = arith.constant 0 : i32
        %dma_start3A_1064 = tpu.memref_slice %arg6[%dma_start3A_1063] : memref<256xi32, #tpu.memory_space<vmem>> -> memref<128xi32, #tpu.memory_space<vmem>>
        %dma_start3A_1065 = arith.constant 0 : i32
        %dma_start3A_1066 = tpu.memref_slice %arg2[%dma_start3A_1065] : memref<26214400xf32, #tpu.memory_space<hbm>> -> memref<26214400xf32, #tpu.memory_space<hbm>>
        tpu.enqueue_indirect_dma source(%dma_start3A_1066 : memref<26214400xf32, #tpu.memory_space<hbm>>) target(%dma_start3A_1062 : memref<128xf32, #tpu.memory_space<vmem>>) offsets(%dma_start3A_1064 : memref<128xi32, #tpu.memory_space<vmem>>) semaphore(%arg14 : memref<!tpu.dma_semaphore, #tpu.memory_space<semaphore_mem>>)
        %dma_start3A_1067 = arith.constant 128 : i32
        %dma_start3A_1068 = tpu.memref_slice %arg8[%dma_start3A_1067] : memref<256xf32, #tpu.memory_space<vmem>> -> memref<128xf32, #tpu.memory_space<vmem>>
        %dma_start3A_1069 = arith.constant 128 : i32
        %dma_start3A_1070 = tpu.memref_slice %arg6[%dma_start3A_1069] : memref<256xi32, #tpu.memory_space<vmem>> -> memref<128xi32, #tpu.memory_space<vmem>>
        %dma_start3A_1071 = arith.constant 0 : i32
        %dma_start3A_1072 = tpu.memref_slice %arg2[%dma_start3A_1071] : memref<26214400xf32, #tpu.memory_space<hbm>> -> memref<26214400xf32, #tpu.memory_space<hbm>>
        tpu.enqueue_indirect_dma source(%dma_start3A_1072 : memref<26214400xf32, #tpu.memory_space<hbm>>) target(%dma_start3A_1068 : memref<128xf32, #tpu.memory_space<vmem>>) offsets(%dma_start3A_1070 : memref<128xi32, #tpu.memory_space<vmem>>) semaphore(%arg14 : memref<!tpu.dma_semaphore, #tpu.memory_space<semaphore_mem>>)
        %dma_wait3A_1073 = arith.constant 0 : i32
        %dma_wait3A_1074 = arith.constant 0 : i32
        %dma_wait3A_1075 = tpu.memref_slice %arg13[%dma_wait3A_1073, %dma_wait3A_1074] : memref<256x128xf32, #tpu.memory_space<vmem>> -> memref<128x128xf32, #tpu.memory_space<vmem>>
        %dma_wait3A_1076 = arith.constant 0 : i32
        %dma_wait3A_1077 = tpu.memref_slice %arg11[%dma_wait3A_1076] : memref<256xi32, #tpu.memory_space<vmem>> -> memref<128xi32, #tpu.memory_space<vmem>>
        %dma_wait3A_1078 = arith.constant 0 : i32
        %dma_wait3A_1079 = arith.constant 0 : i32
        %dma_wait3A_1080 = tpu.memref_slice %arg5[%dma_wait3A_1078, %dma_wait3A_1079] : memref<256x128xf32, #tpu.memory_space<vmem_shared>> -> memref<256x128xf32, #tpu.memory_space<vmem_shared>>
        tpu.wait_indirect_dma semaphore(%arg17 : memref<!tpu.dma_semaphore, #tpu.memory_space<semaphore_mem>>) src(%dma_wait3A_1080 : memref<256x128xf32, #tpu.memory_space<vmem_shared>>) dst(%dma_wait3A_1075 : memref<128x128xf32, #tpu.memory_space<vmem>>)
        %dma_wait3A_1081 = arith.constant 128 : i32
        %dma_wait3A_1082 = arith.constant 0 : i32
        %dma_wait3A_1083 = tpu.memref_slice %arg13[%dma_wait3A_1081, %dma_wait3A_1082] : memref<256x128xf32, #tpu.memory_space<vmem>> -> memref<128x128xf32, #tpu.memory_space<vmem>>
        %dma_wait3A_1084 = arith.constant 128 : i32
        %dma_wait3A_1085 = tpu.memref_slice %arg11[%dma_wait3A_1084] : memref<256xi32, #tpu.memory_space<vmem>> -> memref<128xi32, #tpu.memory_space<vmem>>
        %dma_wait3A_1086 = arith.constant 0 : i32
        %dma_wait3A_1087 = arith.constant 0 : i32
        %dma_wait3A_1088 = tpu.memref_slice %arg5[%dma_wait3A_1086, %dma_wait3A_1087] : memref<256x128xf32, #tpu.memory_space<vmem_shared>> -> memref<256x128xf32, #tpu.memory_space<vmem_shared>>
        tpu.wait_indirect_dma semaphore(%arg17 : memref<!tpu.dma_semaphore, #tpu.memory_space<semaphore_mem>>) src(%dma_wait3A_1088 : memref<256x128xf32, #tpu.memory_space<vmem_shared>>) dst(%dma_wait3A_1083 : memref<128x128xf32, #tpu.memory_space<vmem>>)
        %dma_start3A_1089 = arith.constant 0 : i32
        %dma_start3A_1090 = tpu.memref_slice %arg4[%add3A_671, %dma_start3A_1089] : memref<32768x128xf32, #tpu.memory_space<hbm>> -> memref<256x128xf32, #tpu.memory_space<hbm>>
        %dma_start3A_1091 = arith.constant 0 : i32
        %dma_start3A_1092 = tpu.memref_slice %arg4[%add3A_671, %dma_start3A_1091] : memref<32768x128xf32, #tpu.memory_space<hbm>> -> memref<256x128xf32, #tpu.memory_space<hbm>>
        tpu.enqueue_dma source(%arg13 : memref<256x128xf32, #tpu.memory_space<vmem>>) target(%dma_start3A_1092 : memref<256x128xf32, #tpu.memory_space<hbm>>) target_semaphore(%arg19 : memref<!tpu.dma_semaphore, #tpu.memory_space<semaphore_mem>>)
      } else {
      }
      %gt3A = arith.constant 0 : i32
      %gt3A_234 = arith.cmpi sgt, %scan3A_229, %gt3A : i32
      %lt3A = arith.constant 1 : i32
      %lt3A_235 = arith.cmpi slt, %scan3A_229, %lt3A : i32
      %and3A = arith.andi %gt3A_234, %lt3A_235 : i1
      %convert_element_type3A_236 = arith.extui %and3A : i1 to i32
      %cond3A_237 = arith.constant 0 : i32
      %cond3A_238 = arith.cmpi ne, %convert_element_type3A_236, %cond3A_237 : i32
      scf.if %cond3A_238 {
        %mul3A_244 = arith.constant 256 : i32
        %mul3A_245 = arith.muli %mul3A_231, %mul3A_244 : i32
        %add3A_246 = arith.addi %mul3A_2, %mul3A_245 : i32
        %dma_wait3A_247 = arith.constant 0 : i32
        %dma_wait3A_248 = tpu.memref_slice %arg8[%dma_wait3A_247] : memref<256xf32, #tpu.memory_space<vmem>> -> memref<128xf32, #tpu.memory_space<vmem>>
        %dma_wait3A_249 = arith.constant 0 : i32
        %dma_wait3A_250 = tpu.memref_slice %arg6[%dma_wait3A_249] : memref<256xi32, #tpu.memory_space<vmem>> -> memref<128xi32, #tpu.memory_space<vmem>>
        %dma_wait3A_251 = arith.constant 0 : i32
        %dma_wait3A_252 = tpu.memref_slice %arg2[%dma_wait3A_251] : memref<26214400xf32, #tpu.memory_space<hbm>> -> memref<26214400xf32, #tpu.memory_space<hbm>>
        tpu.wait_indirect_dma semaphore(%arg14 : memref<!tpu.dma_semaphore, #tpu.memory_space<semaphore_mem>>) src(%dma_wait3A_252 : memref<26214400xf32, #tpu.memory_space<hbm>>) dst(%dma_wait3A_248 : memref<128xf32, #tpu.memory_space<vmem>>)
        %dma_wait3A_253 = arith.constant 128 : i32
        %dma_wait3A_254 = tpu.memref_slice %arg8[%dma_wait3A_253] : memref<256xf32, #tpu.memory_space<vmem>> -> memref<128xf32, #tpu.memory_space<vmem>>
        %dma_wait3A_255 = arith.constant 128 : i32
        %dma_wait3A_256 = tpu.memref_slice %arg6[%dma_wait3A_255] : memref<256xi32, #tpu.memory_space<vmem>> -> memref<128xi32, #tpu.memory_space<vmem>>
        %dma_wait3A_257 = arith.constant 0 : i32
        %dma_wait3A_258 = tpu.memref_slice %arg2[%dma_wait3A_257] : memref<26214400xf32, #tpu.memory_space<hbm>> -> memref<26214400xf32, #tpu.memory_space<hbm>>
        tpu.wait_indirect_dma semaphore(%arg14 : memref<!tpu.dma_semaphore, #tpu.memory_space<semaphore_mem>>) src(%dma_wait3A_258 : memref<26214400xf32, #tpu.memory_space<hbm>>) dst(%dma_wait3A_254 : memref<128xf32, #tpu.memory_space<vmem>>)
        %get3A = arith.constant 0 : index
        %get3A_259 = tpu.vector_load %arg8[%get3A] {strides = array<i32>} : memref<256xf32, #tpu.memory_space<vmem>>, vector<16xf32>,
        %get3A_260 = vector.shape_cast %get3A_259 : vector<16xf32> to vector<16xf32>
        %convert_element_type3A_261 = arith.fptosi %get3A_260 : vector<16xf32> to vector<16xi32>
        %add3A_262 = vector.broadcast %mul3A_6 : i32 to vector<16xi32>
        %add3A_263 = arith.addi %convert_element_type3A_261, %add3A_262 : vector<16xi32>
        %swap3A_264 = arith.constant 0 : index
        %swap3A_265 = tpu.vector_load %arg10[%swap3A_264] {strides = array<i32>} : memref<256xi32, #tpu.memory_space<vmem>>, vector<16xi32>,
        %swap3A_266 = vector.shape_cast %swap3A_265 : vector<16xi32> to vector<16xi32>
        %swap3A_267 = vector.shape_cast %add3A_263 : vector<16xi32> to vector<16xi32>
        tpu.vector_store %arg10[%swap3A_264], %swap3A_267 {strides = array<i32>} : memref<256xi32, #tpu.memory_space<vmem>>, vector<16xi32>,
        %get3A_268 = arith.constant 16 : index
        %get3A_269 = tpu.vector_load %arg8[%get3A_268] {strides = array<i32>} : memref<256xf32, #tpu.memory_space<vmem>>, vector<16xf32>,
        %get3A_270 = vector.shape_cast %get3A_269 : vector<16xf32> to vector<16xf32>
        %convert_element_type3A_271 = arith.fptosi %get3A_270 : vector<16xf32> to vector<16xi32>
        %add3A_272 = vector.broadcast %mul3A_6 : i32 to vector<16xi32>
        %add3A_273 = arith.addi %convert_element_type3A_271, %add3A_272 : vector<16xi32>
        %swap3A_274 = arith.constant 16 : index
        %swap3A_275 = tpu.vector_load %arg10[%swap3A_274] {strides = array<i32>} : memref<256xi32, #tpu.memory_space<vmem>>, vector<16xi32>,
        %swap3A_276 = vector.shape_cast %swap3A_275 : vector<16xi32> to vector<16xi32>
        %swap3A_277 = vector.shape_cast %add3A_273 : vector<16xi32> to vector<16xi32>
        tpu.vector_store %arg10[%swap3A_274], %swap3A_277 {strides = array<i32>} : memref<256xi32, #tpu.memory_space<vmem>>, vector<16xi32>,
        %get3A_278 = arith.constant 32 : index
        %get3A_279 = tpu.vector_load %arg8[%get3A_278] {strides = array<i32>} : memref<256xf32, #tpu.memory_space<vmem>>, vector<16xf32>,
        %get3A_280 = vector.shape_cast %get3A_279 : vector<16xf32> to vector<16xf32>
        %convert_element_type3A_281 = arith.fptosi %get3A_280 : vector<16xf32> to vector<16xi32>
        %add3A_282 = vector.broadcast %mul3A_6 : i32 to vector<16xi32>
        %add3A_283 = arith.addi %convert_element_type3A_281, %add3A_282 : vector<16xi32>
        %swap3A_284 = arith.constant 32 : index
        %swap3A_285 = tpu.vector_load %arg10[%swap3A_284] {strides = array<i32>} : memref<256xi32, #tpu.memory_space<vmem>>, vector<16xi32>,
        %swap3A_286 = vector.shape_cast %swap3A_285 : vector<16xi32> to vector<16xi32>
        %swap3A_287 = vector.shape_cast %add3A_283 : vector<16xi32> to vector<16xi32>
        tpu.vector_store %arg10[%swap3A_284], %swap3A_287 {strides = array<i32>} : memref<256xi32, #tpu.memory_space<vmem>>, vector<16xi32>,
        %get3A_288 = arith.constant 48 : index
        %get3A_289 = tpu.vector_load %arg8[%get3A_288] {strides = array<i32>} : memref<256xf32, #tpu.memory_space<vmem>>, vector<16xf32>,
        %get3A_290 = vector.shape_cast %get3A_289 : vector<16xf32> to vector<16xf32>
        %convert_element_type3A_291 = arith.fptosi %get3A_290 : vector<16xf32> to vector<16xi32>
        %add3A_292 = vector.broadcast %mul3A_6 : i32 to vector<16xi32>
        %add3A_293 = arith.addi %convert_element_type3A_291, %add3A_292 : vector<16xi32>
        %swap3A_294 = arith.constant 48 : index
        %swap3A_295 = tpu.vector_load %arg10[%swap3A_294] {strides = array<i32>} : memref<256xi32, #tpu.memory_space<vmem>>, vector<16xi32>,
        %swap3A_296 = vector.shape_cast %swap3A_295 : vector<16xi32> to vector<16xi32>
        %swap3A_297 = vector.shape_cast %add3A_293 : vector<16xi32> to vector<16xi32>
        tpu.vector_store %arg10[%swap3A_294], %swap3A_297 {strides = array<i32>} : memref<256xi32, #tpu.memory_space<vmem>>, vector<16xi32>,
        %get3A_298 = arith.constant 64 : index
        %get3A_299 = tpu.vector_load %arg8[%get3A_298] {strides = array<i32>} : memref<256xf32, #tpu.memory_space<vmem>>, vector<16xf32>,
        %get3A_300 = vector.shape_cast %get3A_299 : vector<16xf32> to vector<16xf32>
        %convert_element_type3A_301 = arith.fptosi %get3A_300 : vector<16xf32> to vector<16xi32>
        %add3A_302 = vector.broadcast %mul3A_6 : i32 to vector<16xi32>
        %add3A_303 = arith.addi %convert_element_type3A_301, %add3A_302 : vector<16xi32>
        %swap3A_304 = arith.constant 64 : index
        %swap3A_305 = tpu.vector_load %arg10[%swap3A_304] {strides = array<i32>} : memref<256xi32, #tpu.memory_space<vmem>>, vector<16xi32>,
        %swap3A_306 = vector.shape_cast %swap3A_305 : vector<16xi32> to vector<16xi32>
        %swap3A_307 = vector.shape_cast %add3A_303 : vector<16xi32> to vector<16xi32>
        tpu.vector_store %arg10[%swap3A_304], %swap3A_307 {strides = array<i32>} : memref<256xi32, #tpu.memory_space<vmem>>, vector<16xi32>,
        %get3A_308 = arith.constant 80 : index
        %get3A_309 = tpu.vector_load %arg8[%get3A_308] {strides = array<i32>} : memref<256xf32, #tpu.memory_space<vmem>>, vector<16xf32>,
        %get3A_310 = vector.shape_cast %get3A_309 : vector<16xf32> to vector<16xf32>
        %convert_element_type3A_311 = arith.fptosi %get3A_310 : vector<16xf32> to vector<16xi32>
        %add3A_312 = vector.broadcast %mul3A_6 : i32 to vector<16xi32>
        %add3A_313 = arith.addi %convert_element_type3A_311, %add3A_312 : vector<16xi32>
        %swap3A_314 = arith.constant 80 : index
        %swap3A_315 = tpu.vector_load %arg10[%swap3A_314] {strides = array<i32>} : memref<256xi32, #tpu.memory_space<vmem>>, vector<16xi32>,
        %swap3A_316 = vector.shape_cast %swap3A_315 : vector<16xi32> to vector<16xi32>
        %swap3A_317 = vector.shape_cast %add3A_313 : vector<16xi32> to vector<16xi32>
        tpu.vector_store %arg10[%swap3A_314], %swap3A_317 {strides = array<i32>} : memref<256xi32, #tpu.memory_space<vmem>>, vector<16xi32>,
        %get3A_318 = arith.constant 96 : index
        %get3A_319 = tpu.vector_load %arg8[%get3A_318] {strides = array<i32>} : memref<256xf32, #tpu.memory_space<vmem>>, vector<16xf32>,
        %get3A_320 = vector.shape_cast %get3A_319 : vector<16xf32> to vector<16xf32>
        %convert_element_type3A_321 = arith.fptosi %get3A_320 : vector<16xf32> to vector<16xi32>
        %add3A_322 = vector.broadcast %mul3A_6 : i32 to vector<16xi32>
        %add3A_323 = arith.addi %convert_element_type3A_321, %add3A_322 : vector<16xi32>
        %swap3A_324 = arith.constant 96 : index
        %swap3A_325 = tpu.vector_load %arg10[%swap3A_324] {strides = array<i32>} : memref<256xi32, #tpu.memory_space<vmem>>, vector<16xi32>,
        %swap3A_326 = vector.shape_cast %swap3A_325 : vector<16xi32> to vector<16xi32>
        %swap3A_327 = vector.shape_cast %add3A_323 : vector<16xi32> to vector<16xi32>
        tpu.vector_store %arg10[%swap3A_324], %swap3A_327 {strides = array<i32>} : memref<256xi32, #tpu.memory_space<vmem>>, vector<16xi32>,
        %get3A_328 = arith.constant 112 : index
        %get3A_329 = tpu.vector_load %arg8[%get3A_328] {strides = array<i32>} : memref<256xf32, #tpu.memory_space<vmem>>, vector<16xf32>,
        %get3A_330 = vector.shape_cast %get3A_329 : vector<16xf32> to vector<16xf32>
        %convert_element_type3A_331 = arith.fptosi %get3A_330 : vector<16xf32> to vector<16xi32>
        %add3A_332 = vector.broadcast %mul3A_6 : i32 to vector<16xi32>
        %add3A_333 = arith.addi %convert_element_type3A_331, %add3A_332 : vector<16xi32>
        %swap3A_334 = arith.constant 112 : index
        %swap3A_335 = tpu.vector_load %arg10[%swap3A_334] {strides = array<i32>} : memref<256xi32, #tpu.memory_space<vmem>>, vector<16xi32>,
        %swap3A_336 = vector.shape_cast %swap3A_335 : vector<16xi32> to vector<16xi32>
        %swap3A_337 = vector.shape_cast %add3A_333 : vector<16xi32> to vector<16xi32>
        tpu.vector_store %arg10[%swap3A_334], %swap3A_337 {strides = array<i32>} : memref<256xi32, #tpu.memory_space<vmem>>, vector<16xi32>,
        %get3A_338 = arith.constant 128 : index
        %get3A_339 = tpu.vector_load %arg8[%get3A_338] {strides = array<i32>} : memref<256xf32, #tpu.memory_space<vmem>>, vector<16xf32>,
        %get3A_340 = vector.shape_cast %get3A_339 : vector<16xf32> to vector<16xf32>
        %convert_element_type3A_341 = arith.fptosi %get3A_340 : vector<16xf32> to vector<16xi32>
        %add3A_342 = vector.broadcast %mul3A_6 : i32 to vector<16xi32>
        %add3A_343 = arith.addi %convert_element_type3A_341, %add3A_342 : vector<16xi32>
        %swap3A_344 = arith.constant 128 : index
        %swap3A_345 = tpu.vector_load %arg10[%swap3A_344] {strides = array<i32>} : memref<256xi32, #tpu.memory_space<vmem>>, vector<16xi32>,
        %swap3A_346 = vector.shape_cast %swap3A_345 : vector<16xi32> to vector<16xi32>
        %swap3A_347 = vector.shape_cast %add3A_343 : vector<16xi32> to vector<16xi32>
        tpu.vector_store %arg10[%swap3A_344], %swap3A_347 {strides = array<i32>} : memref<256xi32, #tpu.memory_space<vmem>>, vector<16xi32>,
        %get3A_348 = arith.constant 144 : index
        %get3A_349 = tpu.vector_load %arg8[%get3A_348] {strides = array<i32>} : memref<256xf32, #tpu.memory_space<vmem>>, vector<16xf32>,
        %get3A_350 = vector.shape_cast %get3A_349 : vector<16xf32> to vector<16xf32>
        %convert_element_type3A_351 = arith.fptosi %get3A_350 : vector<16xf32> to vector<16xi32>
        %add3A_352 = vector.broadcast %mul3A_6 : i32 to vector<16xi32>
        %add3A_353 = arith.addi %convert_element_type3A_351, %add3A_352 : vector<16xi32>
        %swap3A_354 = arith.constant 144 : index
        %swap3A_355 = tpu.vector_load %arg10[%swap3A_354] {strides = array<i32>} : memref<256xi32, #tpu.memory_space<vmem>>, vector<16xi32>,
        %swap3A_356 = vector.shape_cast %swap3A_355 : vector<16xi32> to vector<16xi32>
        %swap3A_357 = vector.shape_cast %add3A_353 : vector<16xi32> to vector<16xi32>
        tpu.vector_store %arg10[%swap3A_354], %swap3A_357 {strides = array<i32>} : memref<256xi32, #tpu.memory_space<vmem>>, vector<16xi32>,
        %get3A_358 = arith.constant 160 : index
        %get3A_359 = tpu.vector_load %arg8[%get3A_358] {strides = array<i32>} : memref<256xf32, #tpu.memory_space<vmem>>, vector<16xf32>,
        %get3A_360 = vector.shape_cast %get3A_359 : vector<16xf32> to vector<16xf32>
        %convert_element_type3A_361 = arith.fptosi %get3A_360 : vector<16xf32> to vector<16xi32>
        %add3A_362 = vector.broadcast %mul3A_6 : i32 to vector<16xi32>
        %add3A_363 = arith.addi %convert_element_type3A_361, %add3A_362 : vector<16xi32>
        %swap3A_364 = arith.constant 160 : index
        %swap3A_365 = tpu.vector_load %arg10[%swap3A_364] {strides = array<i32>} : memref<256xi32, #tpu.memory_space<vmem>>, vector<16xi32>,
        %swap3A_366 = vector.shape_cast %swap3A_365 : vector<16xi32> to vector<16xi32>
        %swap3A_367 = vector.shape_cast %add3A_363 : vector<16xi32> to vector<16xi32>
        tpu.vector_store %arg10[%swap3A_364], %swap3A_367 {strides = array<i32>} : memref<256xi32, #tpu.memory_space<vmem>>, vector<16xi32>,
        %get3A_368 = arith.constant 176 : index
        %get3A_369 = tpu.vector_load %arg8[%get3A_368] {strides = array<i32>} : memref<256xf32, #tpu.memory_space<vmem>>, vector<16xf32>,
        %get3A_370 = vector.shape_cast %get3A_369 : vector<16xf32> to vector<16xf32>
        %convert_element_type3A_371 = arith.fptosi %get3A_370 : vector<16xf32> to vector<16xi32>
        %add3A_372 = vector.broadcast %mul3A_6 : i32 to vector<16xi32>
        %add3A_373 = arith.addi %convert_element_type3A_371, %add3A_372 : vector<16xi32>
        %swap3A_374 = arith.constant 176 : index
        %swap3A_375 = tpu.vector_load %arg10[%swap3A_374] {strides = array<i32>} : memref<256xi32, #tpu.memory_space<vmem>>, vector<16xi32>,
        %swap3A_376 = vector.shape_cast %swap3A_375 : vector<16xi32> to vector<16xi32>
        %swap3A_377 = vector.shape_cast %add3A_373 : vector<16xi32> to vector<16xi32>
        tpu.vector_store %arg10[%swap3A_374], %swap3A_377 {strides = array<i32>} : memref<256xi32, #tpu.memory_space<vmem>>, vector<16xi32>,
        %get3A_378 = arith.constant 192 : index
        %get3A_379 = tpu.vector_load %arg8[%get3A_378] {strides = array<i32>} : memref<256xf32, #tpu.memory_space<vmem>>, vector<16xf32>,
        %get3A_380 = vector.shape_cast %get3A_379 : vector<16xf32> to vector<16xf32>
        %convert_element_type3A_381 = arith.fptosi %get3A_380 : vector<16xf32> to vector<16xi32>
        %add3A_382 = vector.broadcast %mul3A_6 : i32 to vector<16xi32>
        %add3A_383 = arith.addi %convert_element_type3A_381, %add3A_382 : vector<16xi32>
        %swap3A_384 = arith.constant 192 : index
        %swap3A_385 = tpu.vector_load %arg10[%swap3A_384] {strides = array<i32>} : memref<256xi32, #tpu.memory_space<vmem>>, vector<16xi32>,
        %swap3A_386 = vector.shape_cast %swap3A_385 : vector<16xi32> to vector<16xi32>
        %swap3A_387 = vector.shape_cast %add3A_383 : vector<16xi32> to vector<16xi32>
        tpu.vector_store %arg10[%swap3A_384], %swap3A_387 {strides = array<i32>} : memref<256xi32, #tpu.memory_space<vmem>>, vector<16xi32>,
        %get3A_388 = arith.constant 208 : index
        %get3A_389 = tpu.vector_load %arg8[%get3A_388] {strides = array<i32>} : memref<256xf32, #tpu.memory_space<vmem>>, vector<16xf32>,
        %get3A_390 = vector.shape_cast %get3A_389 : vector<16xf32> to vector<16xf32>
        %convert_element_type3A_391 = arith.fptosi %get3A_390 : vector<16xf32> to vector<16xi32>
        %add3A_392 = vector.broadcast %mul3A_6 : i32 to vector<16xi32>
        %add3A_393 = arith.addi %convert_element_type3A_391, %add3A_392 : vector<16xi32>
        %swap3A_394 = arith.constant 208 : index
        %swap3A_395 = tpu.vector_load %arg10[%swap3A_394] {strides = array<i32>} : memref<256xi32, #tpu.memory_space<vmem>>, vector<16xi32>,
        %swap3A_396 = vector.shape_cast %swap3A_395 : vector<16xi32> to vector<16xi32>
        %swap3A_397 = vector.shape_cast %add3A_393 : vector<16xi32> to vector<16xi32>
        tpu.vector_store %arg10[%swap3A_394], %swap3A_397 {strides = array<i32>} : memref<256xi32, #tpu.memory_space<vmem>>, vector<16xi32>,
        %get3A_398 = arith.constant 224 : index
        %get3A_399 = tpu.vector_load %arg8[%get3A_398] {strides = array<i32>} : memref<256xf32, #tpu.memory_space<vmem>>, vector<16xf32>,
        %get3A_400 = vector.shape_cast %get3A_399 : vector<16xf32> to vector<16xf32>
        %convert_element_type3A_401 = arith.fptosi %get3A_400 : vector<16xf32> to vector<16xi32>
        %add3A_402 = vector.broadcast %mul3A_6 : i32 to vector<16xi32>
        %add3A_403 = arith.addi %convert_element_type3A_401, %add3A_402 : vector<16xi32>
        %swap3A_404 = arith.constant 224 : index
        %swap3A_405 = tpu.vector_load %arg10[%swap3A_404] {strides = array<i32>} : memref<256xi32, #tpu.memory_space<vmem>>, vector<16xi32>,
        %swap3A_406 = vector.shape_cast %swap3A_405 : vector<16xi32> to vector<16xi32>
        %swap3A_407 = vector.shape_cast %add3A_403 : vector<16xi32> to vector<16xi32>
        tpu.vector_store %arg10[%swap3A_404], %swap3A_407 {strides = array<i32>} : memref<256xi32, #tpu.memory_space<vmem>>, vector<16xi32>,
        %get3A_408 = arith.constant 240 : index
        %get3A_409 = tpu.vector_load %arg8[%get3A_408] {strides = array<i32>} : memref<256xf32, #tpu.memory_space<vmem>>, vector<16xf32>,
        %get3A_410 = vector.shape_cast %get3A_409 : vector<16xf32> to vector<16xf32>
        %convert_element_type3A_411 = arith.fptosi %get3A_410 : vector<16xf32> to vector<16xi32>
        %add3A_412 = vector.broadcast %mul3A_6 : i32 to vector<16xi32>
        %add3A_413 = arith.addi %convert_element_type3A_411, %add3A_412 : vector<16xi32>
        %swap3A_414 = arith.constant 240 : index
        %swap3A_415 = tpu.vector_load %arg10[%swap3A_414] {strides = array<i32>} : memref<256xi32, #tpu.memory_space<vmem>>, vector<16xi32>,
        %swap3A_416 = vector.shape_cast %swap3A_415 : vector<16xi32> to vector<16xi32>
        %swap3A_417 = vector.shape_cast %add3A_413 : vector<16xi32> to vector<16xi32>
        tpu.vector_store %arg10[%swap3A_414], %swap3A_417 {strides = array<i32>} : memref<256xi32, #tpu.memory_space<vmem>>, vector<16xi32>,
        %sub3A_418 = arith.constant 512 : i32
        %sub3A_419 = arith.subi %add3A_246, %sub3A_418 : i32
        %dma_wait3A_420 = arith.constant 0 : i32
        %dma_wait3A_421 = tpu.memref_slice %arg4[%sub3A_419, %dma_wait3A_420] : memref<32768x128xf32, #tpu.memory_space<hbm>> -> memref<256x128xf32, #tpu.memory_space<hbm>>
        %dma_wait3A_422 = arith.constant 0 : i32
        %dma_wait3A_423 = tpu.memref_slice %arg4[%sub3A_419, %dma_wait3A_422] : memref<32768x128xf32, #tpu.memory_space<hbm>> -> memref<256x128xf32, #tpu.memory_space<hbm>>
        tpu.wait_dma2 semaphore(%arg18 : memref<!tpu.dma_semaphore, #tpu.memory_space<semaphore_mem>>) src(%arg12 : memref<256x128xf32, #tpu.memory_space<vmem>>) dst(%dma_wait3A_423 : memref<256x128xf32, #tpu.memory_space<hbm>>)
        %dma_start3A_424 = arith.constant 0 : i32
        %dma_start3A_425 = arith.constant 0 : i32
        %dma_start3A_426 = tpu.memref_slice %arg12[%dma_start3A_424, %dma_start3A_425] : memref<256x128xf32, #tpu.memory_space<vmem>> -> memref<128x128xf32, #tpu.memory_space<vmem>>
        %dma_start3A_427 = arith.constant 0 : i32
        %dma_start3A_428 = tpu.memref_slice %arg10[%dma_start3A_427] : memref<256xi32, #tpu.memory_space<vmem>> -> memref<128xi32, #tpu.memory_space<vmem>>
        %dma_start3A_429 = arith.constant 0 : i32
        %dma_start3A_430 = arith.constant 0 : i32
        %dma_start3A_431 = tpu.memref_slice %arg5[%dma_start3A_429, %dma_start3A_430] : memref<256x128xf32, #tpu.memory_space<vmem_shared>> -> memref<256x128xf32, #tpu.memory_space<vmem_shared>>
        tpu.enqueue_indirect_dma source(%dma_start3A_431 : memref<256x128xf32, #tpu.memory_space<vmem_shared>>) target(%dma_start3A_426 : memref<128x128xf32, #tpu.memory_space<vmem>>) offsets(%dma_start3A_428 : memref<128xi32, #tpu.memory_space<vmem>>) semaphore(%arg16 : memref<!tpu.dma_semaphore, #tpu.memory_space<semaphore_mem>>)
        %dma_start3A_432 = arith.constant 128 : i32
        %dma_start3A_433 = arith.constant 0 : i32
        %dma_start3A_434 = tpu.memref_slice %arg12[%dma_start3A_432, %dma_start3A_433] : memref<256x128xf32, #tpu.memory_space<vmem>> -> memref<128x128xf32, #tpu.memory_space<vmem>>
        %dma_start3A_435 = arith.constant 128 : i32
        %dma_start3A_436 = tpu.memref_slice %arg10[%dma_start3A_435] : memref<256xi32, #tpu.memory_space<vmem>> -> memref<128xi32, #tpu.memory_space<vmem>>
        %dma_start3A_437 = arith.constant 0 : i32
        %dma_start3A_438 = arith.constant 0 : i32
        %dma_start3A_439 = tpu.memref_slice %arg5[%dma_start3A_437, %dma_start3A_438] : memref<256x128xf32, #tpu.memory_space<vmem_shared>> -> memref<256x128xf32, #tpu.memory_space<vmem_shared>>
        tpu.enqueue_indirect_dma source(%dma_start3A_439 : memref<256x128xf32, #tpu.memory_space<vmem_shared>>) target(%dma_start3A_434 : memref<128x128xf32, #tpu.memory_space<vmem>>) offsets(%dma_start3A_436 : memref<128xi32, #tpu.memory_space<vmem>>) semaphore(%arg16 : memref<!tpu.dma_semaphore, #tpu.memory_space<semaphore_mem>>)
        %add3A_440 = arith.constant 1 : i32
        %add3A_441 = arith.addi %mul3A_231, %add3A_440 : i32
        %mul3A_442 = arith.constant 256 : i32
        %mul3A_443 = arith.muli %add3A_441, %mul3A_442 : i32
        %add3A_444 = arith.addi %mul3A_2, %mul3A_443 : i32
        %iota3A_445 = tpu.iota {dimensions = array<i32: 0>} : vector<16xi32>
        %mul3A_446 = arith.constant 8 : i32
        %mul3A_447 = vector.broadcast %mul3A_446 : i32 to vector<16xi32>
        %mul3A_448 = arith.muli %iota3A_445, %mul3A_447 : vector<16xi32>
        %add3A_449 = arith.constant 0 : i32
        %add3A_450 = arith.addi %add3A_444, %add3A_449 : i32
        %mul3A_451 = arith.constant 8 : i32
        %mul3A_452 = arith.muli %add3A_450, %mul3A_451 : i32
        %add3A_453 = arith.constant 7 : i32
        %add3A_454 = arith.addi %mul3A_452, %add3A_453 : i32
        %add3A_455 = vector.broadcast %add3A_454 : i32 to vector<16xi32>
        %add3A_456 = arith.addi %mul3A_448, %add3A_455 : vector<16xi32>
        %swap3A_457 = arith.constant 0 : index
        %swap3A_458 = tpu.vector_load %arg7[%swap3A_457] {strides = array<i32>} : memref<256xi32, #tpu.memory_space<vmem>>, vector<16xi32>,
        %swap3A_459 = vector.shape_cast %swap3A_458 : vector<16xi32> to vector<16xi32>
        %swap3A_460 = vector.shape_cast %add3A_456 : vector<16xi32> to vector<16xi32>
        tpu.vector_store %arg7[%swap3A_457], %swap3A_460 {strides = array<i32>} : memref<256xi32, #tpu.memory_space<vmem>>, vector<16xi32>,
        %add3A_461 = arith.constant 16 : i32
        %add3A_462 = arith.addi %add3A_444, %add3A_461 : i32
        %mul3A_463 = arith.constant 8 : i32
        %mul3A_464 = arith.muli %add3A_462, %mul3A_463 : i32
        %add3A_465 = arith.constant 7 : i32
        %add3A_466 = arith.addi %mul3A_464, %add3A_465 : i32
        %add3A_467 = vector.broadcast %add3A_466 : i32 to vector<16xi32>
        %add3A_468 = arith.addi %mul3A_448, %add3A_467 : vector<16xi32>
        %swap3A_469 = arith.constant 16 : index
        %swap3A_470 = tpu.vector_load %arg7[%swap3A_469] {strides = array<i32>} : memref<256xi32, #tpu.memory_space<vmem>>, vector<16xi32>,
        %swap3A_471 = vector.shape_cast %swap3A_470 : vector<16xi32> to vector<16xi32>
        %swap3A_472 = vector.shape_cast %add3A_468 : vector<16xi32> to vector<16xi32>
        tpu.vector_store %arg7[%swap3A_469], %swap3A_472 {strides = array<i32>} : memref<256xi32, #tpu.memory_space<vmem>>, vector<16xi32>,
        %add3A_473 = arith.constant 32 : i32
        %add3A_474 = arith.addi %add3A_444, %add3A_473 : i32
        %mul3A_475 = arith.constant 8 : i32
        %mul3A_476 = arith.muli %add3A_474, %mul3A_475 : i32
        %add3A_477 = arith.constant 7 : i32
        %add3A_478 = arith.addi %mul3A_476, %add3A_477 : i32
        %add3A_479 = vector.broadcast %add3A_478 : i32 to vector<16xi32>
        %add3A_480 = arith.addi %mul3A_448, %add3A_479 : vector<16xi32>
        %swap3A_481 = arith.constant 32 : index
        %swap3A_482 = tpu.vector_load %arg7[%swap3A_481] {strides = array<i32>} : memref<256xi32, #tpu.memory_space<vmem>>, vector<16xi32>,
        %swap3A_483 = vector.shape_cast %swap3A_482 : vector<16xi32> to vector<16xi32>
        %swap3A_484 = vector.shape_cast %add3A_480 : vector<16xi32> to vector<16xi32>
        tpu.vector_store %arg7[%swap3A_481], %swap3A_484 {strides = array<i32>} : memref<256xi32, #tpu.memory_space<vmem>>, vector<16xi32>,
        %add3A_485 = arith.constant 48 : i32
        %add3A_486 = arith.addi %add3A_444, %add3A_485 : i32
        %mul3A_487 = arith.constant 8 : i32
        %mul3A_488 = arith.muli %add3A_486, %mul3A_487 : i32
        %add3A_489 = arith.constant 7 : i32
        %add3A_490 = arith.addi %mul3A_488, %add3A_489 : i32
        %add3A_491 = vector.broadcast %add3A_490 : i32 to vector<16xi32>
        %add3A_492 = arith.addi %mul3A_448, %add3A_491 : vector<16xi32>
        %swap3A_493 = arith.constant 48 : index
        %swap3A_494 = tpu.vector_load %arg7[%swap3A_493] {strides = array<i32>} : memref<256xi32, #tpu.memory_space<vmem>>, vector<16xi32>,
        %swap3A_495 = vector.shape_cast %swap3A_494 : vector<16xi32> to vector<16xi32>
        %swap3A_496 = vector.shape_cast %add3A_492 : vector<16xi32> to vector<16xi32>
        tpu.vector_store %arg7[%swap3A_493], %swap3A_496 {strides = array<i32>} : memref<256xi32, #tpu.memory_space<vmem>>, vector<16xi32>,
        %add3A_497 = arith.constant 64 : i32
        %add3A_498 = arith.addi %add3A_444, %add3A_497 : i32
        %mul3A_499 = arith.constant 8 : i32
        %mul3A_500 = arith.muli %add3A_498, %mul3A_499 : i32
        %add3A_501 = arith.constant 7 : i32
        %add3A_502 = arith.addi %mul3A_500, %add3A_501 : i32
        %add3A_503 = vector.broadcast %add3A_502 : i32 to vector<16xi32>
        %add3A_504 = arith.addi %mul3A_448, %add3A_503 : vector<16xi32>
        %swap3A_505 = arith.constant 64 : index
        %swap3A_506 = tpu.vector_load %arg7[%swap3A_505] {strides = array<i32>} : memref<256xi32, #tpu.memory_space<vmem>>, vector<16xi32>,
        %swap3A_507 = vector.shape_cast %swap3A_506 : vector<16xi32> to vector<16xi32>
        %swap3A_508 = vector.shape_cast %add3A_504 : vector<16xi32> to vector<16xi32>
        tpu.vector_store %arg7[%swap3A_505], %swap3A_508 {strides = array<i32>} : memref<256xi32, #tpu.memory_space<vmem>>, vector<16xi32>,
        %add3A_509 = arith.constant 80 : i32
        %add3A_510 = arith.addi %add3A_444, %add3A_509 : i32
        %mul3A_511 = arith.constant 8 : i32
        %mul3A_512 = arith.muli %add3A_510, %mul3A_511 : i32
        %add3A_513 = arith.constant 7 : i32
        %add3A_514 = arith.addi %mul3A_512, %add3A_513 : i32
        %add3A_515 = vector.broadcast %add3A_514 : i32 to vector<16xi32>
        %add3A_516 = arith.addi %mul3A_448, %add3A_515 : vector<16xi32>
        %swap3A_517 = arith.constant 80 : index
        %swap3A_518 = tpu.vector_load %arg7[%swap3A_517] {strides = array<i32>} : memref<256xi32, #tpu.memory_space<vmem>>, vector<16xi32>,
        %swap3A_519 = vector.shape_cast %swap3A_518 : vector<16xi32> to vector<16xi32>
        %swap3A_520 = vector.shape_cast %add3A_516 : vector<16xi32> to vector<16xi32>
        tpu.vector_store %arg7[%swap3A_517], %swap3A_520 {strides = array<i32>} : memref<256xi32, #tpu.memory_space<vmem>>, vector<16xi32>,
        %add3A_521 = arith.constant 96 : i32
        %add3A_522 = arith.addi %add3A_444, %add3A_521 : i32
        %mul3A_523 = arith.constant 8 : i32
        %mul3A_524 = arith.muli %add3A_522, %mul3A_523 : i32
        %add3A_525 = arith.constant 7 : i32
        %add3A_526 = arith.addi %mul3A_524, %add3A_525 : i32
        %add3A_527 = vector.broadcast %add3A_526 : i32 to vector<16xi32>
        %add3A_528 = arith.addi %mul3A_448, %add3A_527 : vector<16xi32>
        %swap3A_529 = arith.constant 96 : index
        %swap3A_530 = tpu.vector_load %arg7[%swap3A_529] {strides = array<i32>} : memref<256xi32, #tpu.memory_space<vmem>>, vector<16xi32>,
        %swap3A_531 = vector.shape_cast %swap3A_530 : vector<16xi32> to vector<16xi32>
        %swap3A_532 = vector.shape_cast %add3A_528 : vector<16xi32> to vector<16xi32>
        tpu.vector_store %arg7[%swap3A_529], %swap3A_532 {strides = array<i32>} : memref<256xi32, #tpu.memory_space<vmem>>, vector<16xi32>,
        %add3A_533 = arith.constant 112 : i32
        %add3A_534 = arith.addi %add3A_444, %add3A_533 : i32
        %mul3A_535 = arith.constant 8 : i32
        %mul3A_536 = arith.muli %add3A_534, %mul3A_535 : i32
        %add3A_537 = arith.constant 7 : i32
        %add3A_538 = arith.addi %mul3A_536, %add3A_537 : i32
        %add3A_539 = vector.broadcast %add3A_538 : i32 to vector<16xi32>
        %add3A_540 = arith.addi %mul3A_448, %add3A_539 : vector<16xi32>
        %swap3A_541 = arith.constant 112 : index
        %swap3A_542 = tpu.vector_load %arg7[%swap3A_541] {strides = array<i32>} : memref<256xi32, #tpu.memory_space<vmem>>, vector<16xi32>,
        %swap3A_543 = vector.shape_cast %swap3A_542 : vector<16xi32> to vector<16xi32>
        %swap3A_544 = vector.shape_cast %add3A_540 : vector<16xi32> to vector<16xi32>
        tpu.vector_store %arg7[%swap3A_541], %swap3A_544 {strides = array<i32>} : memref<256xi32, #tpu.memory_space<vmem>>, vector<16xi32>,
        %add3A_545 = arith.constant 128 : i32
        %add3A_546 = arith.addi %add3A_444, %add3A_545 : i32
        %mul3A_547 = arith.constant 8 : i32
        %mul3A_548 = arith.muli %add3A_546, %mul3A_547 : i32
        %add3A_549 = arith.constant 7 : i32
        %add3A_550 = arith.addi %mul3A_548, %add3A_549 : i32
        %add3A_551 = vector.broadcast %add3A_550 : i32 to vector<16xi32>
        %add3A_552 = arith.addi %mul3A_448, %add3A_551 : vector<16xi32>
        %swap3A_553 = arith.constant 128 : index
        %swap3A_554 = tpu.vector_load %arg7[%swap3A_553] {strides = array<i32>} : memref<256xi32, #tpu.memory_space<vmem>>, vector<16xi32>,
        %swap3A_555 = vector.shape_cast %swap3A_554 : vector<16xi32> to vector<16xi32>
        %swap3A_556 = vector.shape_cast %add3A_552 : vector<16xi32> to vector<16xi32>
        tpu.vector_store %arg7[%swap3A_553], %swap3A_556 {strides = array<i32>} : memref<256xi32, #tpu.memory_space<vmem>>, vector<16xi32>,
        %add3A_557 = arith.constant 144 : i32
        %add3A_558 = arith.addi %add3A_444, %add3A_557 : i32
        %mul3A_559 = arith.constant 8 : i32
        %mul3A_560 = arith.muli %add3A_558, %mul3A_559 : i32
        %add3A_561 = arith.constant 7 : i32
        %add3A_562 = arith.addi %mul3A_560, %add3A_561 : i32
        %add3A_563 = vector.broadcast %add3A_562 : i32 to vector<16xi32>
        %add3A_564 = arith.addi %mul3A_448, %add3A_563 : vector<16xi32>
        %swap3A_565 = arith.constant 144 : index
        %swap3A_566 = tpu.vector_load %arg7[%swap3A_565] {strides = array<i32>} : memref<256xi32, #tpu.memory_space<vmem>>, vector<16xi32>,
        %swap3A_567 = vector.shape_cast %swap3A_566 : vector<16xi32> to vector<16xi32>
        %swap3A_568 = vector.shape_cast %add3A_564 : vector<16xi32> to vector<16xi32>
        tpu.vector_store %arg7[%swap3A_565], %swap3A_568 {strides = array<i32>} : memref<256xi32, #tpu.memory_space<vmem>>, vector<16xi32>,
        %add3A_569 = arith.constant 160 : i32
        %add3A_570 = arith.addi %add3A_444, %add3A_569 : i32
        %mul3A_571 = arith.constant 8 : i32
        %mul3A_572 = arith.muli %add3A_570, %mul3A_571 : i32
        %add3A_573 = arith.constant 7 : i32
        %add3A_574 = arith.addi %mul3A_572, %add3A_573 : i32
        %add3A_575 = vector.broadcast %add3A_574 : i32 to vector<16xi32>
        %add3A_576 = arith.addi %mul3A_448, %add3A_575 : vector<16xi32>
        %swap3A_577 = arith.constant 160 : index
        %swap3A_578 = tpu.vector_load %arg7[%swap3A_577] {strides = array<i32>} : memref<256xi32, #tpu.memory_space<vmem>>, vector<16xi32>,
        %swap3A_579 = vector.shape_cast %swap3A_578 : vector<16xi32> to vector<16xi32>
        %swap3A_580 = vector.shape_cast %add3A_576 : vector<16xi32> to vector<16xi32>
        tpu.vector_store %arg7[%swap3A_577], %swap3A_580 {strides = array<i32>} : memref<256xi32, #tpu.memory_space<vmem>>, vector<16xi32>,
        %add3A_581 = arith.constant 176 : i32
        %add3A_582 = arith.addi %add3A_444, %add3A_581 : i32
        %mul3A_583 = arith.constant 8 : i32
        %mul3A_584 = arith.muli %add3A_582, %mul3A_583 : i32
        %add3A_585 = arith.constant 7 : i32
        %add3A_586 = arith.addi %mul3A_584, %add3A_585 : i32
        %add3A_587 = vector.broadcast %add3A_586 : i32 to vector<16xi32>
        %add3A_588 = arith.addi %mul3A_448, %add3A_587 : vector<16xi32>
        %swap3A_589 = arith.constant 176 : index
        %swap3A_590 = tpu.vector_load %arg7[%swap3A_589] {strides = array<i32>} : memref<256xi32, #tpu.memory_space<vmem>>, vector<16xi32>,
        %swap3A_591 = vector.shape_cast %swap3A_590 : vector<16xi32> to vector<16xi32>
        %swap3A_592 = vector.shape_cast %add3A_588 : vector<16xi32> to vector<16xi32>
        tpu.vector_store %arg7[%swap3A_589], %swap3A_592 {strides = array<i32>} : memref<256xi32, #tpu.memory_space<vmem>>, vector<16xi32>,
        %add3A_593 = arith.constant 192 : i32
        %add3A_594 = arith.addi %add3A_444, %add3A_593 : i32
        %mul3A_595 = arith.constant 8 : i32
        %mul3A_596 = arith.muli %add3A_594, %mul3A_595 : i32
        %add3A_597 = arith.constant 7 : i32
        %add3A_598 = arith.addi %mul3A_596, %add3A_597 : i32
        %add3A_599 = vector.broadcast %add3A_598 : i32 to vector<16xi32>
        %add3A_600 = arith.addi %mul3A_448, %add3A_599 : vector<16xi32>
        %swap3A_601 = arith.constant 192 : index
        %swap3A_602 = tpu.vector_load %arg7[%swap3A_601] {strides = array<i32>} : memref<256xi32, #tpu.memory_space<vmem>>, vector<16xi32>,
        %swap3A_603 = vector.shape_cast %swap3A_602 : vector<16xi32> to vector<16xi32>
        %swap3A_604 = vector.shape_cast %add3A_600 : vector<16xi32> to vector<16xi32>
        tpu.vector_store %arg7[%swap3A_601], %swap3A_604 {strides = array<i32>} : memref<256xi32, #tpu.memory_space<vmem>>, vector<16xi32>,
        %add3A_605 = arith.constant 208 : i32
        %add3A_606 = arith.addi %add3A_444, %add3A_605 : i32
        %mul3A_607 = arith.constant 8 : i32
        %mul3A_608 = arith.muli %add3A_606, %mul3A_607 : i32
        %add3A_609 = arith.constant 7 : i32
        %add3A_610 = arith.addi %mul3A_608, %add3A_609 : i32
        %add3A_611 = vector.broadcast %add3A_610 : i32 to vector<16xi32>
        %add3A_612 = arith.addi %mul3A_448, %add3A_611 : vector<16xi32>
        %swap3A_613 = arith.constant 208 : index
        %swap3A_614 = tpu.vector_load %arg7[%swap3A_613] {strides = array<i32>} : memref<256xi32, #tpu.memory_space<vmem>>, vector<16xi32>,
        %swap3A_615 = vector.shape_cast %swap3A_614 : vector<16xi32> to vector<16xi32>
        %swap3A_616 = vector.shape_cast %add3A_612 : vector<16xi32> to vector<16xi32>
        tpu.vector_store %arg7[%swap3A_613], %swap3A_616 {strides = array<i32>} : memref<256xi32, #tpu.memory_space<vmem>>, vector<16xi32>,
        %add3A_617 = arith.constant 224 : i32
        %add3A_618 = arith.addi %add3A_444, %add3A_617 : i32
        %mul3A_619 = arith.constant 8 : i32
        %mul3A_620 = arith.muli %add3A_618, %mul3A_619 : i32
        %add3A_621 = arith.constant 7 : i32
        %add3A_622 = arith.addi %mul3A_620, %add3A_621 : i32
        %add3A_623 = vector.broadcast %add3A_622 : i32 to vector<16xi32>
        %add3A_624 = arith.addi %mul3A_448, %add3A_623 : vector<16xi32>
        %swap3A_625 = arith.constant 224 : index
        %swap3A_626 = tpu.vector_load %arg7[%swap3A_625] {strides = array<i32>} : memref<256xi32, #tpu.memory_space<vmem>>, vector<16xi32>,
        %swap3A_627 = vector.shape_cast %swap3A_626 : vector<16xi32> to vector<16xi32>
        %swap3A_628 = vector.shape_cast %add3A_624 : vector<16xi32> to vector<16xi32>
        tpu.vector_store %arg7[%swap3A_625], %swap3A_628 {strides = array<i32>} : memref<256xi32, #tpu.memory_space<vmem>>, vector<16xi32>,
        %add3A_629 = arith.constant 240 : i32
        %add3A_630 = arith.addi %add3A_444, %add3A_629 : i32
        %mul3A_631 = arith.constant 8 : i32
        %mul3A_632 = arith.muli %add3A_630, %mul3A_631 : i32
        %add3A_633 = arith.constant 7 : i32
        %add3A_634 = arith.addi %mul3A_632, %add3A_633 : i32
        %add3A_635 = vector.broadcast %add3A_634 : i32 to vector<16xi32>
        %add3A_636 = arith.addi %mul3A_448, %add3A_635 : vector<16xi32>
        %swap3A_637 = arith.constant 240 : index
        %swap3A_638 = tpu.vector_load %arg7[%swap3A_637] {strides = array<i32>} : memref<256xi32, #tpu.memory_space<vmem>>, vector<16xi32>,
        %swap3A_639 = vector.shape_cast %swap3A_638 : vector<16xi32> to vector<16xi32>
        %swap3A_640 = vector.shape_cast %add3A_636 : vector<16xi32> to vector<16xi32>
        tpu.vector_store %arg7[%swap3A_637], %swap3A_640 {strides = array<i32>} : memref<256xi32, #tpu.memory_space<vmem>>, vector<16xi32>,
        %dma_start3A_641 = arith.constant 0 : i32
        %dma_start3A_642 = tpu.memref_slice %arg9[%dma_start3A_641] : memref<256xf32, #tpu.memory_space<vmem>> -> memref<128xf32, #tpu.memory_space<vmem>>
        %dma_start3A_643 = arith.constant 0 : i32
        %dma_start3A_644 = tpu.memref_slice %arg7[%dma_start3A_643] : memref<256xi32, #tpu.memory_space<vmem>> -> memref<128xi32, #tpu.memory_space<vmem>>
        %dma_start3A_645 = arith.constant 0 : i32
        %dma_start3A_646 = tpu.memref_slice %arg2[%dma_start3A_645] : memref<26214400xf32, #tpu.memory_space<hbm>> -> memref<26214400xf32, #tpu.memory_space<hbm>>
        tpu.enqueue_indirect_dma source(%dma_start3A_646 : memref<26214400xf32, #tpu.memory_space<hbm>>) target(%dma_start3A_642 : memref<128xf32, #tpu.memory_space<vmem>>) offsets(%dma_start3A_644 : memref<128xi32, #tpu.memory_space<vmem>>) semaphore(%arg15 : memref<!tpu.dma_semaphore, #tpu.memory_space<semaphore_mem>>)
        %dma_start3A_647 = arith.constant 128 : i32
        %dma_start3A_648 = tpu.memref_slice %arg9[%dma_start3A_647] : memref<256xf32, #tpu.memory_space<vmem>> -> memref<128xf32, #tpu.memory_space<vmem>>
        %dma_start3A_649 = arith.constant 128 : i32
        %dma_start3A_650 = tpu.memref_slice %arg7[%dma_start3A_649] : memref<256xi32, #tpu.memory_space<vmem>> -> memref<128xi32, #tpu.memory_space<vmem>>
        %dma_start3A_651 = arith.constant 0 : i32
        %dma_start3A_652 = tpu.memref_slice %arg2[%dma_start3A_651] : memref<26214400xf32, #tpu.memory_space<hbm>> -> memref<26214400xf32, #tpu.memory_space<hbm>>
        tpu.enqueue_indirect_dma source(%dma_start3A_652 : memref<26214400xf32, #tpu.memory_space<hbm>>) target(%dma_start3A_648 : memref<128xf32, #tpu.memory_space<vmem>>) offsets(%dma_start3A_650 : memref<128xi32, #tpu.memory_space<vmem>>) semaphore(%arg15 : memref<!tpu.dma_semaphore, #tpu.memory_space<semaphore_mem>>)
        %dma_wait3A_653 = arith.constant 0 : i32
        %dma_wait3A_654 = arith.constant 0 : i32
        %dma_wait3A_655 = tpu.memref_slice %arg12[%dma_wait3A_653, %dma_wait3A_654] : memref<256x128xf32, #tpu.memory_space<vmem>> -> memref<128x128xf32, #tpu.memory_space<vmem>>
        %dma_wait3A_656 = arith.constant 0 : i32
        %dma_wait3A_657 = tpu.memref_slice %arg10[%dma_wait3A_656] : memref<256xi32, #tpu.memory_space<vmem>> -> memref<128xi32, #tpu.memory_space<vmem>>
        %dma_wait3A_658 = arith.constant 0 : i32
        %dma_wait3A_659 = arith.constant 0 : i32
        %dma_wait3A_660 = tpu.memref_slice %arg5[%dma_wait3A_658, %dma_wait3A_659] : memref<256x128xf32, #tpu.memory_space<vmem_shared>> -> memref<256x128xf32, #tpu.memory_space<vmem_shared>>
        tpu.wait_indirect_dma semaphore(%arg16 : memref<!tpu.dma_semaphore, #tpu.memory_space<semaphore_mem>>) src(%dma_wait3A_660 : memref<256x128xf32, #tpu.memory_space<vmem_shared>>) dst(%dma_wait3A_655 : memref<128x128xf32, #tpu.memory_space<vmem>>)
        %dma_wait3A_661 = arith.constant 128 : i32
        %dma_wait3A_662 = arith.constant 0 : i32
        %dma_wait3A_663 = tpu.memref_slice %arg12[%dma_wait3A_661, %dma_wait3A_662] : memref<256x128xf32, #tpu.memory_space<vmem>> -> memref<128x128xf32, #tpu.memory_space<vmem>>
        %dma_wait3A_664 = arith.constant 128 : i32
        %dma_wait3A_665 = tpu.memref_slice %arg10[%dma_wait3A_664] : memref<256xi32, #tpu.memory_space<vmem>> -> memref<128xi32, #tpu.memory_space<vmem>>
        %dma_wait3A_666 = arith.constant 0 : i32
        %dma_wait3A_667 = arith.constant 0 : i32
        %dma_wait3A_668 = tpu.memref_slice %arg5[%dma_wait3A_666, %dma_wait3A_667] : memref<256x128xf32, #tpu.memory_space<vmem_shared>> -> memref<256x128xf32, #tpu.memory_space<vmem_shared>>
        tpu.wait_indirect_dma semaphore(%arg16 : memref<!tpu.dma_semaphore, #tpu.memory_space<semaphore_mem>>) src(%dma_wait3A_668 : memref<256x128xf32, #tpu.memory_space<vmem_shared>>) dst(%dma_wait3A_663 : memref<128x128xf32, #tpu.memory_space<vmem>>)
        %dma_start3A_669 = arith.constant 0 : i32
        %dma_start3A_670 = tpu.memref_slice %arg4[%add3A_246, %dma_start3A_669] : memref<32768x128xf32, #tpu.memory_space<hbm>> -> memref<256x128xf32, #tpu.memory_space<hbm>>
        %dma_start3A_671 = arith.constant 0 : i32
        %dma_start3A_672 = tpu.memref_slice %arg4[%add3A_246, %dma_start3A_671] : memref<32768x128xf32, #tpu.memory_space<hbm>> -> memref<256x128xf32, #tpu.memory_space<hbm>>
        tpu.enqueue_dma source(%arg12 : memref<256x128xf32, #tpu.memory_space<vmem>>) target(%dma_start3A_672 : memref<256x128xf32, #tpu.memory_space<hbm>>) target_semaphore(%arg18 : memref<!tpu.dma_semaphore, #tpu.memory_space<semaphore_mem>>)
        %add3A_673 = arith.constant 1 : i32
        %add3A_674 = arith.addi %mul3A_231, %add3A_673 : i32
        %mul3A_675 = arith.constant 256 : i32
        %mul3A_676 = arith.muli %add3A_674, %mul3A_675 : i32
        %add3A_677 = arith.addi %mul3A_2, %mul3A_676 : i32
        %dma_wait3A_678 = arith.constant 0 : i32
        %dma_wait3A_679 = tpu.memref_slice %arg9[%dma_wait3A_678] : memref<256xf32, #tpu.memory_space<vmem>> -> memref<128xf32, #tpu.memory_space<vmem>>
        %dma_wait3A_680 = arith.constant 0 : i32
        %dma_wait3A_681 = tpu.memref_slice %arg7[%dma_wait3A_680] : memref<256xi32, #tpu.memory_space<vmem>> -> memref<128xi32, #tpu.memory_space<vmem>>
        %dma_wait3A_682 = arith.constant 0 : i32
        %dma_wait3A_683 = tpu.memref_slice %arg2[%dma_wait3A_682] : memref<26214400xf32, #tpu.memory_space<hbm>> -> memref<26214400xf32, #tpu.memory_space<hbm>>
        tpu.wait_indirect_dma semaphore(%arg15 : memref<!tpu.dma_semaphore, #tpu.memory_space<semaphore_mem>>) src(%dma_wait3A_683 : memref<26214400xf32, #tpu.memory_space<hbm>>) dst(%dma_wait3A_679 : memref<128xf32, #tpu.memory_space<vmem>>)
        %dma_wait3A_684 = arith.constant 128 : i32
        %dma_wait3A_685 = tpu.memref_slice %arg9[%dma_wait3A_684] : memref<256xf32, #tpu.memory_space<vmem>> -> memref<128xf32, #tpu.memory_space<vmem>>
        %dma_wait3A_686 = arith.constant 128 : i32
        %dma_wait3A_687 = tpu.memref_slice %arg7[%dma_wait3A_686] : memref<256xi32, #tpu.memory_space<vmem>> -> memref<128xi32, #tpu.memory_space<vmem>>
        %dma_wait3A_688 = arith.constant 0 : i32
        %dma_wait3A_689 = tpu.memref_slice %arg2[%dma_wait3A_688] : memref<26214400xf32, #tpu.memory_space<hbm>> -> memref<26214400xf32, #tpu.memory_space<hbm>>
        tpu.wait_indirect_dma semaphore(%arg15 : memref<!tpu.dma_semaphore, #tpu.memory_space<semaphore_mem>>) src(%dma_wait3A_689 : memref<26214400xf32, #tpu.memory_space<hbm>>) dst(%dma_wait3A_685 : memref<128xf32, #tpu.memory_space<vmem>>)
        %get3A_690 = arith.constant 0 : index
        %get3A_691 = tpu.vector_load %arg9[%get3A_690] {strides = array<i32>} : memref<256xf32, #tpu.memory_space<vmem>>, vector<16xf32>,
        %get3A_692 = vector.shape_cast %get3A_691 : vector<16xf32> to vector<16xf32>
        %convert_element_type3A_693 = arith.fptosi %get3A_692 : vector<16xf32> to vector<16xi32>
        %add3A_694 = vector.broadcast %mul3A_6 : i32 to vector<16xi32>
        %add3A_695 = arith.addi %convert_element_type3A_693, %add3A_694 : vector<16xi32>
        %swap3A_696 = arith.constant 0 : index
        %swap3A_697 = tpu.vector_load %arg11[%swap3A_696] {strides = array<i32>} : memref<256xi32, #tpu.memory_space<vmem>>, vector<16xi32>,
        %swap3A_698 = vector.shape_cast %swap3A_697 : vector<16xi32> to vector<16xi32>
        %swap3A_699 = vector.shape_cast %add3A_695 : vector<16xi32> to vector<16xi32>
        tpu.vector_store %arg11[%swap3A_696], %swap3A_699 {strides = array<i32>} : memref<256xi32, #tpu.memory_space<vmem>>, vector<16xi32>,
        %get3A_700 = arith.constant 16 : index
        %get3A_701 = tpu.vector_load %arg9[%get3A_700] {strides = array<i32>} : memref<256xf32, #tpu.memory_space<vmem>>, vector<16xf32>,
        %get3A_702 = vector.shape_cast %get3A_701 : vector<16xf32> to vector<16xf32>
        %convert_element_type3A_703 = arith.fptosi %get3A_702 : vector<16xf32> to vector<16xi32>
        %add3A_704 = vector.broadcast %mul3A_6 : i32 to vector<16xi32>
        %add3A_705 = arith.addi %convert_element_type3A_703, %add3A_704 : vector<16xi32>
        %swap3A_706 = arith.constant 16 : index
        %swap3A_707 = tpu.vector_load %arg11[%swap3A_706] {strides = array<i32>} : memref<256xi32, #tpu.memory_space<vmem>>, vector<16xi32>,
        %swap3A_708 = vector.shape_cast %swap3A_707 : vector<16xi32> to vector<16xi32>
        %swap3A_709 = vector.shape_cast %add3A_705 : vector<16xi32> to vector<16xi32>
        tpu.vector_store %arg11[%swap3A_706], %swap3A_709 {strides = array<i32>} : memref<256xi32, #tpu.memory_space<vmem>>, vector<16xi32>,
        %get3A_710 = arith.constant 32 : index
        %get3A_711 = tpu.vector_load %arg9[%get3A_710] {strides = array<i32>} : memref<256xf32, #tpu.memory_space<vmem>>, vector<16xf32>,
        %get3A_712 = vector.shape_cast %get3A_711 : vector<16xf32> to vector<16xf32>
        %convert_element_type3A_713 = arith.fptosi %get3A_712 : vector<16xf32> to vector<16xi32>
        %add3A_714 = vector.broadcast %mul3A_6 : i32 to vector<16xi32>
        %add3A_715 = arith.addi %convert_element_type3A_713, %add3A_714 : vector<16xi32>
        %swap3A_716 = arith.constant 32 : index
        %swap3A_717 = tpu.vector_load %arg11[%swap3A_716] {strides = array<i32>} : memref<256xi32, #tpu.memory_space<vmem>>, vector<16xi32>,
        %swap3A_718 = vector.shape_cast %swap3A_717 : vector<16xi32> to vector<16xi32>
        %swap3A_719 = vector.shape_cast %add3A_715 : vector<16xi32> to vector<16xi32>
        tpu.vector_store %arg11[%swap3A_716], %swap3A_719 {strides = array<i32>} : memref<256xi32, #tpu.memory_space<vmem>>, vector<16xi32>,
        %get3A_720 = arith.constant 48 : index
        %get3A_721 = tpu.vector_load %arg9[%get3A_720] {strides = array<i32>} : memref<256xf32, #tpu.memory_space<vmem>>, vector<16xf32>,
        %get3A_722 = vector.shape_cast %get3A_721 : vector<16xf32> to vector<16xf32>
        %convert_element_type3A_723 = arith.fptosi %get3A_722 : vector<16xf32> to vector<16xi32>
        %add3A_724 = vector.broadcast %mul3A_6 : i32 to vector<16xi32>
        %add3A_725 = arith.addi %convert_element_type3A_723, %add3A_724 : vector<16xi32>
        %swap3A_726 = arith.constant 48 : index
        %swap3A_727 = tpu.vector_load %arg11[%swap3A_726] {strides = array<i32>} : memref<256xi32, #tpu.memory_space<vmem>>, vector<16xi32>,
        %swap3A_728 = vector.shape_cast %swap3A_727 : vector<16xi32> to vector<16xi32>
        %swap3A_729 = vector.shape_cast %add3A_725 : vector<16xi32> to vector<16xi32>
        tpu.vector_store %arg11[%swap3A_726], %swap3A_729 {strides = array<i32>} : memref<256xi32, #tpu.memory_space<vmem>>, vector<16xi32>,
        %get3A_730 = arith.constant 64 : index
        %get3A_731 = tpu.vector_load %arg9[%get3A_730] {strides = array<i32>} : memref<256xf32, #tpu.memory_space<vmem>>, vector<16xf32>,
        %get3A_732 = vector.shape_cast %get3A_731 : vector<16xf32> to vector<16xf32>
        %convert_element_type3A_733 = arith.fptosi %get3A_732 : vector<16xf32> to vector<16xi32>
        %add3A_734 = vector.broadcast %mul3A_6 : i32 to vector<16xi32>
        %add3A_735 = arith.addi %convert_element_type3A_733, %add3A_734 : vector<16xi32>
        %swap3A_736 = arith.constant 64 : index
        %swap3A_737 = tpu.vector_load %arg11[%swap3A_736] {strides = array<i32>} : memref<256xi32, #tpu.memory_space<vmem>>, vector<16xi32>,
        %swap3A_738 = vector.shape_cast %swap3A_737 : vector<16xi32> to vector<16xi32>
        %swap3A_739 = vector.shape_cast %add3A_735 : vector<16xi32> to vector<16xi32>
        tpu.vector_store %arg11[%swap3A_736], %swap3A_739 {strides = array<i32>} : memref<256xi32, #tpu.memory_space<vmem>>, vector<16xi32>,
        %get3A_740 = arith.constant 80 : index
        %get3A_741 = tpu.vector_load %arg9[%get3A_740] {strides = array<i32>} : memref<256xf32, #tpu.memory_space<vmem>>, vector<16xf32>,
        %get3A_742 = vector.shape_cast %get3A_741 : vector<16xf32> to vector<16xf32>
        %convert_element_type3A_743 = arith.fptosi %get3A_742 : vector<16xf32> to vector<16xi32>
        %add3A_744 = vector.broadcast %mul3A_6 : i32 to vector<16xi32>
        %add3A_745 = arith.addi %convert_element_type3A_743, %add3A_744 : vector<16xi32>
        %swap3A_746 = arith.constant 80 : index
        %swap3A_747 = tpu.vector_load %arg11[%swap3A_746] {strides = array<i32>} : memref<256xi32, #tpu.memory_space<vmem>>, vector<16xi32>,
        %swap3A_748 = vector.shape_cast %swap3A_747 : vector<16xi32> to vector<16xi32>
        %swap3A_749 = vector.shape_cast %add3A_745 : vector<16xi32> to vector<16xi32>
        tpu.vector_store %arg11[%swap3A_746], %swap3A_749 {strides = array<i32>} : memref<256xi32, #tpu.memory_space<vmem>>, vector<16xi32>,
        %get3A_750 = arith.constant 96 : index
        %get3A_751 = tpu.vector_load %arg9[%get3A_750] {strides = array<i32>} : memref<256xf32, #tpu.memory_space<vmem>>, vector<16xf32>,
        %get3A_752 = vector.shape_cast %get3A_751 : vector<16xf32> to vector<16xf32>
        %convert_element_type3A_753 = arith.fptosi %get3A_752 : vector<16xf32> to vector<16xi32>
        %add3A_754 = vector.broadcast %mul3A_6 : i32 to vector<16xi32>
        %add3A_755 = arith.addi %convert_element_type3A_753, %add3A_754 : vector<16xi32>
        %swap3A_756 = arith.constant 96 : index
        %swap3A_757 = tpu.vector_load %arg11[%swap3A_756] {strides = array<i32>} : memref<256xi32, #tpu.memory_space<vmem>>, vector<16xi32>,
        %swap3A_758 = vector.shape_cast %swap3A_757 : vector<16xi32> to vector<16xi32>
        %swap3A_759 = vector.shape_cast %add3A_755 : vector<16xi32> to vector<16xi32>
        tpu.vector_store %arg11[%swap3A_756], %swap3A_759 {strides = array<i32>} : memref<256xi32, #tpu.memory_space<vmem>>, vector<16xi32>,
        %get3A_760 = arith.constant 112 : index
        %get3A_761 = tpu.vector_load %arg9[%get3A_760] {strides = array<i32>} : memref<256xf32, #tpu.memory_space<vmem>>, vector<16xf32>,
        %get3A_762 = vector.shape_cast %get3A_761 : vector<16xf32> to vector<16xf32>
        %convert_element_type3A_763 = arith.fptosi %get3A_762 : vector<16xf32> to vector<16xi32>
        %add3A_764 = vector.broadcast %mul3A_6 : i32 to vector<16xi32>
        %add3A_765 = arith.addi %convert_element_type3A_763, %add3A_764 : vector<16xi32>
        %swap3A_766 = arith.constant 112 : index
        %swap3A_767 = tpu.vector_load %arg11[%swap3A_766] {strides = array<i32>} : memref<256xi32, #tpu.memory_space<vmem>>, vector<16xi32>,
        %swap3A_768 = vector.shape_cast %swap3A_767 : vector<16xi32> to vector<16xi32>
        %swap3A_769 = vector.shape_cast %add3A_765 : vector<16xi32> to vector<16xi32>
        tpu.vector_store %arg11[%swap3A_766], %swap3A_769 {strides = array<i32>} : memref<256xi32, #tpu.memory_space<vmem>>, vector<16xi32>,
        %get3A_770 = arith.constant 128 : index
        %get3A_771 = tpu.vector_load %arg9[%get3A_770] {strides = array<i32>} : memref<256xf32, #tpu.memory_space<vmem>>, vector<16xf32>,
        %get3A_772 = vector.shape_cast %get3A_771 : vector<16xf32> to vector<16xf32>
        %convert_element_type3A_773 = arith.fptosi %get3A_772 : vector<16xf32> to vector<16xi32>
        %add3A_774 = vector.broadcast %mul3A_6 : i32 to vector<16xi32>
        %add3A_775 = arith.addi %convert_element_type3A_773, %add3A_774 : vector<16xi32>
        %swap3A_776 = arith.constant 128 : index
        %swap3A_777 = tpu.vector_load %arg11[%swap3A_776] {strides = array<i32>} : memref<256xi32, #tpu.memory_space<vmem>>, vector<16xi32>,
        %swap3A_778 = vector.shape_cast %swap3A_777 : vector<16xi32> to vector<16xi32>
        %swap3A_779 = vector.shape_cast %add3A_775 : vector<16xi32> to vector<16xi32>
        tpu.vector_store %arg11[%swap3A_776], %swap3A_779 {strides = array<i32>} : memref<256xi32, #tpu.memory_space<vmem>>, vector<16xi32>,
        %get3A_780 = arith.constant 144 : index
        %get3A_781 = tpu.vector_load %arg9[%get3A_780] {strides = array<i32>} : memref<256xf32, #tpu.memory_space<vmem>>, vector<16xf32>,
        %get3A_782 = vector.shape_cast %get3A_781 : vector<16xf32> to vector<16xf32>
        %convert_element_type3A_783 = arith.fptosi %get3A_782 : vector<16xf32> to vector<16xi32>
        %add3A_784 = vector.broadcast %mul3A_6 : i32 to vector<16xi32>
        %add3A_785 = arith.addi %convert_element_type3A_783, %add3A_784 : vector<16xi32>
        %swap3A_786 = arith.constant 144 : index
        %swap3A_787 = tpu.vector_load %arg11[%swap3A_786] {strides = array<i32>} : memref<256xi32, #tpu.memory_space<vmem>>, vector<16xi32>,
        %swap3A_788 = vector.shape_cast %swap3A_787 : vector<16xi32> to vector<16xi32>
        %swap3A_789 = vector.shape_cast %add3A_785 : vector<16xi32> to vector<16xi32>
        tpu.vector_store %arg11[%swap3A_786], %swap3A_789 {strides = array<i32>} : memref<256xi32, #tpu.memory_space<vmem>>, vector<16xi32>,
        %get3A_790 = arith.constant 160 : index
        %get3A_791 = tpu.vector_load %arg9[%get3A_790] {strides = array<i32>} : memref<256xf32, #tpu.memory_space<vmem>>, vector<16xf32>,
        %get3A_792 = vector.shape_cast %get3A_791 : vector<16xf32> to vector<16xf32>
        %convert_element_type3A_793 = arith.fptosi %get3A_792 : vector<16xf32> to vector<16xi32>
        %add3A_794 = vector.broadcast %mul3A_6 : i32 to vector<16xi32>
        %add3A_795 = arith.addi %convert_element_type3A_793, %add3A_794 : vector<16xi32>
        %swap3A_796 = arith.constant 160 : index
        %swap3A_797 = tpu.vector_load %arg11[%swap3A_796] {strides = array<i32>} : memref<256xi32, #tpu.memory_space<vmem>>, vector<16xi32>,
        %swap3A_798 = vector.shape_cast %swap3A_797 : vector<16xi32> to vector<16xi32>
        %swap3A_799 = vector.shape_cast %add3A_795 : vector<16xi32> to vector<16xi32>
        tpu.vector_store %arg11[%swap3A_796], %swap3A_799 {strides = array<i32>} : memref<256xi32, #tpu.memory_space<vmem>>, vector<16xi32>,
        %get3A_800 = arith.constant 176 : index
        %get3A_801 = tpu.vector_load %arg9[%get3A_800] {strides = array<i32>} : memref<256xf32, #tpu.memory_space<vmem>>, vector<16xf32>,
        %get3A_802 = vector.shape_cast %get3A_801 : vector<16xf32> to vector<16xf32>
        %convert_element_type3A_803 = arith.fptosi %get3A_802 : vector<16xf32> to vector<16xi32>
        %add3A_804 = vector.broadcast %mul3A_6 : i32 to vector<16xi32>
        %add3A_805 = arith.addi %convert_element_type3A_803, %add3A_804 : vector<16xi32>
        %swap3A_806 = arith.constant 176 : index
        %swap3A_807 = tpu.vector_load %arg11[%swap3A_806] {strides = array<i32>} : memref<256xi32, #tpu.memory_space<vmem>>, vector<16xi32>,
        %swap3A_808 = vector.shape_cast %swap3A_807 : vector<16xi32> to vector<16xi32>
        %swap3A_809 = vector.shape_cast %add3A_805 : vector<16xi32> to vector<16xi32>
        tpu.vector_store %arg11[%swap3A_806], %swap3A_809 {strides = array<i32>} : memref<256xi32, #tpu.memory_space<vmem>>, vector<16xi32>,
        %get3A_810 = arith.constant 192 : index
        %get3A_811 = tpu.vector_load %arg9[%get3A_810] {strides = array<i32>} : memref<256xf32, #tpu.memory_space<vmem>>, vector<16xf32>,
        %get3A_812 = vector.shape_cast %get3A_811 : vector<16xf32> to vector<16xf32>
        %convert_element_type3A_813 = arith.fptosi %get3A_812 : vector<16xf32> to vector<16xi32>
        %add3A_814 = vector.broadcast %mul3A_6 : i32 to vector<16xi32>
        %add3A_815 = arith.addi %convert_element_type3A_813, %add3A_814 : vector<16xi32>
        %swap3A_816 = arith.constant 192 : index
        %swap3A_817 = tpu.vector_load %arg11[%swap3A_816] {strides = array<i32>} : memref<256xi32, #tpu.memory_space<vmem>>, vector<16xi32>,
        %swap3A_818 = vector.shape_cast %swap3A_817 : vector<16xi32> to vector<16xi32>
        %swap3A_819 = vector.shape_cast %add3A_815 : vector<16xi32> to vector<16xi32>
        tpu.vector_store %arg11[%swap3A_816], %swap3A_819 {strides = array<i32>} : memref<256xi32, #tpu.memory_space<vmem>>, vector<16xi32>,
        %get3A_820 = arith.constant 208 : index
        %get3A_821 = tpu.vector_load %arg9[%get3A_820] {strides = array<i32>} : memref<256xf32, #tpu.memory_space<vmem>>, vector<16xf32>,
        %get3A_822 = vector.shape_cast %get3A_821 : vector<16xf32> to vector<16xf32>
        %convert_element_type3A_823 = arith.fptosi %get3A_822 : vector<16xf32> to vector<16xi32>
        %add3A_824 = vector.broadcast %mul3A_6 : i32 to vector<16xi32>
        %add3A_825 = arith.addi %convert_element_type3A_823, %add3A_824 : vector<16xi32>
        %swap3A_826 = arith.constant 208 : index
        %swap3A_827 = tpu.vector_load %arg11[%swap3A_826] {strides = array<i32>} : memref<256xi32, #tpu.memory_space<vmem>>, vector<16xi32>,
        %swap3A_828 = vector.shape_cast %swap3A_827 : vector<16xi32> to vector<16xi32>
        %swap3A_829 = vector.shape_cast %add3A_825 : vector<16xi32> to vector<16xi32>
        tpu.vector_store %arg11[%swap3A_826], %swap3A_829 {strides = array<i32>} : memref<256xi32, #tpu.memory_space<vmem>>, vector<16xi32>,
        %get3A_830 = arith.constant 224 : index
        %get3A_831 = tpu.vector_load %arg9[%get3A_830] {strides = array<i32>} : memref<256xf32, #tpu.memory_space<vmem>>, vector<16xf32>,
        %get3A_832 = vector.shape_cast %get3A_831 : vector<16xf32> to vector<16xf32>
        %convert_element_type3A_833 = arith.fptosi %get3A_832 : vector<16xf32> to vector<16xi32>
        %add3A_834 = vector.broadcast %mul3A_6 : i32 to vector<16xi32>
        %add3A_835 = arith.addi %convert_element_type3A_833, %add3A_834 : vector<16xi32>
        %swap3A_836 = arith.constant 224 : index
        %swap3A_837 = tpu.vector_load %arg11[%swap3A_836] {strides = array<i32>} : memref<256xi32, #tpu.memory_space<vmem>>, vector<16xi32>,
        %swap3A_838 = vector.shape_cast %swap3A_837 : vector<16xi32> to vector<16xi32>
        %swap3A_839 = vector.shape_cast %add3A_835 : vector<16xi32> to vector<16xi32>
        tpu.vector_store %arg11[%swap3A_836], %swap3A_839 {strides = array<i32>} : memref<256xi32, #tpu.memory_space<vmem>>, vector<16xi32>,
        %get3A_840 = arith.constant 240 : index
        %get3A_841 = tpu.vector_load %arg9[%get3A_840] {strides = array<i32>} : memref<256xf32, #tpu.memory_space<vmem>>, vector<16xf32>,
        %get3A_842 = vector.shape_cast %get3A_841 : vector<16xf32> to vector<16xf32>
        %convert_element_type3A_843 = arith.fptosi %get3A_842 : vector<16xf32> to vector<16xi32>
        %add3A_844 = vector.broadcast %mul3A_6 : i32 to vector<16xi32>
        %add3A_845 = arith.addi %convert_element_type3A_843, %add3A_844 : vector<16xi32>
        %swap3A_846 = arith.constant 240 : index
        %swap3A_847 = tpu.vector_load %arg11[%swap3A_846] {strides = array<i32>} : memref<256xi32, #tpu.memory_space<vmem>>, vector<16xi32>,
        %swap3A_848 = vector.shape_cast %swap3A_847 : vector<16xi32> to vector<16xi32>
        %swap3A_849 = vector.shape_cast %add3A_845 : vector<16xi32> to vector<16xi32>
        tpu.vector_store %arg11[%swap3A_846], %swap3A_849 {strides = array<i32>} : memref<256xi32, #tpu.memory_space<vmem>>, vector<16xi32>,
        %sub3A_850 = arith.constant 512 : i32
        %sub3A_851 = arith.subi %add3A_677, %sub3A_850 : i32
        %dma_wait3A_852 = arith.constant 0 : i32
        %dma_wait3A_853 = tpu.memref_slice %arg4[%sub3A_851, %dma_wait3A_852] : memref<32768x128xf32, #tpu.memory_space<hbm>> -> memref<256x128xf32, #tpu.memory_space<hbm>>
        %dma_wait3A_854 = arith.constant 0 : i32
        %dma_wait3A_855 = tpu.memref_slice %arg4[%sub3A_851, %dma_wait3A_854] : memref<32768x128xf32, #tpu.memory_space<hbm>> -> memref<256x128xf32, #tpu.memory_space<hbm>>
        tpu.wait_dma2 semaphore(%arg19 : memref<!tpu.dma_semaphore, #tpu.memory_space<semaphore_mem>>) src(%arg13 : memref<256x128xf32, #tpu.memory_space<vmem>>) dst(%dma_wait3A_855 : memref<256x128xf32, #tpu.memory_space<hbm>>)
        %dma_start3A_856 = arith.constant 0 : i32
        %dma_start3A_857 = arith.constant 0 : i32
        %dma_start3A_858 = tpu.memref_slice %arg13[%dma_start3A_856, %dma_start3A_857] : memref<256x128xf32, #tpu.memory_space<vmem>> -> memref<128x128xf32, #tpu.memory_space<vmem>>
        %dma_start3A_859 = arith.constant 0 : i32
        %dma_start3A_860 = tpu.memref_slice %arg11[%dma_start3A_859] : memref<256xi32, #tpu.memory_space<vmem>> -> memref<128xi32, #tpu.memory_space<vmem>>
        %dma_start3A_861 = arith.constant 0 : i32
        %dma_start3A_862 = arith.constant 0 : i32
        %dma_start3A_863 = tpu.memref_slice %arg5[%dma_start3A_861, %dma_start3A_862] : memref<256x128xf32, #tpu.memory_space<vmem_shared>> -> memref<256x128xf32, #tpu.memory_space<vmem_shared>>
        tpu.enqueue_indirect_dma source(%dma_start3A_863 : memref<256x128xf32, #tpu.memory_space<vmem_shared>>) target(%dma_start3A_858 : memref<128x128xf32, #tpu.memory_space<vmem>>) offsets(%dma_start3A_860 : memref<128xi32, #tpu.memory_space<vmem>>) semaphore(%arg17 : memref<!tpu.dma_semaphore, #tpu.memory_space<semaphore_mem>>)
        %dma_start3A_864 = arith.constant 128 : i32
        %dma_start3A_865 = arith.constant 0 : i32
        %dma_start3A_866 = tpu.memref_slice %arg13[%dma_start3A_864, %dma_start3A_865] : memref<256x128xf32, #tpu.memory_space<vmem>> -> memref<128x128xf32, #tpu.memory_space<vmem>>
        %dma_start3A_867 = arith.constant 128 : i32
        %dma_start3A_868 = tpu.memref_slice %arg11[%dma_start3A_867] : memref<256xi32, #tpu.memory_space<vmem>> -> memref<128xi32, #tpu.memory_space<vmem>>
        %dma_start3A_869 = arith.constant 0 : i32
        %dma_start3A_870 = arith.constant 0 : i32
        %dma_start3A_871 = tpu.memref_slice %arg5[%dma_start3A_869, %dma_start3A_870] : memref<256x128xf32, #tpu.memory_space<vmem_shared>> -> memref<256x128xf32, #tpu.memory_space<vmem_shared>>
        tpu.enqueue_indirect_dma source(%dma_start3A_871 : memref<256x128xf32, #tpu.memory_space<vmem_shared>>) target(%dma_start3A_866 : memref<128x128xf32, #tpu.memory_space<vmem>>) offsets(%dma_start3A_868 : memref<128xi32, #tpu.memory_space<vmem>>) semaphore(%arg17 : memref<!tpu.dma_semaphore, #tpu.memory_space<semaphore_mem>>)
        %add3A_872 = arith.constant 1 : i32
        %add3A_873 = arith.addi %add3A_674, %add3A_872 : i32
        %mul3A_874 = arith.constant 256 : i32
        %mul3A_875 = arith.muli %add3A_873, %mul3A_874 : i32
        %add3A_876 = arith.addi %mul3A_2, %mul3A_875 : i32
        %iota3A_877 = tpu.iota {dimensions = array<i32: 0>} : vector<16xi32>
        %mul3A_878 = arith.constant 8 : i32
        %mul3A_879 = vector.broadcast %mul3A_878 : i32 to vector<16xi32>
        %mul3A_880 = arith.muli %iota3A_877, %mul3A_879 : vector<16xi32>
        %add3A_881 = arith.constant 0 : i32
        %add3A_882 = arith.addi %add3A_876, %add3A_881 : i32
        %mul3A_883 = arith.constant 8 : i32
        %mul3A_884 = arith.muli %add3A_882, %mul3A_883 : i32
        %add3A_885 = arith.constant 7 : i32
        %add3A_886 = arith.addi %mul3A_884, %add3A_885 : i32
        %add3A_887 = vector.broadcast %add3A_886 : i32 to vector<16xi32>
        %add3A_888 = arith.addi %mul3A_880, %add3A_887 : vector<16xi32>
        %swap3A_889 = arith.constant 0 : index
        %swap3A_890 = tpu.vector_load %arg6[%swap3A_889] {strides = array<i32>} : memref<256xi32, #tpu.memory_space<vmem>>, vector<16xi32>,
        %swap3A_891 = vector.shape_cast %swap3A_890 : vector<16xi32> to vector<16xi32>
        %swap3A_892 = vector.shape_cast %add3A_888 : vector<16xi32> to vector<16xi32>
        tpu.vector_store %arg6[%swap3A_889], %swap3A_892 {strides = array<i32>} : memref<256xi32, #tpu.memory_space<vmem>>, vector<16xi32>,
        %add3A_893 = arith.constant 16 : i32
        %add3A_894 = arith.addi %add3A_876, %add3A_893 : i32
        %mul3A_895 = arith.constant 8 : i32
        %mul3A_896 = arith.muli %add3A_894, %mul3A_895 : i32
        %add3A_897 = arith.constant 7 : i32
        %add3A_898 = arith.addi %mul3A_896, %add3A_897 : i32
        %add3A_899 = vector.broadcast %add3A_898 : i32 to vector<16xi32>
        %add3A_900 = arith.addi %mul3A_880, %add3A_899 : vector<16xi32>
        %swap3A_901 = arith.constant 16 : index
        %swap3A_902 = tpu.vector_load %arg6[%swap3A_901] {strides = array<i32>} : memref<256xi32, #tpu.memory_space<vmem>>, vector<16xi32>,
        %swap3A_903 = vector.shape_cast %swap3A_902 : vector<16xi32> to vector<16xi32>
        %swap3A_904 = vector.shape_cast %add3A_900 : vector<16xi32> to vector<16xi32>
        tpu.vector_store %arg6[%swap3A_901], %swap3A_904 {strides = array<i32>} : memref<256xi32, #tpu.memory_space<vmem>>, vector<16xi32>,
        %add3A_905 = arith.constant 32 : i32
        %add3A_906 = arith.addi %add3A_876, %add3A_905 : i32
        %mul3A_907 = arith.constant 8 : i32
        %mul3A_908 = arith.muli %add3A_906, %mul3A_907 : i32
        %add3A_909 = arith.constant 7 : i32
        %add3A_910 = arith.addi %mul3A_908, %add3A_909 : i32
        %add3A_911 = vector.broadcast %add3A_910 : i32 to vector<16xi32>
        %add3A_912 = arith.addi %mul3A_880, %add3A_911 : vector<16xi32>
        %swap3A_913 = arith.constant 32 : index
        %swap3A_914 = tpu.vector_load %arg6[%swap3A_913] {strides = array<i32>} : memref<256xi32, #tpu.memory_space<vmem>>, vector<16xi32>,
        %swap3A_915 = vector.shape_cast %swap3A_914 : vector<16xi32> to vector<16xi32>
        %swap3A_916 = vector.shape_cast %add3A_912 : vector<16xi32> to vector<16xi32>
        tpu.vector_store %arg6[%swap3A_913], %swap3A_916 {strides = array<i32>} : memref<256xi32, #tpu.memory_space<vmem>>, vector<16xi32>,
        %add3A_917 = arith.constant 48 : i32
        %add3A_918 = arith.addi %add3A_876, %add3A_917 : i32
        %mul3A_919 = arith.constant 8 : i32
        %mul3A_920 = arith.muli %add3A_918, %mul3A_919 : i32
        %add3A_921 = arith.constant 7 : i32
        %add3A_922 = arith.addi %mul3A_920, %add3A_921 : i32
        %add3A_923 = vector.broadcast %add3A_922 : i32 to vector<16xi32>
        %add3A_924 = arith.addi %mul3A_880, %add3A_923 : vector<16xi32>
        %swap3A_925 = arith.constant 48 : index
        %swap3A_926 = tpu.vector_load %arg6[%swap3A_925] {strides = array<i32>} : memref<256xi32, #tpu.memory_space<vmem>>, vector<16xi32>,
        %swap3A_927 = vector.shape_cast %swap3A_926 : vector<16xi32> to vector<16xi32>
        %swap3A_928 = vector.shape_cast %add3A_924 : vector<16xi32> to vector<16xi32>
        tpu.vector_store %arg6[%swap3A_925], %swap3A_928 {strides = array<i32>} : memref<256xi32, #tpu.memory_space<vmem>>, vector<16xi32>,
        %add3A_929 = arith.constant 64 : i32
        %add3A_930 = arith.addi %add3A_876, %add3A_929 : i32
        %mul3A_931 = arith.constant 8 : i32
        %mul3A_932 = arith.muli %add3A_930, %mul3A_931 : i32
        %add3A_933 = arith.constant 7 : i32
        %add3A_934 = arith.addi %mul3A_932, %add3A_933 : i32
        %add3A_935 = vector.broadcast %add3A_934 : i32 to vector<16xi32>
        %add3A_936 = arith.addi %mul3A_880, %add3A_935 : vector<16xi32>
        %swap3A_937 = arith.constant 64 : index
        %swap3A_938 = tpu.vector_load %arg6[%swap3A_937] {strides = array<i32>} : memref<256xi32, #tpu.memory_space<vmem>>, vector<16xi32>,
        %swap3A_939 = vector.shape_cast %swap3A_938 : vector<16xi32> to vector<16xi32>
        %swap3A_940 = vector.shape_cast %add3A_936 : vector<16xi32> to vector<16xi32>
        tpu.vector_store %arg6[%swap3A_937], %swap3A_940 {strides = array<i32>} : memref<256xi32, #tpu.memory_space<vmem>>, vector<16xi32>,
        %add3A_941 = arith.constant 80 : i32
        %add3A_942 = arith.addi %add3A_876, %add3A_941 : i32
        %mul3A_943 = arith.constant 8 : i32
        %mul3A_944 = arith.muli %add3A_942, %mul3A_943 : i32
        %add3A_945 = arith.constant 7 : i32
        %add3A_946 = arith.addi %mul3A_944, %add3A_945 : i32
        %add3A_947 = vector.broadcast %add3A_946 : i32 to vector<16xi32>
        %add3A_948 = arith.addi %mul3A_880, %add3A_947 : vector<16xi32>
        %swap3A_949 = arith.constant 80 : index
        %swap3A_950 = tpu.vector_load %arg6[%swap3A_949] {strides = array<i32>} : memref<256xi32, #tpu.memory_space<vmem>>, vector<16xi32>,
        %swap3A_951 = vector.shape_cast %swap3A_950 : vector<16xi32> to vector<16xi32>
        %swap3A_952 = vector.shape_cast %add3A_948 : vector<16xi32> to vector<16xi32>
        tpu.vector_store %arg6[%swap3A_949], %swap3A_952 {strides = array<i32>} : memref<256xi32, #tpu.memory_space<vmem>>, vector<16xi32>,
        %add3A_953 = arith.constant 96 : i32
        %add3A_954 = arith.addi %add3A_876, %add3A_953 : i32
        %mul3A_955 = arith.constant 8 : i32
        %mul3A_956 = arith.muli %add3A_954, %mul3A_955 : i32
        %add3A_957 = arith.constant 7 : i32
        %add3A_958 = arith.addi %mul3A_956, %add3A_957 : i32
        %add3A_959 = vector.broadcast %add3A_958 : i32 to vector<16xi32>
        %add3A_960 = arith.addi %mul3A_880, %add3A_959 : vector<16xi32>
        %swap3A_961 = arith.constant 96 : index
        %swap3A_962 = tpu.vector_load %arg6[%swap3A_961] {strides = array<i32>} : memref<256xi32, #tpu.memory_space<vmem>>, vector<16xi32>,
        %swap3A_963 = vector.shape_cast %swap3A_962 : vector<16xi32> to vector<16xi32>
        %swap3A_964 = vector.shape_cast %add3A_960 : vector<16xi32> to vector<16xi32>
        tpu.vector_store %arg6[%swap3A_961], %swap3A_964 {strides = array<i32>} : memref<256xi32, #tpu.memory_space<vmem>>, vector<16xi32>,
        %add3A_965 = arith.constant 112 : i32
        %add3A_966 = arith.addi %add3A_876, %add3A_965 : i32
        %mul3A_967 = arith.constant 8 : i32
        %mul3A_968 = arith.muli %add3A_966, %mul3A_967 : i32
        %add3A_969 = arith.constant 7 : i32
        %add3A_970 = arith.addi %mul3A_968, %add3A_969 : i32
        %add3A_971 = vector.broadcast %add3A_970 : i32 to vector<16xi32>
        %add3A_972 = arith.addi %mul3A_880, %add3A_971 : vector<16xi32>
        %swap3A_973 = arith.constant 112 : index
        %swap3A_974 = tpu.vector_load %arg6[%swap3A_973] {strides = array<i32>} : memref<256xi32, #tpu.memory_space<vmem>>, vector<16xi32>,
        %swap3A_975 = vector.shape_cast %swap3A_974 : vector<16xi32> to vector<16xi32>
        %swap3A_976 = vector.shape_cast %add3A_972 : vector<16xi32> to vector<16xi32>
        tpu.vector_store %arg6[%swap3A_973], %swap3A_976 {strides = array<i32>} : memref<256xi32, #tpu.memory_space<vmem>>, vector<16xi32>,
        %add3A_977 = arith.constant 128 : i32
        %add3A_978 = arith.addi %add3A_876, %add3A_977 : i32
        %mul3A_979 = arith.constant 8 : i32
        %mul3A_980 = arith.muli %add3A_978, %mul3A_979 : i32
        %add3A_981 = arith.constant 7 : i32
        %add3A_982 = arith.addi %mul3A_980, %add3A_981 : i32
        %add3A_983 = vector.broadcast %add3A_982 : i32 to vector<16xi32>
        %add3A_984 = arith.addi %mul3A_880, %add3A_983 : vector<16xi32>
        %swap3A_985 = arith.constant 128 : index
        %swap3A_986 = tpu.vector_load %arg6[%swap3A_985] {strides = array<i32>} : memref<256xi32, #tpu.memory_space<vmem>>, vector<16xi32>,
        %swap3A_987 = vector.shape_cast %swap3A_986 : vector<16xi32> to vector<16xi32>
        %swap3A_988 = vector.shape_cast %add3A_984 : vector<16xi32> to vector<16xi32>
        tpu.vector_store %arg6[%swap3A_985], %swap3A_988 {strides = array<i32>} : memref<256xi32, #tpu.memory_space<vmem>>, vector<16xi32>,
        %add3A_989 = arith.constant 144 : i32
        %add3A_990 = arith.addi %add3A_876, %add3A_989 : i32
        %mul3A_991 = arith.constant 8 : i32
        %mul3A_992 = arith.muli %add3A_990, %mul3A_991 : i32
        %add3A_993 = arith.constant 7 : i32
        %add3A_994 = arith.addi %mul3A_992, %add3A_993 : i32
        %add3A_995 = vector.broadcast %add3A_994 : i32 to vector<16xi32>
        %add3A_996 = arith.addi %mul3A_880, %add3A_995 : vector<16xi32>
        %swap3A_997 = arith.constant 144 : index
        %swap3A_998 = tpu.vector_load %arg6[%swap3A_997] {strides = array<i32>} : memref<256xi32, #tpu.memory_space<vmem>>, vector<16xi32>,
        %swap3A_999 = vector.shape_cast %swap3A_998 : vector<16xi32> to vector<16xi32>
        %swap3A_1000 = vector.shape_cast %add3A_996 : vector<16xi32> to vector<16xi32>
        tpu.vector_store %arg6[%swap3A_997], %swap3A_1000 {strides = array<i32>} : memref<256xi32, #tpu.memory_space<vmem>>, vector<16xi32>,
        %add3A_1001 = arith.constant 160 : i32
        %add3A_1002 = arith.addi %add3A_876, %add3A_1001 : i32
        %mul3A_1003 = arith.constant 8 : i32
        %mul3A_1004 = arith.muli %add3A_1002, %mul3A_1003 : i32
        %add3A_1005 = arith.constant 7 : i32
        %add3A_1006 = arith.addi %mul3A_1004, %add3A_1005 : i32
        %add3A_1007 = vector.broadcast %add3A_1006 : i32 to vector<16xi32>
        %add3A_1008 = arith.addi %mul3A_880, %add3A_1007 : vector<16xi32>
        %swap3A_1009 = arith.constant 160 : index
        %swap3A_1010 = tpu.vector_load %arg6[%swap3A_1009] {strides = array<i32>} : memref<256xi32, #tpu.memory_space<vmem>>, vector<16xi32>,
        %swap3A_1011 = vector.shape_cast %swap3A_1010 : vector<16xi32> to vector<16xi32>
        %swap3A_1012 = vector.shape_cast %add3A_1008 : vector<16xi32> to vector<16xi32>
        tpu.vector_store %arg6[%swap3A_1009], %swap3A_1012 {strides = array<i32>} : memref<256xi32, #tpu.memory_space<vmem>>, vector<16xi32>,
        %add3A_1013 = arith.constant 176 : i32
        %add3A_1014 = arith.addi %add3A_876, %add3A_1013 : i32
        %mul3A_1015 = arith.constant 8 : i32
        %mul3A_1016 = arith.muli %add3A_1014, %mul3A_1015 : i32
        %add3A_1017 = arith.constant 7 : i32
        %add3A_1018 = arith.addi %mul3A_1016, %add3A_1017 : i32
        %add3A_1019 = vector.broadcast %add3A_1018 : i32 to vector<16xi32>
        %add3A_1020 = arith.addi %mul3A_880, %add3A_1019 : vector<16xi32>
        %swap3A_1021 = arith.constant 176 : index
        %swap3A_1022 = tpu.vector_load %arg6[%swap3A_1021] {strides = array<i32>} : memref<256xi32, #tpu.memory_space<vmem>>, vector<16xi32>,
        %swap3A_1023 = vector.shape_cast %swap3A_1022 : vector<16xi32> to vector<16xi32>
        %swap3A_1024 = vector.shape_cast %add3A_1020 : vector<16xi32> to vector<16xi32>
        tpu.vector_store %arg6[%swap3A_1021], %swap3A_1024 {strides = array<i32>} : memref<256xi32, #tpu.memory_space<vmem>>, vector<16xi32>,
        %add3A_1025 = arith.constant 192 : i32
        %add3A_1026 = arith.addi %add3A_876, %add3A_1025 : i32
        %mul3A_1027 = arith.constant 8 : i32
        %mul3A_1028 = arith.muli %add3A_1026, %mul3A_1027 : i32
        %add3A_1029 = arith.constant 7 : i32
        %add3A_1030 = arith.addi %mul3A_1028, %add3A_1029 : i32
        %add3A_1031 = vector.broadcast %add3A_1030 : i32 to vector<16xi32>
        %add3A_1032 = arith.addi %mul3A_880, %add3A_1031 : vector<16xi32>
        %swap3A_1033 = arith.constant 192 : index
        %swap3A_1034 = tpu.vector_load %arg6[%swap3A_1033] {strides = array<i32>} : memref<256xi32, #tpu.memory_space<vmem>>, vector<16xi32>,
        %swap3A_1035 = vector.shape_cast %swap3A_1034 : vector<16xi32> to vector<16xi32>
        %swap3A_1036 = vector.shape_cast %add3A_1032 : vector<16xi32> to vector<16xi32>
        tpu.vector_store %arg6[%swap3A_1033], %swap3A_1036 {strides = array<i32>} : memref<256xi32, #tpu.memory_space<vmem>>, vector<16xi32>,
        %add3A_1037 = arith.constant 208 : i32
        %add3A_1038 = arith.addi %add3A_876, %add3A_1037 : i32
        %mul3A_1039 = arith.constant 8 : i32
        %mul3A_1040 = arith.muli %add3A_1038, %mul3A_1039 : i32
        %add3A_1041 = arith.constant 7 : i32
        %add3A_1042 = arith.addi %mul3A_1040, %add3A_1041 : i32
        %add3A_1043 = vector.broadcast %add3A_1042 : i32 to vector<16xi32>
        %add3A_1044 = arith.addi %mul3A_880, %add3A_1043 : vector<16xi32>
        %swap3A_1045 = arith.constant 208 : index
        %swap3A_1046 = tpu.vector_load %arg6[%swap3A_1045] {strides = array<i32>} : memref<256xi32, #tpu.memory_space<vmem>>, vector<16xi32>,
        %swap3A_1047 = vector.shape_cast %swap3A_1046 : vector<16xi32> to vector<16xi32>
        %swap3A_1048 = vector.shape_cast %add3A_1044 : vector<16xi32> to vector<16xi32>
        tpu.vector_store %arg6[%swap3A_1045], %swap3A_1048 {strides = array<i32>} : memref<256xi32, #tpu.memory_space<vmem>>, vector<16xi32>,
        %add3A_1049 = arith.constant 224 : i32
        %add3A_1050 = arith.addi %add3A_876, %add3A_1049 : i32
        %mul3A_1051 = arith.constant 8 : i32
        %mul3A_1052 = arith.muli %add3A_1050, %mul3A_1051 : i32
        %add3A_1053 = arith.constant 7 : i32
        %add3A_1054 = arith.addi %mul3A_1052, %add3A_1053 : i32
        %add3A_1055 = vector.broadcast %add3A_1054 : i32 to vector<16xi32>
        %add3A_1056 = arith.addi %mul3A_880, %add3A_1055 : vector<16xi32>
        %swap3A_1057 = arith.constant 224 : index
        %swap3A_1058 = tpu.vector_load %arg6[%swap3A_1057] {strides = array<i32>} : memref<256xi32, #tpu.memory_space<vmem>>, vector<16xi32>,
        %swap3A_1059 = vector.shape_cast %swap3A_1058 : vector<16xi32> to vector<16xi32>
        %swap3A_1060 = vector.shape_cast %add3A_1056 : vector<16xi32> to vector<16xi32>
        tpu.vector_store %arg6[%swap3A_1057], %swap3A_1060 {strides = array<i32>} : memref<256xi32, #tpu.memory_space<vmem>>, vector<16xi32>,
        %add3A_1061 = arith.constant 240 : i32
        %add3A_1062 = arith.addi %add3A_876, %add3A_1061 : i32
        %mul3A_1063 = arith.constant 8 : i32
        %mul3A_1064 = arith.muli %add3A_1062, %mul3A_1063 : i32
        %add3A_1065 = arith.constant 7 : i32
        %add3A_1066 = arith.addi %mul3A_1064, %add3A_1065 : i32
        %add3A_1067 = vector.broadcast %add3A_1066 : i32 to vector<16xi32>
        %add3A_1068 = arith.addi %mul3A_880, %add3A_1067 : vector<16xi32>
        %swap3A_1069 = arith.constant 240 : index
        %swap3A_1070 = tpu.vector_load %arg6[%swap3A_1069] {strides = array<i32>} : memref<256xi32, #tpu.memory_space<vmem>>, vector<16xi32>,
        %swap3A_1071 = vector.shape_cast %swap3A_1070 : vector<16xi32> to vector<16xi32>
        %swap3A_1072 = vector.shape_cast %add3A_1068 : vector<16xi32> to vector<16xi32>
        tpu.vector_store %arg6[%swap3A_1069], %swap3A_1072 {strides = array<i32>} : memref<256xi32, #tpu.memory_space<vmem>>, vector<16xi32>,
        %dma_start3A_1073 = arith.constant 0 : i32
        %dma_start3A_1074 = tpu.memref_slice %arg8[%dma_start3A_1073] : memref<256xf32, #tpu.memory_space<vmem>> -> memref<128xf32, #tpu.memory_space<vmem>>
        %dma_start3A_1075 = arith.constant 0 : i32
        %dma_start3A_1076 = tpu.memref_slice %arg6[%dma_start3A_1075] : memref<256xi32, #tpu.memory_space<vmem>> -> memref<128xi32, #tpu.memory_space<vmem>>
        %dma_start3A_1077 = arith.constant 0 : i32
        %dma_start3A_1078 = tpu.memref_slice %arg2[%dma_start3A_1077] : memref<26214400xf32, #tpu.memory_space<hbm>> -> memref<26214400xf32, #tpu.memory_space<hbm>>
        tpu.enqueue_indirect_dma source(%dma_start3A_1078 : memref<26214400xf32, #tpu.memory_space<hbm>>) target(%dma_start3A_1074 : memref<128xf32, #tpu.memory_space<vmem>>) offsets(%dma_start3A_1076 : memref<128xi32, #tpu.memory_space<vmem>>) semaphore(%arg14 : memref<!tpu.dma_semaphore, #tpu.memory_space<semaphore_mem>>)
        %dma_start3A_1079 = arith.constant 128 : i32
        %dma_start3A_1080 = tpu.memref_slice %arg8[%dma_start3A_1079] : memref<256xf32, #tpu.memory_space<vmem>> -> memref<128xf32, #tpu.memory_space<vmem>>
        %dma_start3A_1081 = arith.constant 128 : i32
        %dma_start3A_1082 = tpu.memref_slice %arg6[%dma_start3A_1081] : memref<256xi32, #tpu.memory_space<vmem>> -> memref<128xi32, #tpu.memory_space<vmem>>
        %dma_start3A_1083 = arith.constant 0 : i32
        %dma_start3A_1084 = tpu.memref_slice %arg2[%dma_start3A_1083] : memref<26214400xf32, #tpu.memory_space<hbm>> -> memref<26214400xf32, #tpu.memory_space<hbm>>
        tpu.enqueue_indirect_dma source(%dma_start3A_1084 : memref<26214400xf32, #tpu.memory_space<hbm>>) target(%dma_start3A_1080 : memref<128xf32, #tpu.memory_space<vmem>>) offsets(%dma_start3A_1082 : memref<128xi32, #tpu.memory_space<vmem>>) semaphore(%arg14 : memref<!tpu.dma_semaphore, #tpu.memory_space<semaphore_mem>>)
        %dma_wait3A_1085 = arith.constant 0 : i32
        %dma_wait3A_1086 = arith.constant 0 : i32
        %dma_wait3A_1087 = tpu.memref_slice %arg13[%dma_wait3A_1085, %dma_wait3A_1086] : memref<256x128xf32, #tpu.memory_space<vmem>> -> memref<128x128xf32, #tpu.memory_space<vmem>>
        %dma_wait3A_1088 = arith.constant 0 : i32
        %dma_wait3A_1089 = tpu.memref_slice %arg11[%dma_wait3A_1088] : memref<256xi32, #tpu.memory_space<vmem>> -> memref<128xi32, #tpu.memory_space<vmem>>
        %dma_wait3A_1090 = arith.constant 0 : i32
        %dma_wait3A_1091 = arith.constant 0 : i32
        %dma_wait3A_1092 = tpu.memref_slice %arg5[%dma_wait3A_1090, %dma_wait3A_1091] : memref<256x128xf32, #tpu.memory_space<vmem_shared>> -> memref<256x128xf32, #tpu.memory_space<vmem_shared>>
        tpu.wait_indirect_dma semaphore(%arg17 : memref<!tpu.dma_semaphore, #tpu.memory_space<semaphore_mem>>) src(%dma_wait3A_1092 : memref<256x128xf32, #tpu.memory_space<vmem_shared>>) dst(%dma_wait3A_1087 : memref<128x128xf32, #tpu.memory_space<vmem>>)
        %dma_wait3A_1093 = arith.constant 128 : i32
        %dma_wait3A_1094 = arith.constant 0 : i32
        %dma_wait3A_1095 = tpu.memref_slice %arg13[%dma_wait3A_1093, %dma_wait3A_1094] : memref<256x128xf32, #tpu.memory_space<vmem>> -> memref<128x128xf32, #tpu.memory_space<vmem>>
        %dma_wait3A_1096 = arith.constant 128 : i32
        %dma_wait3A_1097 = tpu.memref_slice %arg11[%dma_wait3A_1096] : memref<256xi32, #tpu.memory_space<vmem>> -> memref<128xi32, #tpu.memory_space<vmem>>
        %dma_wait3A_1098 = arith.constant 0 : i32
        %dma_wait3A_1099 = arith.constant 0 : i32
        %dma_wait3A_1100 = tpu.memref_slice %arg5[%dma_wait3A_1098, %dma_wait3A_1099] : memref<256x128xf32, #tpu.memory_space<vmem_shared>> -> memref<256x128xf32, #tpu.memory_space<vmem_shared>>
        tpu.wait_indirect_dma semaphore(%arg17 : memref<!tpu.dma_semaphore, #tpu.memory_space<semaphore_mem>>) src(%dma_wait3A_1100 : memref<256x128xf32, #tpu.memory_space<vmem_shared>>) dst(%dma_wait3A_1095 : memref<128x128xf32, #tpu.memory_space<vmem>>)
        %dma_start3A_1101 = arith.constant 0 : i32
        %dma_start3A_1102 = tpu.memref_slice %arg4[%add3A_677, %dma_start3A_1101] : memref<32768x128xf32, #tpu.memory_space<hbm>> -> memref<256x128xf32, #tpu.memory_space<hbm>>
        %dma_start3A_1103 = arith.constant 0 : i32
        %dma_start3A_1104 = tpu.memref_slice %arg4[%add3A_677, %dma_start3A_1103] : memref<32768x128xf32, #tpu.memory_space<hbm>> -> memref<256x128xf32, #tpu.memory_space<hbm>>
        tpu.enqueue_dma source(%arg13 : memref<256x128xf32, #tpu.memory_space<vmem>>) target(%dma_start3A_1104 : memref<256x128xf32, #tpu.memory_space<hbm>>) target_semaphore(%arg19 : memref<!tpu.dma_semaphore, #tpu.memory_space<semaphore_mem>>)
      } else {
      }
      %eq3A_239 = arith.constant 1 : i32
      %eq3A_240 = arith.cmpi eq, %scan3A_229, %eq3A_239 : i32
      %convert_element_type3A_241 = arith.extui %eq3A_240 : i1 to i32
      %cond3A_242 = arith.constant 0 : i32
      %cond3A_243 = arith.cmpi ne, %convert_element_type3A_241, %cond3A_242 : i32
      scf.if %cond3A_243 {
        %mul3A_244 = arith.constant 256 : i32
        %mul3A_245 = arith.muli %mul3A_231, %mul3A_244 : i32
        %add3A_246 = arith.addi %mul3A_2, %mul3A_245 : i32
        %dma_wait3A_247 = arith.constant 0 : i32
        %dma_wait3A_248 = tpu.memref_slice %arg8[%dma_wait3A_247] : memref<256xf32, #tpu.memory_space<vmem>> -> memref<128xf32, #tpu.memory_space<vmem>>
        %dma_wait3A_249 = arith.constant 0 : i32
        %dma_wait3A_250 = tpu.memref_slice %arg6[%dma_wait3A_249] : memref<256xi32, #tpu.memory_space<vmem>> -> memref<128xi32, #tpu.memory_space<vmem>>
        %dma_wait3A_251 = arith.constant 0 : i32
        %dma_wait3A_252 = tpu.memref_slice %arg2[%dma_wait3A_251] : memref<26214400xf32, #tpu.memory_space<hbm>> -> memref<26214400xf32, #tpu.memory_space<hbm>>
        tpu.wait_indirect_dma semaphore(%arg14 : memref<!tpu.dma_semaphore, #tpu.memory_space<semaphore_mem>>) src(%dma_wait3A_252 : memref<26214400xf32, #tpu.memory_space<hbm>>) dst(%dma_wait3A_248 : memref<128xf32, #tpu.memory_space<vmem>>)
        %dma_wait3A_253 = arith.constant 128 : i32
        %dma_wait3A_254 = tpu.memref_slice %arg8[%dma_wait3A_253] : memref<256xf32, #tpu.memory_space<vmem>> -> memref<128xf32, #tpu.memory_space<vmem>>
        %dma_wait3A_255 = arith.constant 128 : i32
        %dma_wait3A_256 = tpu.memref_slice %arg6[%dma_wait3A_255] : memref<256xi32, #tpu.memory_space<vmem>> -> memref<128xi32, #tpu.memory_space<vmem>>
        %dma_wait3A_257 = arith.constant 0 : i32
        %dma_wait3A_258 = tpu.memref_slice %arg2[%dma_wait3A_257] : memref<26214400xf32, #tpu.memory_space<hbm>> -> memref<26214400xf32, #tpu.memory_space<hbm>>
        tpu.wait_indirect_dma semaphore(%arg14 : memref<!tpu.dma_semaphore, #tpu.memory_space<semaphore_mem>>) src(%dma_wait3A_258 : memref<26214400xf32, #tpu.memory_space<hbm>>) dst(%dma_wait3A_254 : memref<128xf32, #tpu.memory_space<vmem>>)
        %get3A = arith.constant 0 : index
        %get3A_259 = tpu.vector_load %arg8[%get3A] {strides = array<i32>} : memref<256xf32, #tpu.memory_space<vmem>>, vector<16xf32>,
        %get3A_260 = vector.shape_cast %get3A_259 : vector<16xf32> to vector<16xf32>
        %convert_element_type3A_261 = arith.fptosi %get3A_260 : vector<16xf32> to vector<16xi32>
        %add3A_262 = vector.broadcast %mul3A_6 : i32 to vector<16xi32>
        %add3A_263 = arith.addi %convert_element_type3A_261, %add3A_262 : vector<16xi32>
        %swap3A_264 = arith.constant 0 : index
        %swap3A_265 = tpu.vector_load %arg10[%swap3A_264] {strides = array<i32>} : memref<256xi32, #tpu.memory_space<vmem>>, vector<16xi32>,
        %swap3A_266 = vector.shape_cast %swap3A_265 : vector<16xi32> to vector<16xi32>
        %swap3A_267 = vector.shape_cast %add3A_263 : vector<16xi32> to vector<16xi32>
        tpu.vector_store %arg10[%swap3A_264], %swap3A_267 {strides = array<i32>} : memref<256xi32, #tpu.memory_space<vmem>>, vector<16xi32>,
        %get3A_268 = arith.constant 16 : index
        %get3A_269 = tpu.vector_load %arg8[%get3A_268] {strides = array<i32>} : memref<256xf32, #tpu.memory_space<vmem>>, vector<16xf32>,
        %get3A_270 = vector.shape_cast %get3A_269 : vector<16xf32> to vector<16xf32>
        %convert_element_type3A_271 = arith.fptosi %get3A_270 : vector<16xf32> to vector<16xi32>
        %add3A_272 = vector.broadcast %mul3A_6 : i32 to vector<16xi32>
        %add3A_273 = arith.addi %convert_element_type3A_271, %add3A_272 : vector<16xi32>
        %swap3A_274 = arith.constant 16 : index
        %swap3A_275 = tpu.vector_load %arg10[%swap3A_274] {strides = array<i32>} : memref<256xi32, #tpu.memory_space<vmem>>, vector<16xi32>,
        %swap3A_276 = vector.shape_cast %swap3A_275 : vector<16xi32> to vector<16xi32>
        %swap3A_277 = vector.shape_cast %add3A_273 : vector<16xi32> to vector<16xi32>
        tpu.vector_store %arg10[%swap3A_274], %swap3A_277 {strides = array<i32>} : memref<256xi32, #tpu.memory_space<vmem>>, vector<16xi32>,
        %get3A_278 = arith.constant 32 : index
        %get3A_279 = tpu.vector_load %arg8[%get3A_278] {strides = array<i32>} : memref<256xf32, #tpu.memory_space<vmem>>, vector<16xf32>,
        %get3A_280 = vector.shape_cast %get3A_279 : vector<16xf32> to vector<16xf32>
        %convert_element_type3A_281 = arith.fptosi %get3A_280 : vector<16xf32> to vector<16xi32>
        %add3A_282 = vector.broadcast %mul3A_6 : i32 to vector<16xi32>
        %add3A_283 = arith.addi %convert_element_type3A_281, %add3A_282 : vector<16xi32>
        %swap3A_284 = arith.constant 32 : index
        %swap3A_285 = tpu.vector_load %arg10[%swap3A_284] {strides = array<i32>} : memref<256xi32, #tpu.memory_space<vmem>>, vector<16xi32>,
        %swap3A_286 = vector.shape_cast %swap3A_285 : vector<16xi32> to vector<16xi32>
        %swap3A_287 = vector.shape_cast %add3A_283 : vector<16xi32> to vector<16xi32>
        tpu.vector_store %arg10[%swap3A_284], %swap3A_287 {strides = array<i32>} : memref<256xi32, #tpu.memory_space<vmem>>, vector<16xi32>,
        %get3A_288 = arith.constant 48 : index
        %get3A_289 = tpu.vector_load %arg8[%get3A_288] {strides = array<i32>} : memref<256xf32, #tpu.memory_space<vmem>>, vector<16xf32>,
        %get3A_290 = vector.shape_cast %get3A_289 : vector<16xf32> to vector<16xf32>
        %convert_element_type3A_291 = arith.fptosi %get3A_290 : vector<16xf32> to vector<16xi32>
        %add3A_292 = vector.broadcast %mul3A_6 : i32 to vector<16xi32>
        %add3A_293 = arith.addi %convert_element_type3A_291, %add3A_292 : vector<16xi32>
        %swap3A_294 = arith.constant 48 : index
        %swap3A_295 = tpu.vector_load %arg10[%swap3A_294] {strides = array<i32>} : memref<256xi32, #tpu.memory_space<vmem>>, vector<16xi32>,
        %swap3A_296 = vector.shape_cast %swap3A_295 : vector<16xi32> to vector<16xi32>
        %swap3A_297 = vector.shape_cast %add3A_293 : vector<16xi32> to vector<16xi32>
        tpu.vector_store %arg10[%swap3A_294], %swap3A_297 {strides = array<i32>} : memref<256xi32, #tpu.memory_space<vmem>>, vector<16xi32>,
        %get3A_298 = arith.constant 64 : index
        %get3A_299 = tpu.vector_load %arg8[%get3A_298] {strides = array<i32>} : memref<256xf32, #tpu.memory_space<vmem>>, vector<16xf32>,
        %get3A_300 = vector.shape_cast %get3A_299 : vector<16xf32> to vector<16xf32>
        %convert_element_type3A_301 = arith.fptosi %get3A_300 : vector<16xf32> to vector<16xi32>
        %add3A_302 = vector.broadcast %mul3A_6 : i32 to vector<16xi32>
        %add3A_303 = arith.addi %convert_element_type3A_301, %add3A_302 : vector<16xi32>
        %swap3A_304 = arith.constant 64 : index
        %swap3A_305 = tpu.vector_load %arg10[%swap3A_304] {strides = array<i32>} : memref<256xi32, #tpu.memory_space<vmem>>, vector<16xi32>,
        %swap3A_306 = vector.shape_cast %swap3A_305 : vector<16xi32> to vector<16xi32>
        %swap3A_307 = vector.shape_cast %add3A_303 : vector<16xi32> to vector<16xi32>
        tpu.vector_store %arg10[%swap3A_304], %swap3A_307 {strides = array<i32>} : memref<256xi32, #tpu.memory_space<vmem>>, vector<16xi32>,
        %get3A_308 = arith.constant 80 : index
        %get3A_309 = tpu.vector_load %arg8[%get3A_308] {strides = array<i32>} : memref<256xf32, #tpu.memory_space<vmem>>, vector<16xf32>,
        %get3A_310 = vector.shape_cast %get3A_309 : vector<16xf32> to vector<16xf32>
        %convert_element_type3A_311 = arith.fptosi %get3A_310 : vector<16xf32> to vector<16xi32>
        %add3A_312 = vector.broadcast %mul3A_6 : i32 to vector<16xi32>
        %add3A_313 = arith.addi %convert_element_type3A_311, %add3A_312 : vector<16xi32>
        %swap3A_314 = arith.constant 80 : index
        %swap3A_315 = tpu.vector_load %arg10[%swap3A_314] {strides = array<i32>} : memref<256xi32, #tpu.memory_space<vmem>>, vector<16xi32>,
        %swap3A_316 = vector.shape_cast %swap3A_315 : vector<16xi32> to vector<16xi32>
        %swap3A_317 = vector.shape_cast %add3A_313 : vector<16xi32> to vector<16xi32>
        tpu.vector_store %arg10[%swap3A_314], %swap3A_317 {strides = array<i32>} : memref<256xi32, #tpu.memory_space<vmem>>, vector<16xi32>,
        %get3A_318 = arith.constant 96 : index
        %get3A_319 = tpu.vector_load %arg8[%get3A_318] {strides = array<i32>} : memref<256xf32, #tpu.memory_space<vmem>>, vector<16xf32>,
        %get3A_320 = vector.shape_cast %get3A_319 : vector<16xf32> to vector<16xf32>
        %convert_element_type3A_321 = arith.fptosi %get3A_320 : vector<16xf32> to vector<16xi32>
        %add3A_322 = vector.broadcast %mul3A_6 : i32 to vector<16xi32>
        %add3A_323 = arith.addi %convert_element_type3A_321, %add3A_322 : vector<16xi32>
        %swap3A_324 = arith.constant 96 : index
        %swap3A_325 = tpu.vector_load %arg10[%swap3A_324] {strides = array<i32>} : memref<256xi32, #tpu.memory_space<vmem>>, vector<16xi32>,
        %swap3A_326 = vector.shape_cast %swap3A_325 : vector<16xi32> to vector<16xi32>
        %swap3A_327 = vector.shape_cast %add3A_323 : vector<16xi32> to vector<16xi32>
        tpu.vector_store %arg10[%swap3A_324], %swap3A_327 {strides = array<i32>} : memref<256xi32, #tpu.memory_space<vmem>>, vector<16xi32>,
        %get3A_328 = arith.constant 112 : index
        %get3A_329 = tpu.vector_load %arg8[%get3A_328] {strides = array<i32>} : memref<256xf32, #tpu.memory_space<vmem>>, vector<16xf32>,
        %get3A_330 = vector.shape_cast %get3A_329 : vector<16xf32> to vector<16xf32>
        %convert_element_type3A_331 = arith.fptosi %get3A_330 : vector<16xf32> to vector<16xi32>
        %add3A_332 = vector.broadcast %mul3A_6 : i32 to vector<16xi32>
        %add3A_333 = arith.addi %convert_element_type3A_331, %add3A_332 : vector<16xi32>
        %swap3A_334 = arith.constant 112 : index
        %swap3A_335 = tpu.vector_load %arg10[%swap3A_334] {strides = array<i32>} : memref<256xi32, #tpu.memory_space<vmem>>, vector<16xi32>,
        %swap3A_336 = vector.shape_cast %swap3A_335 : vector<16xi32> to vector<16xi32>
        %swap3A_337 = vector.shape_cast %add3A_333 : vector<16xi32> to vector<16xi32>
        tpu.vector_store %arg10[%swap3A_334], %swap3A_337 {strides = array<i32>} : memref<256xi32, #tpu.memory_space<vmem>>, vector<16xi32>,
        %get3A_338 = arith.constant 128 : index
        %get3A_339 = tpu.vector_load %arg8[%get3A_338] {strides = array<i32>} : memref<256xf32, #tpu.memory_space<vmem>>, vector<16xf32>,
        %get3A_340 = vector.shape_cast %get3A_339 : vector<16xf32> to vector<16xf32>
        %convert_element_type3A_341 = arith.fptosi %get3A_340 : vector<16xf32> to vector<16xi32>
        %add3A_342 = vector.broadcast %mul3A_6 : i32 to vector<16xi32>
        %add3A_343 = arith.addi %convert_element_type3A_341, %add3A_342 : vector<16xi32>
        %swap3A_344 = arith.constant 128 : index
        %swap3A_345 = tpu.vector_load %arg10[%swap3A_344] {strides = array<i32>} : memref<256xi32, #tpu.memory_space<vmem>>, vector<16xi32>,
        %swap3A_346 = vector.shape_cast %swap3A_345 : vector<16xi32> to vector<16xi32>
        %swap3A_347 = vector.shape_cast %add3A_343 : vector<16xi32> to vector<16xi32>
        tpu.vector_store %arg10[%swap3A_344], %swap3A_347 {strides = array<i32>} : memref<256xi32, #tpu.memory_space<vmem>>, vector<16xi32>,
        %get3A_348 = arith.constant 144 : index
        %get3A_349 = tpu.vector_load %arg8[%get3A_348] {strides = array<i32>} : memref<256xf32, #tpu.memory_space<vmem>>, vector<16xf32>,
        %get3A_350 = vector.shape_cast %get3A_349 : vector<16xf32> to vector<16xf32>
        %convert_element_type3A_351 = arith.fptosi %get3A_350 : vector<16xf32> to vector<16xi32>
        %add3A_352 = vector.broadcast %mul3A_6 : i32 to vector<16xi32>
        %add3A_353 = arith.addi %convert_element_type3A_351, %add3A_352 : vector<16xi32>
        %swap3A_354 = arith.constant 144 : index
        %swap3A_355 = tpu.vector_load %arg10[%swap3A_354] {strides = array<i32>} : memref<256xi32, #tpu.memory_space<vmem>>, vector<16xi32>,
        %swap3A_356 = vector.shape_cast %swap3A_355 : vector<16xi32> to vector<16xi32>
        %swap3A_357 = vector.shape_cast %add3A_353 : vector<16xi32> to vector<16xi32>
        tpu.vector_store %arg10[%swap3A_354], %swap3A_357 {strides = array<i32>} : memref<256xi32, #tpu.memory_space<vmem>>, vector<16xi32>,
        %get3A_358 = arith.constant 160 : index
        %get3A_359 = tpu.vector_load %arg8[%get3A_358] {strides = array<i32>} : memref<256xf32, #tpu.memory_space<vmem>>, vector<16xf32>,
        %get3A_360 = vector.shape_cast %get3A_359 : vector<16xf32> to vector<16xf32>
        %convert_element_type3A_361 = arith.fptosi %get3A_360 : vector<16xf32> to vector<16xi32>
        %add3A_362 = vector.broadcast %mul3A_6 : i32 to vector<16xi32>
        %add3A_363 = arith.addi %convert_element_type3A_361, %add3A_362 : vector<16xi32>
        %swap3A_364 = arith.constant 160 : index
        %swap3A_365 = tpu.vector_load %arg10[%swap3A_364] {strides = array<i32>} : memref<256xi32, #tpu.memory_space<vmem>>, vector<16xi32>,
        %swap3A_366 = vector.shape_cast %swap3A_365 : vector<16xi32> to vector<16xi32>
        %swap3A_367 = vector.shape_cast %add3A_363 : vector<16xi32> to vector<16xi32>
        tpu.vector_store %arg10[%swap3A_364], %swap3A_367 {strides = array<i32>} : memref<256xi32, #tpu.memory_space<vmem>>, vector<16xi32>,
        %get3A_368 = arith.constant 176 : index
        %get3A_369 = tpu.vector_load %arg8[%get3A_368] {strides = array<i32>} : memref<256xf32, #tpu.memory_space<vmem>>, vector<16xf32>,
        %get3A_370 = vector.shape_cast %get3A_369 : vector<16xf32> to vector<16xf32>
        %convert_element_type3A_371 = arith.fptosi %get3A_370 : vector<16xf32> to vector<16xi32>
        %add3A_372 = vector.broadcast %mul3A_6 : i32 to vector<16xi32>
        %add3A_373 = arith.addi %convert_element_type3A_371, %add3A_372 : vector<16xi32>
        %swap3A_374 = arith.constant 176 : index
        %swap3A_375 = tpu.vector_load %arg10[%swap3A_374] {strides = array<i32>} : memref<256xi32, #tpu.memory_space<vmem>>, vector<16xi32>,
        %swap3A_376 = vector.shape_cast %swap3A_375 : vector<16xi32> to vector<16xi32>
        %swap3A_377 = vector.shape_cast %add3A_373 : vector<16xi32> to vector<16xi32>
        tpu.vector_store %arg10[%swap3A_374], %swap3A_377 {strides = array<i32>} : memref<256xi32, #tpu.memory_space<vmem>>, vector<16xi32>,
        %get3A_378 = arith.constant 192 : index
        %get3A_379 = tpu.vector_load %arg8[%get3A_378] {strides = array<i32>} : memref<256xf32, #tpu.memory_space<vmem>>, vector<16xf32>,
        %get3A_380 = vector.shape_cast %get3A_379 : vector<16xf32> to vector<16xf32>
        %convert_element_type3A_381 = arith.fptosi %get3A_380 : vector<16xf32> to vector<16xi32>
        %add3A_382 = vector.broadcast %mul3A_6 : i32 to vector<16xi32>
        %add3A_383 = arith.addi %convert_element_type3A_381, %add3A_382 : vector<16xi32>
        %swap3A_384 = arith.constant 192 : index
        %swap3A_385 = tpu.vector_load %arg10[%swap3A_384] {strides = array<i32>} : memref<256xi32, #tpu.memory_space<vmem>>, vector<16xi32>,
        %swap3A_386 = vector.shape_cast %swap3A_385 : vector<16xi32> to vector<16xi32>
        %swap3A_387 = vector.shape_cast %add3A_383 : vector<16xi32> to vector<16xi32>
        tpu.vector_store %arg10[%swap3A_384], %swap3A_387 {strides = array<i32>} : memref<256xi32, #tpu.memory_space<vmem>>, vector<16xi32>,
        %get3A_388 = arith.constant 208 : index
        %get3A_389 = tpu.vector_load %arg8[%get3A_388] {strides = array<i32>} : memref<256xf32, #tpu.memory_space<vmem>>, vector<16xf32>,
        %get3A_390 = vector.shape_cast %get3A_389 : vector<16xf32> to vector<16xf32>
        %convert_element_type3A_391 = arith.fptosi %get3A_390 : vector<16xf32> to vector<16xi32>
        %add3A_392 = vector.broadcast %mul3A_6 : i32 to vector<16xi32>
        %add3A_393 = arith.addi %convert_element_type3A_391, %add3A_392 : vector<16xi32>
        %swap3A_394 = arith.constant 208 : index
        %swap3A_395 = tpu.vector_load %arg10[%swap3A_394] {strides = array<i32>} : memref<256xi32, #tpu.memory_space<vmem>>, vector<16xi32>,
        %swap3A_396 = vector.shape_cast %swap3A_395 : vector<16xi32> to vector<16xi32>
        %swap3A_397 = vector.shape_cast %add3A_393 : vector<16xi32> to vector<16xi32>
        tpu.vector_store %arg10[%swap3A_394], %swap3A_397 {strides = array<i32>} : memref<256xi32, #tpu.memory_space<vmem>>, vector<16xi32>,
        %get3A_398 = arith.constant 224 : index
        %get3A_399 = tpu.vector_load %arg8[%get3A_398] {strides = array<i32>} : memref<256xf32, #tpu.memory_space<vmem>>, vector<16xf32>,
        %get3A_400 = vector.shape_cast %get3A_399 : vector<16xf32> to vector<16xf32>
        %convert_element_type3A_401 = arith.fptosi %get3A_400 : vector<16xf32> to vector<16xi32>
        %add3A_402 = vector.broadcast %mul3A_6 : i32 to vector<16xi32>
        %add3A_403 = arith.addi %convert_element_type3A_401, %add3A_402 : vector<16xi32>
        %swap3A_404 = arith.constant 224 : index
        %swap3A_405 = tpu.vector_load %arg10[%swap3A_404] {strides = array<i32>} : memref<256xi32, #tpu.memory_space<vmem>>, vector<16xi32>,
        %swap3A_406 = vector.shape_cast %swap3A_405 : vector<16xi32> to vector<16xi32>
        %swap3A_407 = vector.shape_cast %add3A_403 : vector<16xi32> to vector<16xi32>
        tpu.vector_store %arg10[%swap3A_404], %swap3A_407 {strides = array<i32>} : memref<256xi32, #tpu.memory_space<vmem>>, vector<16xi32>,
        %get3A_408 = arith.constant 240 : index
        %get3A_409 = tpu.vector_load %arg8[%get3A_408] {strides = array<i32>} : memref<256xf32, #tpu.memory_space<vmem>>, vector<16xf32>,
        %get3A_410 = vector.shape_cast %get3A_409 : vector<16xf32> to vector<16xf32>
        %convert_element_type3A_411 = arith.fptosi %get3A_410 : vector<16xf32> to vector<16xi32>
        %add3A_412 = vector.broadcast %mul3A_6 : i32 to vector<16xi32>
        %add3A_413 = arith.addi %convert_element_type3A_411, %add3A_412 : vector<16xi32>
        %swap3A_414 = arith.constant 240 : index
        %swap3A_415 = tpu.vector_load %arg10[%swap3A_414] {strides = array<i32>} : memref<256xi32, #tpu.memory_space<vmem>>, vector<16xi32>,
        %swap3A_416 = vector.shape_cast %swap3A_415 : vector<16xi32> to vector<16xi32>
        %swap3A_417 = vector.shape_cast %add3A_413 : vector<16xi32> to vector<16xi32>
        tpu.vector_store %arg10[%swap3A_414], %swap3A_417 {strides = array<i32>} : memref<256xi32, #tpu.memory_space<vmem>>, vector<16xi32>,
        %sub3A_418 = arith.constant 512 : i32
        %sub3A_419 = arith.subi %add3A_246, %sub3A_418 : i32
        %dma_wait3A_420 = arith.constant 0 : i32
        %dma_wait3A_421 = tpu.memref_slice %arg4[%sub3A_419, %dma_wait3A_420] : memref<32768x128xf32, #tpu.memory_space<hbm>> -> memref<256x128xf32, #tpu.memory_space<hbm>>
        %dma_wait3A_422 = arith.constant 0 : i32
        %dma_wait3A_423 = tpu.memref_slice %arg4[%sub3A_419, %dma_wait3A_422] : memref<32768x128xf32, #tpu.memory_space<hbm>> -> memref<256x128xf32, #tpu.memory_space<hbm>>
        tpu.wait_dma2 semaphore(%arg18 : memref<!tpu.dma_semaphore, #tpu.memory_space<semaphore_mem>>) src(%arg12 : memref<256x128xf32, #tpu.memory_space<vmem>>) dst(%dma_wait3A_423 : memref<256x128xf32, #tpu.memory_space<hbm>>)
        %dma_start3A_424 = arith.constant 0 : i32
        %dma_start3A_425 = arith.constant 0 : i32
        %dma_start3A_426 = tpu.memref_slice %arg12[%dma_start3A_424, %dma_start3A_425] : memref<256x128xf32, #tpu.memory_space<vmem>> -> memref<128x128xf32, #tpu.memory_space<vmem>>
        %dma_start3A_427 = arith.constant 0 : i32
        %dma_start3A_428 = tpu.memref_slice %arg10[%dma_start3A_427] : memref<256xi32, #tpu.memory_space<vmem>> -> memref<128xi32, #tpu.memory_space<vmem>>
        %dma_start3A_429 = arith.constant 0 : i32
        %dma_start3A_430 = arith.constant 0 : i32
        %dma_start3A_431 = tpu.memref_slice %arg5[%dma_start3A_429, %dma_start3A_430] : memref<256x128xf32, #tpu.memory_space<vmem_shared>> -> memref<256x128xf32, #tpu.memory_space<vmem_shared>>
        tpu.enqueue_indirect_dma source(%dma_start3A_431 : memref<256x128xf32, #tpu.memory_space<vmem_shared>>) target(%dma_start3A_426 : memref<128x128xf32, #tpu.memory_space<vmem>>) offsets(%dma_start3A_428 : memref<128xi32, #tpu.memory_space<vmem>>) semaphore(%arg16 : memref<!tpu.dma_semaphore, #tpu.memory_space<semaphore_mem>>)
        %dma_start3A_432 = arith.constant 128 : i32
        %dma_start3A_433 = arith.constant 0 : i32
        %dma_start3A_434 = tpu.memref_slice %arg12[%dma_start3A_432, %dma_start3A_433] : memref<256x128xf32, #tpu.memory_space<vmem>> -> memref<128x128xf32, #tpu.memory_space<vmem>>
        %dma_start3A_435 = arith.constant 128 : i32
        %dma_start3A_436 = tpu.memref_slice %arg10[%dma_start3A_435] : memref<256xi32, #tpu.memory_space<vmem>> -> memref<128xi32, #tpu.memory_space<vmem>>
        %dma_start3A_437 = arith.constant 0 : i32
        %dma_start3A_438 = arith.constant 0 : i32
        %dma_start3A_439 = tpu.memref_slice %arg5[%dma_start3A_437, %dma_start3A_438] : memref<256x128xf32, #tpu.memory_space<vmem_shared>> -> memref<256x128xf32, #tpu.memory_space<vmem_shared>>
        tpu.enqueue_indirect_dma source(%dma_start3A_439 : memref<256x128xf32, #tpu.memory_space<vmem_shared>>) target(%dma_start3A_434 : memref<128x128xf32, #tpu.memory_space<vmem>>) offsets(%dma_start3A_436 : memref<128xi32, #tpu.memory_space<vmem>>) semaphore(%arg16 : memref<!tpu.dma_semaphore, #tpu.memory_space<semaphore_mem>>)
        %add3A_440 = arith.constant 1 : i32
        %add3A_441 = arith.addi %mul3A_231, %add3A_440 : i32
        %mul3A_442 = arith.constant 256 : i32
        %mul3A_443 = arith.muli %add3A_441, %mul3A_442 : i32
        %add3A_444 = arith.addi %mul3A_2, %mul3A_443 : i32
        %iota3A_445 = tpu.iota {dimensions = array<i32: 0>} : vector<16xi32>
        %mul3A_446 = arith.constant 8 : i32
        %mul3A_447 = vector.broadcast %mul3A_446 : i32 to vector<16xi32>
        %mul3A_448 = arith.muli %iota3A_445, %mul3A_447 : vector<16xi32>
        %add3A_449 = arith.constant 0 : i32
        %add3A_450 = arith.addi %add3A_444, %add3A_449 : i32
        %mul3A_451 = arith.constant 8 : i32
        %mul3A_452 = arith.muli %add3A_450, %mul3A_451 : i32
        %add3A_453 = arith.constant 7 : i32
        %add3A_454 = arith.addi %mul3A_452, %add3A_453 : i32
        %add3A_455 = vector.broadcast %add3A_454 : i32 to vector<16xi32>
        %add3A_456 = arith.addi %mul3A_448, %add3A_455 : vector<16xi32>
        %swap3A_457 = arith.constant 0 : index
        %swap3A_458 = tpu.vector_load %arg7[%swap3A_457] {strides = array<i32>} : memref<256xi32, #tpu.memory_space<vmem>>, vector<16xi32>,
        %swap3A_459 = vector.shape_cast %swap3A_458 : vector<16xi32> to vector<16xi32>
        %swap3A_460 = vector.shape_cast %add3A_456 : vector<16xi32> to vector<16xi32>
        tpu.vector_store %arg7[%swap3A_457], %swap3A_460 {strides = array<i32>} : memref<256xi32, #tpu.memory_space<vmem>>, vector<16xi32>,
        %add3A_461 = arith.constant 16 : i32
        %add3A_462 = arith.addi %add3A_444, %add3A_461 : i32
        %mul3A_463 = arith.constant 8 : i32
        %mul3A_464 = arith.muli %add3A_462, %mul3A_463 : i32
        %add3A_465 = arith.constant 7 : i32
        %add3A_466 = arith.addi %mul3A_464, %add3A_465 : i32
        %add3A_467 = vector.broadcast %add3A_466 : i32 to vector<16xi32>
        %add3A_468 = arith.addi %mul3A_448, %add3A_467 : vector<16xi32>
        %swap3A_469 = arith.constant 16 : index
        %swap3A_470 = tpu.vector_load %arg7[%swap3A_469] {strides = array<i32>} : memref<256xi32, #tpu.memory_space<vmem>>, vector<16xi32>,
        %swap3A_471 = vector.shape_cast %swap3A_470 : vector<16xi32> to vector<16xi32>
        %swap3A_472 = vector.shape_cast %add3A_468 : vector<16xi32> to vector<16xi32>
        tpu.vector_store %arg7[%swap3A_469], %swap3A_472 {strides = array<i32>} : memref<256xi32, #tpu.memory_space<vmem>>, vector<16xi32>,
        %add3A_473 = arith.constant 32 : i32
        %add3A_474 = arith.addi %add3A_444, %add3A_473 : i32
        %mul3A_475 = arith.constant 8 : i32
        %mul3A_476 = arith.muli %add3A_474, %mul3A_475 : i32
        %add3A_477 = arith.constant 7 : i32
        %add3A_478 = arith.addi %mul3A_476, %add3A_477 : i32
        %add3A_479 = vector.broadcast %add3A_478 : i32 to vector<16xi32>
        %add3A_480 = arith.addi %mul3A_448, %add3A_479 : vector<16xi32>
        %swap3A_481 = arith.constant 32 : index
        %swap3A_482 = tpu.vector_load %arg7[%swap3A_481] {strides = array<i32>} : memref<256xi32, #tpu.memory_space<vmem>>, vector<16xi32>,
        %swap3A_483 = vector.shape_cast %swap3A_482 : vector<16xi32> to vector<16xi32>
        %swap3A_484 = vector.shape_cast %add3A_480 : vector<16xi32> to vector<16xi32>
        tpu.vector_store %arg7[%swap3A_481], %swap3A_484 {strides = array<i32>} : memref<256xi32, #tpu.memory_space<vmem>>, vector<16xi32>,
        %add3A_485 = arith.constant 48 : i32
        %add3A_486 = arith.addi %add3A_444, %add3A_485 : i32
        %mul3A_487 = arith.constant 8 : i32
        %mul3A_488 = arith.muli %add3A_486, %mul3A_487 : i32
        %add3A_489 = arith.constant 7 : i32
        %add3A_490 = arith.addi %mul3A_488, %add3A_489 : i32
        %add3A_491 = vector.broadcast %add3A_490 : i32 to vector<16xi32>
        %add3A_492 = arith.addi %mul3A_448, %add3A_491 : vector<16xi32>
        %swap3A_493 = arith.constant 48 : index
        %swap3A_494 = tpu.vector_load %arg7[%swap3A_493] {strides = array<i32>} : memref<256xi32, #tpu.memory_space<vmem>>, vector<16xi32>,
        %swap3A_495 = vector.shape_cast %swap3A_494 : vector<16xi32> to vector<16xi32>
        %swap3A_496 = vector.shape_cast %add3A_492 : vector<16xi32> to vector<16xi32>
        tpu.vector_store %arg7[%swap3A_493], %swap3A_496 {strides = array<i32>} : memref<256xi32, #tpu.memory_space<vmem>>, vector<16xi32>,
        %add3A_497 = arith.constant 64 : i32
        %add3A_498 = arith.addi %add3A_444, %add3A_497 : i32
        %mul3A_499 = arith.constant 8 : i32
        %mul3A_500 = arith.muli %add3A_498, %mul3A_499 : i32
        %add3A_501 = arith.constant 7 : i32
        %add3A_502 = arith.addi %mul3A_500, %add3A_501 : i32
        %add3A_503 = vector.broadcast %add3A_502 : i32 to vector<16xi32>
        %add3A_504 = arith.addi %mul3A_448, %add3A_503 : vector<16xi32>
        %swap3A_505 = arith.constant 64 : index
        %swap3A_506 = tpu.vector_load %arg7[%swap3A_505] {strides = array<i32>} : memref<256xi32, #tpu.memory_space<vmem>>, vector<16xi32>,
        %swap3A_507 = vector.shape_cast %swap3A_506 : vector<16xi32> to vector<16xi32>
        %swap3A_508 = vector.shape_cast %add3A_504 : vector<16xi32> to vector<16xi32>
        tpu.vector_store %arg7[%swap3A_505], %swap3A_508 {strides = array<i32>} : memref<256xi32, #tpu.memory_space<vmem>>, vector<16xi32>,
        %add3A_509 = arith.constant 80 : i32
        %add3A_510 = arith.addi %add3A_444, %add3A_509 : i32
        %mul3A_511 = arith.constant 8 : i32
        %mul3A_512 = arith.muli %add3A_510, %mul3A_511 : i32
        %add3A_513 = arith.constant 7 : i32
        %add3A_514 = arith.addi %mul3A_512, %add3A_513 : i32
        %add3A_515 = vector.broadcast %add3A_514 : i32 to vector<16xi32>
        %add3A_516 = arith.addi %mul3A_448, %add3A_515 : vector<16xi32>
        %swap3A_517 = arith.constant 80 : index
        %swap3A_518 = tpu.vector_load %arg7[%swap3A_517] {strides = array<i32>} : memref<256xi32, #tpu.memory_space<vmem>>, vector<16xi32>,
        %swap3A_519 = vector.shape_cast %swap3A_518 : vector<16xi32> to vector<16xi32>
        %swap3A_520 = vector.shape_cast %add3A_516 : vector<16xi32> to vector<16xi32>
        tpu.vector_store %arg7[%swap3A_517], %swap3A_520 {strides = array<i32>} : memref<256xi32, #tpu.memory_space<vmem>>, vector<16xi32>,
        %add3A_521 = arith.constant 96 : i32
        %add3A_522 = arith.addi %add3A_444, %add3A_521 : i32
        %mul3A_523 = arith.constant 8 : i32
        %mul3A_524 = arith.muli %add3A_522, %mul3A_523 : i32
        %add3A_525 = arith.constant 7 : i32
        %add3A_526 = arith.addi %mul3A_524, %add3A_525 : i32
        %add3A_527 = vector.broadcast %add3A_526 : i32 to vector<16xi32>
        %add3A_528 = arith.addi %mul3A_448, %add3A_527 : vector<16xi32>
        %swap3A_529 = arith.constant 96 : index
        %swap3A_530 = tpu.vector_load %arg7[%swap3A_529] {strides = array<i32>} : memref<256xi32, #tpu.memory_space<vmem>>, vector<16xi32>,
        %swap3A_531 = vector.shape_cast %swap3A_530 : vector<16xi32> to vector<16xi32>
        %swap3A_532 = vector.shape_cast %add3A_528 : vector<16xi32> to vector<16xi32>
        tpu.vector_store %arg7[%swap3A_529], %swap3A_532 {strides = array<i32>} : memref<256xi32, #tpu.memory_space<vmem>>, vector<16xi32>,
        %add3A_533 = arith.constant 112 : i32
        %add3A_534 = arith.addi %add3A_444, %add3A_533 : i32
        %mul3A_535 = arith.constant 8 : i32
        %mul3A_536 = arith.muli %add3A_534, %mul3A_535 : i32
        %add3A_537 = arith.constant 7 : i32
        %add3A_538 = arith.addi %mul3A_536, %add3A_537 : i32
        %add3A_539 = vector.broadcast %add3A_538 : i32 to vector<16xi32>
        %add3A_540 = arith.addi %mul3A_448, %add3A_539 : vector<16xi32>
        %swap3A_541 = arith.constant 112 : index
        %swap3A_542 = tpu.vector_load %arg7[%swap3A_541] {strides = array<i32>} : memref<256xi32, #tpu.memory_space<vmem>>, vector<16xi32>,
        %swap3A_543 = vector.shape_cast %swap3A_542 : vector<16xi32> to vector<16xi32>
        %swap3A_544 = vector.shape_cast %add3A_540 : vector<16xi32> to vector<16xi32>
        tpu.vector_store %arg7[%swap3A_541], %swap3A_544 {strides = array<i32>} : memref<256xi32, #tpu.memory_space<vmem>>, vector<16xi32>,
        %add3A_545 = arith.constant 128 : i32
        %add3A_546 = arith.addi %add3A_444, %add3A_545 : i32
        %mul3A_547 = arith.constant 8 : i32
        %mul3A_548 = arith.muli %add3A_546, %mul3A_547 : i32
        %add3A_549 = arith.constant 7 : i32
        %add3A_550 = arith.addi %mul3A_548, %add3A_549 : i32
        %add3A_551 = vector.broadcast %add3A_550 : i32 to vector<16xi32>
        %add3A_552 = arith.addi %mul3A_448, %add3A_551 : vector<16xi32>
        %swap3A_553 = arith.constant 128 : index
        %swap3A_554 = tpu.vector_load %arg7[%swap3A_553] {strides = array<i32>} : memref<256xi32, #tpu.memory_space<vmem>>, vector<16xi32>,
        %swap3A_555 = vector.shape_cast %swap3A_554 : vector<16xi32> to vector<16xi32>
        %swap3A_556 = vector.shape_cast %add3A_552 : vector<16xi32> to vector<16xi32>
        tpu.vector_store %arg7[%swap3A_553], %swap3A_556 {strides = array<i32>} : memref<256xi32, #tpu.memory_space<vmem>>, vector<16xi32>,
        %add3A_557 = arith.constant 144 : i32
        %add3A_558 = arith.addi %add3A_444, %add3A_557 : i32
        %mul3A_559 = arith.constant 8 : i32
        %mul3A_560 = arith.muli %add3A_558, %mul3A_559 : i32
        %add3A_561 = arith.constant 7 : i32
        %add3A_562 = arith.addi %mul3A_560, %add3A_561 : i32
        %add3A_563 = vector.broadcast %add3A_562 : i32 to vector<16xi32>
        %add3A_564 = arith.addi %mul3A_448, %add3A_563 : vector<16xi32>
        %swap3A_565 = arith.constant 144 : index
        %swap3A_566 = tpu.vector_load %arg7[%swap3A_565] {strides = array<i32>} : memref<256xi32, #tpu.memory_space<vmem>>, vector<16xi32>,
        %swap3A_567 = vector.shape_cast %swap3A_566 : vector<16xi32> to vector<16xi32>
        %swap3A_568 = vector.shape_cast %add3A_564 : vector<16xi32> to vector<16xi32>
        tpu.vector_store %arg7[%swap3A_565], %swap3A_568 {strides = array<i32>} : memref<256xi32, #tpu.memory_space<vmem>>, vector<16xi32>,
        %add3A_569 = arith.constant 160 : i32
        %add3A_570 = arith.addi %add3A_444, %add3A_569 : i32
        %mul3A_571 = arith.constant 8 : i32
        %mul3A_572 = arith.muli %add3A_570, %mul3A_571 : i32
        %add3A_573 = arith.constant 7 : i32
        %add3A_574 = arith.addi %mul3A_572, %add3A_573 : i32
        %add3A_575 = vector.broadcast %add3A_574 : i32 to vector<16xi32>
        %add3A_576 = arith.addi %mul3A_448, %add3A_575 : vector<16xi32>
        %swap3A_577 = arith.constant 160 : index
        %swap3A_578 = tpu.vector_load %arg7[%swap3A_577] {strides = array<i32>} : memref<256xi32, #tpu.memory_space<vmem>>, vector<16xi32>,
        %swap3A_579 = vector.shape_cast %swap3A_578 : vector<16xi32> to vector<16xi32>
        %swap3A_580 = vector.shape_cast %add3A_576 : vector<16xi32> to vector<16xi32>
        tpu.vector_store %arg7[%swap3A_577], %swap3A_580 {strides = array<i32>} : memref<256xi32, #tpu.memory_space<vmem>>, vector<16xi32>,
        %add3A_581 = arith.constant 176 : i32
        %add3A_582 = arith.addi %add3A_444, %add3A_581 : i32
        %mul3A_583 = arith.constant 8 : i32
        %mul3A_584 = arith.muli %add3A_582, %mul3A_583 : i32
        %add3A_585 = arith.constant 7 : i32
        %add3A_586 = arith.addi %mul3A_584, %add3A_585 : i32
        %add3A_587 = vector.broadcast %add3A_586 : i32 to vector<16xi32>
        %add3A_588 = arith.addi %mul3A_448, %add3A_587 : vector<16xi32>
        %swap3A_589 = arith.constant 176 : index
        %swap3A_590 = tpu.vector_load %arg7[%swap3A_589] {strides = array<i32>} : memref<256xi32, #tpu.memory_space<vmem>>, vector<16xi32>,
        %swap3A_591 = vector.shape_cast %swap3A_590 : vector<16xi32> to vector<16xi32>
        %swap3A_592 = vector.shape_cast %add3A_588 : vector<16xi32> to vector<16xi32>
        tpu.vector_store %arg7[%swap3A_589], %swap3A_592 {strides = array<i32>} : memref<256xi32, #tpu.memory_space<vmem>>, vector<16xi32>,
        %add3A_593 = arith.constant 192 : i32
        %add3A_594 = arith.addi %add3A_444, %add3A_593 : i32
        %mul3A_595 = arith.constant 8 : i32
        %mul3A_596 = arith.muli %add3A_594, %mul3A_595 : i32
        %add3A_597 = arith.constant 7 : i32
        %add3A_598 = arith.addi %mul3A_596, %add3A_597 : i32
        %add3A_599 = vector.broadcast %add3A_598 : i32 to vector<16xi32>
        %add3A_600 = arith.addi %mul3A_448, %add3A_599 : vector<16xi32>
        %swap3A_601 = arith.constant 192 : index
        %swap3A_602 = tpu.vector_load %arg7[%swap3A_601] {strides = array<i32>} : memref<256xi32, #tpu.memory_space<vmem>>, vector<16xi32>,
        %swap3A_603 = vector.shape_cast %swap3A_602 : vector<16xi32> to vector<16xi32>
        %swap3A_604 = vector.shape_cast %add3A_600 : vector<16xi32> to vector<16xi32>
        tpu.vector_store %arg7[%swap3A_601], %swap3A_604 {strides = array<i32>} : memref<256xi32, #tpu.memory_space<vmem>>, vector<16xi32>,
        %add3A_605 = arith.constant 208 : i32
        %add3A_606 = arith.addi %add3A_444, %add3A_605 : i32
        %mul3A_607 = arith.constant 8 : i32
        %mul3A_608 = arith.muli %add3A_606, %mul3A_607 : i32
        %add3A_609 = arith.constant 7 : i32
        %add3A_610 = arith.addi %mul3A_608, %add3A_609 : i32
        %add3A_611 = vector.broadcast %add3A_610 : i32 to vector<16xi32>
        %add3A_612 = arith.addi %mul3A_448, %add3A_611 : vector<16xi32>
        %swap3A_613 = arith.constant 208 : index
        %swap3A_614 = tpu.vector_load %arg7[%swap3A_613] {strides = array<i32>} : memref<256xi32, #tpu.memory_space<vmem>>, vector<16xi32>,
        %swap3A_615 = vector.shape_cast %swap3A_614 : vector<16xi32> to vector<16xi32>
        %swap3A_616 = vector.shape_cast %add3A_612 : vector<16xi32> to vector<16xi32>
        tpu.vector_store %arg7[%swap3A_613], %swap3A_616 {strides = array<i32>} : memref<256xi32, #tpu.memory_space<vmem>>, vector<16xi32>,
        %add3A_617 = arith.constant 224 : i32
        %add3A_618 = arith.addi %add3A_444, %add3A_617 : i32
        %mul3A_619 = arith.constant 8 : i32
        %mul3A_620 = arith.muli %add3A_618, %mul3A_619 : i32
        %add3A_621 = arith.constant 7 : i32
        %add3A_622 = arith.addi %mul3A_620, %add3A_621 : i32
        %add3A_623 = vector.broadcast %add3A_622 : i32 to vector<16xi32>
        %add3A_624 = arith.addi %mul3A_448, %add3A_623 : vector<16xi32>
        %swap3A_625 = arith.constant 224 : index
        %swap3A_626 = tpu.vector_load %arg7[%swap3A_625] {strides = array<i32>} : memref<256xi32, #tpu.memory_space<vmem>>, vector<16xi32>,
        %swap3A_627 = vector.shape_cast %swap3A_626 : vector<16xi32> to vector<16xi32>
        %swap3A_628 = vector.shape_cast %add3A_624 : vector<16xi32> to vector<16xi32>
        tpu.vector_store %arg7[%swap3A_625], %swap3A_628 {strides = array<i32>} : memref<256xi32, #tpu.memory_space<vmem>>, vector<16xi32>,
        %add3A_629 = arith.constant 240 : i32
        %add3A_630 = arith.addi %add3A_444, %add3A_629 : i32
        %mul3A_631 = arith.constant 8 : i32
        %mul3A_632 = arith.muli %add3A_630, %mul3A_631 : i32
        %add3A_633 = arith.constant 7 : i32
        %add3A_634 = arith.addi %mul3A_632, %add3A_633 : i32
        %add3A_635 = vector.broadcast %add3A_634 : i32 to vector<16xi32>
        %add3A_636 = arith.addi %mul3A_448, %add3A_635 : vector<16xi32>
        %swap3A_637 = arith.constant 240 : index
        %swap3A_638 = tpu.vector_load %arg7[%swap3A_637] {strides = array<i32>} : memref<256xi32, #tpu.memory_space<vmem>>, vector<16xi32>,
        %swap3A_639 = vector.shape_cast %swap3A_638 : vector<16xi32> to vector<16xi32>
        %swap3A_640 = vector.shape_cast %add3A_636 : vector<16xi32> to vector<16xi32>
        tpu.vector_store %arg7[%swap3A_637], %swap3A_640 {strides = array<i32>} : memref<256xi32, #tpu.memory_space<vmem>>, vector<16xi32>,
        %dma_start3A_641 = arith.constant 0 : i32
        %dma_start3A_642 = tpu.memref_slice %arg9[%dma_start3A_641] : memref<256xf32, #tpu.memory_space<vmem>> -> memref<128xf32, #tpu.memory_space<vmem>>
        %dma_start3A_643 = arith.constant 0 : i32
        %dma_start3A_644 = tpu.memref_slice %arg7[%dma_start3A_643] : memref<256xi32, #tpu.memory_space<vmem>> -> memref<128xi32, #tpu.memory_space<vmem>>
        %dma_start3A_645 = arith.constant 0 : i32
        %dma_start3A_646 = tpu.memref_slice %arg2[%dma_start3A_645] : memref<26214400xf32, #tpu.memory_space<hbm>> -> memref<26214400xf32, #tpu.memory_space<hbm>>
        tpu.enqueue_indirect_dma source(%dma_start3A_646 : memref<26214400xf32, #tpu.memory_space<hbm>>) target(%dma_start3A_642 : memref<128xf32, #tpu.memory_space<vmem>>) offsets(%dma_start3A_644 : memref<128xi32, #tpu.memory_space<vmem>>) semaphore(%arg15 : memref<!tpu.dma_semaphore, #tpu.memory_space<semaphore_mem>>)
        %dma_start3A_647 = arith.constant 128 : i32
        %dma_start3A_648 = tpu.memref_slice %arg9[%dma_start3A_647] : memref<256xf32, #tpu.memory_space<vmem>> -> memref<128xf32, #tpu.memory_space<vmem>>
        %dma_start3A_649 = arith.constant 128 : i32
        %dma_start3A_650 = tpu.memref_slice %arg7[%dma_start3A_649] : memref<256xi32, #tpu.memory_space<vmem>> -> memref<128xi32, #tpu.memory_space<vmem>>
        %dma_start3A_651 = arith.constant 0 : i32
        %dma_start3A_652 = tpu.memref_slice %arg2[%dma_start3A_651] : memref<26214400xf32, #tpu.memory_space<hbm>> -> memref<26214400xf32, #tpu.memory_space<hbm>>
        tpu.enqueue_indirect_dma source(%dma_start3A_652 : memref<26214400xf32, #tpu.memory_space<hbm>>) target(%dma_start3A_648 : memref<128xf32, #tpu.memory_space<vmem>>) offsets(%dma_start3A_650 : memref<128xi32, #tpu.memory_space<vmem>>) semaphore(%arg15 : memref<!tpu.dma_semaphore, #tpu.memory_space<semaphore_mem>>)
        %dma_wait3A_653 = arith.constant 0 : i32
        %dma_wait3A_654 = arith.constant 0 : i32
        %dma_wait3A_655 = tpu.memref_slice %arg12[%dma_wait3A_653, %dma_wait3A_654] : memref<256x128xf32, #tpu.memory_space<vmem>> -> memref<128x128xf32, #tpu.memory_space<vmem>>
        %dma_wait3A_656 = arith.constant 0 : i32
        %dma_wait3A_657 = tpu.memref_slice %arg10[%dma_wait3A_656] : memref<256xi32, #tpu.memory_space<vmem>> -> memref<128xi32, #tpu.memory_space<vmem>>
        %dma_wait3A_658 = arith.constant 0 : i32
        %dma_wait3A_659 = arith.constant 0 : i32
        %dma_wait3A_660 = tpu.memref_slice %arg5[%dma_wait3A_658, %dma_wait3A_659] : memref<256x128xf32, #tpu.memory_space<vmem_shared>> -> memref<256x128xf32, #tpu.memory_space<vmem_shared>>
        tpu.wait_indirect_dma semaphore(%arg16 : memref<!tpu.dma_semaphore, #tpu.memory_space<semaphore_mem>>) src(%dma_wait3A_660 : memref<256x128xf32, #tpu.memory_space<vmem_shared>>) dst(%dma_wait3A_655 : memref<128x128xf32, #tpu.memory_space<vmem>>)
        %dma_wait3A_661 = arith.constant 128 : i32
        %dma_wait3A_662 = arith.constant 0 : i32
        %dma_wait3A_663 = tpu.memref_slice %arg12[%dma_wait3A_661, %dma_wait3A_662] : memref<256x128xf32, #tpu.memory_space<vmem>> -> memref<128x128xf32, #tpu.memory_space<vmem>>
        %dma_wait3A_664 = arith.constant 128 : i32
        %dma_wait3A_665 = tpu.memref_slice %arg10[%dma_wait3A_664] : memref<256xi32, #tpu.memory_space<vmem>> -> memref<128xi32, #tpu.memory_space<vmem>>
        %dma_wait3A_666 = arith.constant 0 : i32
        %dma_wait3A_667 = arith.constant 0 : i32
        %dma_wait3A_668 = tpu.memref_slice %arg5[%dma_wait3A_666, %dma_wait3A_667] : memref<256x128xf32, #tpu.memory_space<vmem_shared>> -> memref<256x128xf32, #tpu.memory_space<vmem_shared>>
        tpu.wait_indirect_dma semaphore(%arg16 : memref<!tpu.dma_semaphore, #tpu.memory_space<semaphore_mem>>) src(%dma_wait3A_668 : memref<256x128xf32, #tpu.memory_space<vmem_shared>>) dst(%dma_wait3A_663 : memref<128x128xf32, #tpu.memory_space<vmem>>)
        %dma_start3A_669 = arith.constant 0 : i32
        %dma_start3A_670 = tpu.memref_slice %arg4[%add3A_246, %dma_start3A_669] : memref<32768x128xf32, #tpu.memory_space<hbm>> -> memref<256x128xf32, #tpu.memory_space<hbm>>
        %dma_start3A_671 = arith.constant 0 : i32
        %dma_start3A_672 = tpu.memref_slice %arg4[%add3A_246, %dma_start3A_671] : memref<32768x128xf32, #tpu.memory_space<hbm>> -> memref<256x128xf32, #tpu.memory_space<hbm>>
        tpu.enqueue_dma source(%arg12 : memref<256x128xf32, #tpu.memory_space<vmem>>) target(%dma_start3A_672 : memref<256x128xf32, #tpu.memory_space<hbm>>) target_semaphore(%arg18 : memref<!tpu.dma_semaphore, #tpu.memory_space<semaphore_mem>>)
        %add3A_673 = arith.constant 1 : i32
        %add3A_674 = arith.addi %mul3A_231, %add3A_673 : i32
        %mul3A_675 = arith.constant 256 : i32
        %mul3A_676 = arith.muli %add3A_674, %mul3A_675 : i32
        %add3A_677 = arith.addi %mul3A_2, %mul3A_676 : i32
        %dma_wait3A_678 = arith.constant 0 : i32
        %dma_wait3A_679 = tpu.memref_slice %arg9[%dma_wait3A_678] : memref<256xf32, #tpu.memory_space<vmem>> -> memref<128xf32, #tpu.memory_space<vmem>>
        %dma_wait3A_680 = arith.constant 0 : i32
        %dma_wait3A_681 = tpu.memref_slice %arg7[%dma_wait3A_680] : memref<256xi32, #tpu.memory_space<vmem>> -> memref<128xi32, #tpu.memory_space<vmem>>
        %dma_wait3A_682 = arith.constant 0 : i32
        %dma_wait3A_683 = tpu.memref_slice %arg2[%dma_wait3A_682] : memref<26214400xf32, #tpu.memory_space<hbm>> -> memref<26214400xf32, #tpu.memory_space<hbm>>
        tpu.wait_indirect_dma semaphore(%arg15 : memref<!tpu.dma_semaphore, #tpu.memory_space<semaphore_mem>>) src(%dma_wait3A_683 : memref<26214400xf32, #tpu.memory_space<hbm>>) dst(%dma_wait3A_679 : memref<128xf32, #tpu.memory_space<vmem>>)
        %dma_wait3A_684 = arith.constant 128 : i32
        %dma_wait3A_685 = tpu.memref_slice %arg9[%dma_wait3A_684] : memref<256xf32, #tpu.memory_space<vmem>> -> memref<128xf32, #tpu.memory_space<vmem>>
        %dma_wait3A_686 = arith.constant 128 : i32
        %dma_wait3A_687 = tpu.memref_slice %arg7[%dma_wait3A_686] : memref<256xi32, #tpu.memory_space<vmem>> -> memref<128xi32, #tpu.memory_space<vmem>>
        %dma_wait3A_688 = arith.constant 0 : i32
        %dma_wait3A_689 = tpu.memref_slice %arg2[%dma_wait3A_688] : memref<26214400xf32, #tpu.memory_space<hbm>> -> memref<26214400xf32, #tpu.memory_space<hbm>>
        tpu.wait_indirect_dma semaphore(%arg15 : memref<!tpu.dma_semaphore, #tpu.memory_space<semaphore_mem>>) src(%dma_wait3A_689 : memref<26214400xf32, #tpu.memory_space<hbm>>) dst(%dma_wait3A_685 : memref<128xf32, #tpu.memory_space<vmem>>)
        %get3A_690 = arith.constant 0 : index
        %get3A_691 = tpu.vector_load %arg9[%get3A_690] {strides = array<i32>} : memref<256xf32, #tpu.memory_space<vmem>>, vector<16xf32>,
        %get3A_692 = vector.shape_cast %get3A_691 : vector<16xf32> to vector<16xf32>
        %convert_element_type3A_693 = arith.fptosi %get3A_692 : vector<16xf32> to vector<16xi32>
        %add3A_694 = vector.broadcast %mul3A_6 : i32 to vector<16xi32>
        %add3A_695 = arith.addi %convert_element_type3A_693, %add3A_694 : vector<16xi32>
        %swap3A_696 = arith.constant 0 : index
        %swap3A_697 = tpu.vector_load %arg11[%swap3A_696] {strides = array<i32>} : memref<256xi32, #tpu.memory_space<vmem>>, vector<16xi32>,
        %swap3A_698 = vector.shape_cast %swap3A_697 : vector<16xi32> to vector<16xi32>
        %swap3A_699 = vector.shape_cast %add3A_695 : vector<16xi32> to vector<16xi32>
        tpu.vector_store %arg11[%swap3A_696], %swap3A_699 {strides = array<i32>} : memref<256xi32, #tpu.memory_space<vmem>>, vector<16xi32>,
        %get3A_700 = arith.constant 16 : index
        %get3A_701 = tpu.vector_load %arg9[%get3A_700] {strides = array<i32>} : memref<256xf32, #tpu.memory_space<vmem>>, vector<16xf32>,
        %get3A_702 = vector.shape_cast %get3A_701 : vector<16xf32> to vector<16xf32>
        %convert_element_type3A_703 = arith.fptosi %get3A_702 : vector<16xf32> to vector<16xi32>
        %add3A_704 = vector.broadcast %mul3A_6 : i32 to vector<16xi32>
        %add3A_705 = arith.addi %convert_element_type3A_703, %add3A_704 : vector<16xi32>
        %swap3A_706 = arith.constant 16 : index
        %swap3A_707 = tpu.vector_load %arg11[%swap3A_706] {strides = array<i32>} : memref<256xi32, #tpu.memory_space<vmem>>, vector<16xi32>,
        %swap3A_708 = vector.shape_cast %swap3A_707 : vector<16xi32> to vector<16xi32>
        %swap3A_709 = vector.shape_cast %add3A_705 : vector<16xi32> to vector<16xi32>
        tpu.vector_store %arg11[%swap3A_706], %swap3A_709 {strides = array<i32>} : memref<256xi32, #tpu.memory_space<vmem>>, vector<16xi32>,
        %get3A_710 = arith.constant 32 : index
        %get3A_711 = tpu.vector_load %arg9[%get3A_710] {strides = array<i32>} : memref<256xf32, #tpu.memory_space<vmem>>, vector<16xf32>,
        %get3A_712 = vector.shape_cast %get3A_711 : vector<16xf32> to vector<16xf32>
        %convert_element_type3A_713 = arith.fptosi %get3A_712 : vector<16xf32> to vector<16xi32>
        %add3A_714 = vector.broadcast %mul3A_6 : i32 to vector<16xi32>
        %add3A_715 = arith.addi %convert_element_type3A_713, %add3A_714 : vector<16xi32>
        %swap3A_716 = arith.constant 32 : index
        %swap3A_717 = tpu.vector_load %arg11[%swap3A_716] {strides = array<i32>} : memref<256xi32, #tpu.memory_space<vmem>>, vector<16xi32>,
        %swap3A_718 = vector.shape_cast %swap3A_717 : vector<16xi32> to vector<16xi32>
        %swap3A_719 = vector.shape_cast %add3A_715 : vector<16xi32> to vector<16xi32>
        tpu.vector_store %arg11[%swap3A_716], %swap3A_719 {strides = array<i32>} : memref<256xi32, #tpu.memory_space<vmem>>, vector<16xi32>,
        %get3A_720 = arith.constant 48 : index
        %get3A_721 = tpu.vector_load %arg9[%get3A_720] {strides = array<i32>} : memref<256xf32, #tpu.memory_space<vmem>>, vector<16xf32>,
        %get3A_722 = vector.shape_cast %get3A_721 : vector<16xf32> to vector<16xf32>
        %convert_element_type3A_723 = arith.fptosi %get3A_722 : vector<16xf32> to vector<16xi32>
        %add3A_724 = vector.broadcast %mul3A_6 : i32 to vector<16xi32>
        %add3A_725 = arith.addi %convert_element_type3A_723, %add3A_724 : vector<16xi32>
        %swap3A_726 = arith.constant 48 : index
        %swap3A_727 = tpu.vector_load %arg11[%swap3A_726] {strides = array<i32>} : memref<256xi32, #tpu.memory_space<vmem>>, vector<16xi32>,
        %swap3A_728 = vector.shape_cast %swap3A_727 : vector<16xi32> to vector<16xi32>
        %swap3A_729 = vector.shape_cast %add3A_725 : vector<16xi32> to vector<16xi32>
        tpu.vector_store %arg11[%swap3A_726], %swap3A_729 {strides = array<i32>} : memref<256xi32, #tpu.memory_space<vmem>>, vector<16xi32>,
        %get3A_730 = arith.constant 64 : index
        %get3A_731 = tpu.vector_load %arg9[%get3A_730] {strides = array<i32>} : memref<256xf32, #tpu.memory_space<vmem>>, vector<16xf32>,
        %get3A_732 = vector.shape_cast %get3A_731 : vector<16xf32> to vector<16xf32>
        %convert_element_type3A_733 = arith.fptosi %get3A_732 : vector<16xf32> to vector<16xi32>
        %add3A_734 = vector.broadcast %mul3A_6 : i32 to vector<16xi32>
        %add3A_735 = arith.addi %convert_element_type3A_733, %add3A_734 : vector<16xi32>
        %swap3A_736 = arith.constant 64 : index
        %swap3A_737 = tpu.vector_load %arg11[%swap3A_736] {strides = array<i32>} : memref<256xi32, #tpu.memory_space<vmem>>, vector<16xi32>,
        %swap3A_738 = vector.shape_cast %swap3A_737 : vector<16xi32> to vector<16xi32>
        %swap3A_739 = vector.shape_cast %add3A_735 : vector<16xi32> to vector<16xi32>
        tpu.vector_store %arg11[%swap3A_736], %swap3A_739 {strides = array<i32>} : memref<256xi32, #tpu.memory_space<vmem>>, vector<16xi32>,
        %get3A_740 = arith.constant 80 : index
        %get3A_741 = tpu.vector_load %arg9[%get3A_740] {strides = array<i32>} : memref<256xf32, #tpu.memory_space<vmem>>, vector<16xf32>,
        %get3A_742 = vector.shape_cast %get3A_741 : vector<16xf32> to vector<16xf32>
        %convert_element_type3A_743 = arith.fptosi %get3A_742 : vector<16xf32> to vector<16xi32>
        %add3A_744 = vector.broadcast %mul3A_6 : i32 to vector<16xi32>
        %add3A_745 = arith.addi %convert_element_type3A_743, %add3A_744 : vector<16xi32>
        %swap3A_746 = arith.constant 80 : index
        %swap3A_747 = tpu.vector_load %arg11[%swap3A_746] {strides = array<i32>} : memref<256xi32, #tpu.memory_space<vmem>>, vector<16xi32>,
        %swap3A_748 = vector.shape_cast %swap3A_747 : vector<16xi32> to vector<16xi32>
        %swap3A_749 = vector.shape_cast %add3A_745 : vector<16xi32> to vector<16xi32>
        tpu.vector_store %arg11[%swap3A_746], %swap3A_749 {strides = array<i32>} : memref<256xi32, #tpu.memory_space<vmem>>, vector<16xi32>,
        %get3A_750 = arith.constant 96 : index
        %get3A_751 = tpu.vector_load %arg9[%get3A_750] {strides = array<i32>} : memref<256xf32, #tpu.memory_space<vmem>>, vector<16xf32>,
        %get3A_752 = vector.shape_cast %get3A_751 : vector<16xf32> to vector<16xf32>
        %convert_element_type3A_753 = arith.fptosi %get3A_752 : vector<16xf32> to vector<16xi32>
        %add3A_754 = vector.broadcast %mul3A_6 : i32 to vector<16xi32>
        %add3A_755 = arith.addi %convert_element_type3A_753, %add3A_754 : vector<16xi32>
        %swap3A_756 = arith.constant 96 : index
        %swap3A_757 = tpu.vector_load %arg11[%swap3A_756] {strides = array<i32>} : memref<256xi32, #tpu.memory_space<vmem>>, vector<16xi32>,
        %swap3A_758 = vector.shape_cast %swap3A_757 : vector<16xi32> to vector<16xi32>
        %swap3A_759 = vector.shape_cast %add3A_755 : vector<16xi32> to vector<16xi32>
        tpu.vector_store %arg11[%swap3A_756], %swap3A_759 {strides = array<i32>} : memref<256xi32, #tpu.memory_space<vmem>>, vector<16xi32>,
        %get3A_760 = arith.constant 112 : index
        %get3A_761 = tpu.vector_load %arg9[%get3A_760] {strides = array<i32>} : memref<256xf32, #tpu.memory_space<vmem>>, vector<16xf32>,
        %get3A_762 = vector.shape_cast %get3A_761 : vector<16xf32> to vector<16xf32>
        %convert_element_type3A_763 = arith.fptosi %get3A_762 : vector<16xf32> to vector<16xi32>
        %add3A_764 = vector.broadcast %mul3A_6 : i32 to vector<16xi32>
        %add3A_765 = arith.addi %convert_element_type3A_763, %add3A_764 : vector<16xi32>
        %swap3A_766 = arith.constant 112 : index
        %swap3A_767 = tpu.vector_load %arg11[%swap3A_766] {strides = array<i32>} : memref<256xi32, #tpu.memory_space<vmem>>, vector<16xi32>,
        %swap3A_768 = vector.shape_cast %swap3A_767 : vector<16xi32> to vector<16xi32>
        %swap3A_769 = vector.shape_cast %add3A_765 : vector<16xi32> to vector<16xi32>
        tpu.vector_store %arg11[%swap3A_766], %swap3A_769 {strides = array<i32>} : memref<256xi32, #tpu.memory_space<vmem>>, vector<16xi32>,
        %get3A_770 = arith.constant 128 : index
        %get3A_771 = tpu.vector_load %arg9[%get3A_770] {strides = array<i32>} : memref<256xf32, #tpu.memory_space<vmem>>, vector<16xf32>,
        %get3A_772 = vector.shape_cast %get3A_771 : vector<16xf32> to vector<16xf32>
        %convert_element_type3A_773 = arith.fptosi %get3A_772 : vector<16xf32> to vector<16xi32>
        %add3A_774 = vector.broadcast %mul3A_6 : i32 to vector<16xi32>
        %add3A_775 = arith.addi %convert_element_type3A_773, %add3A_774 : vector<16xi32>
        %swap3A_776 = arith.constant 128 : index
        %swap3A_777 = tpu.vector_load %arg11[%swap3A_776] {strides = array<i32>} : memref<256xi32, #tpu.memory_space<vmem>>, vector<16xi32>,
        %swap3A_778 = vector.shape_cast %swap3A_777 : vector<16xi32> to vector<16xi32>
        %swap3A_779 = vector.shape_cast %add3A_775 : vector<16xi32> to vector<16xi32>
        tpu.vector_store %arg11[%swap3A_776], %swap3A_779 {strides = array<i32>} : memref<256xi32, #tpu.memory_space<vmem>>, vector<16xi32>,
        %get3A_780 = arith.constant 144 : index
        %get3A_781 = tpu.vector_load %arg9[%get3A_780] {strides = array<i32>} : memref<256xf32, #tpu.memory_space<vmem>>, vector<16xf32>,
        %get3A_782 = vector.shape_cast %get3A_781 : vector<16xf32> to vector<16xf32>
        %convert_element_type3A_783 = arith.fptosi %get3A_782 : vector<16xf32> to vector<16xi32>
        %add3A_784 = vector.broadcast %mul3A_6 : i32 to vector<16xi32>
        %add3A_785 = arith.addi %convert_element_type3A_783, %add3A_784 : vector<16xi32>
        %swap3A_786 = arith.constant 144 : index
        %swap3A_787 = tpu.vector_load %arg11[%swap3A_786] {strides = array<i32>} : memref<256xi32, #tpu.memory_space<vmem>>, vector<16xi32>,
        %swap3A_788 = vector.shape_cast %swap3A_787 : vector<16xi32> to vector<16xi32>
        %swap3A_789 = vector.shape_cast %add3A_785 : vector<16xi32> to vector<16xi32>
        tpu.vector_store %arg11[%swap3A_786], %swap3A_789 {strides = array<i32>} : memref<256xi32, #tpu.memory_space<vmem>>, vector<16xi32>,
        %get3A_790 = arith.constant 160 : index
        %get3A_791 = tpu.vector_load %arg9[%get3A_790] {strides = array<i32>} : memref<256xf32, #tpu.memory_space<vmem>>, vector<16xf32>,
        %get3A_792 = vector.shape_cast %get3A_791 : vector<16xf32> to vector<16xf32>
        %convert_element_type3A_793 = arith.fptosi %get3A_792 : vector<16xf32> to vector<16xi32>
        %add3A_794 = vector.broadcast %mul3A_6 : i32 to vector<16xi32>
        %add3A_795 = arith.addi %convert_element_type3A_793, %add3A_794 : vector<16xi32>
        %swap3A_796 = arith.constant 160 : index
        %swap3A_797 = tpu.vector_load %arg11[%swap3A_796] {strides = array<i32>} : memref<256xi32, #tpu.memory_space<vmem>>, vector<16xi32>,
        %swap3A_798 = vector.shape_cast %swap3A_797 : vector<16xi32> to vector<16xi32>
        %swap3A_799 = vector.shape_cast %add3A_795 : vector<16xi32> to vector<16xi32>
        tpu.vector_store %arg11[%swap3A_796], %swap3A_799 {strides = array<i32>} : memref<256xi32, #tpu.memory_space<vmem>>, vector<16xi32>,
        %get3A_800 = arith.constant 176 : index
        %get3A_801 = tpu.vector_load %arg9[%get3A_800] {strides = array<i32>} : memref<256xf32, #tpu.memory_space<vmem>>, vector<16xf32>,
        %get3A_802 = vector.shape_cast %get3A_801 : vector<16xf32> to vector<16xf32>
        %convert_element_type3A_803 = arith.fptosi %get3A_802 : vector<16xf32> to vector<16xi32>
        %add3A_804 = vector.broadcast %mul3A_6 : i32 to vector<16xi32>
        %add3A_805 = arith.addi %convert_element_type3A_803, %add3A_804 : vector<16xi32>
        %swap3A_806 = arith.constant 176 : index
        %swap3A_807 = tpu.vector_load %arg11[%swap3A_806] {strides = array<i32>} : memref<256xi32, #tpu.memory_space<vmem>>, vector<16xi32>,
        %swap3A_808 = vector.shape_cast %swap3A_807 : vector<16xi32> to vector<16xi32>
        %swap3A_809 = vector.shape_cast %add3A_805 : vector<16xi32> to vector<16xi32>
        tpu.vector_store %arg11[%swap3A_806], %swap3A_809 {strides = array<i32>} : memref<256xi32, #tpu.memory_space<vmem>>, vector<16xi32>,
        %get3A_810 = arith.constant 192 : index
        %get3A_811 = tpu.vector_load %arg9[%get3A_810] {strides = array<i32>} : memref<256xf32, #tpu.memory_space<vmem>>, vector<16xf32>,
        %get3A_812 = vector.shape_cast %get3A_811 : vector<16xf32> to vector<16xf32>
        %convert_element_type3A_813 = arith.fptosi %get3A_812 : vector<16xf32> to vector<16xi32>
        %add3A_814 = vector.broadcast %mul3A_6 : i32 to vector<16xi32>
        %add3A_815 = arith.addi %convert_element_type3A_813, %add3A_814 : vector<16xi32>
        %swap3A_816 = arith.constant 192 : index
        %swap3A_817 = tpu.vector_load %arg11[%swap3A_816] {strides = array<i32>} : memref<256xi32, #tpu.memory_space<vmem>>, vector<16xi32>,
        %swap3A_818 = vector.shape_cast %swap3A_817 : vector<16xi32> to vector<16xi32>
        %swap3A_819 = vector.shape_cast %add3A_815 : vector<16xi32> to vector<16xi32>
        tpu.vector_store %arg11[%swap3A_816], %swap3A_819 {strides = array<i32>} : memref<256xi32, #tpu.memory_space<vmem>>, vector<16xi32>,
        %get3A_820 = arith.constant 208 : index
        %get3A_821 = tpu.vector_load %arg9[%get3A_820] {strides = array<i32>} : memref<256xf32, #tpu.memory_space<vmem>>, vector<16xf32>,
        %get3A_822 = vector.shape_cast %get3A_821 : vector<16xf32> to vector<16xf32>
        %convert_element_type3A_823 = arith.fptosi %get3A_822 : vector<16xf32> to vector<16xi32>
        %add3A_824 = vector.broadcast %mul3A_6 : i32 to vector<16xi32>
        %add3A_825 = arith.addi %convert_element_type3A_823, %add3A_824 : vector<16xi32>
        %swap3A_826 = arith.constant 208 : index
        %swap3A_827 = tpu.vector_load %arg11[%swap3A_826] {strides = array<i32>} : memref<256xi32, #tpu.memory_space<vmem>>, vector<16xi32>,
        %swap3A_828 = vector.shape_cast %swap3A_827 : vector<16xi32> to vector<16xi32>
        %swap3A_829 = vector.shape_cast %add3A_825 : vector<16xi32> to vector<16xi32>
        tpu.vector_store %arg11[%swap3A_826], %swap3A_829 {strides = array<i32>} : memref<256xi32, #tpu.memory_space<vmem>>, vector<16xi32>,
        %get3A_830 = arith.constant 224 : index
        %get3A_831 = tpu.vector_load %arg9[%get3A_830] {strides = array<i32>} : memref<256xf32, #tpu.memory_space<vmem>>, vector<16xf32>,
        %get3A_832 = vector.shape_cast %get3A_831 : vector<16xf32> to vector<16xf32>
        %convert_element_type3A_833 = arith.fptosi %get3A_832 : vector<16xf32> to vector<16xi32>
        %add3A_834 = vector.broadcast %mul3A_6 : i32 to vector<16xi32>
        %add3A_835 = arith.addi %convert_element_type3A_833, %add3A_834 : vector<16xi32>
        %swap3A_836 = arith.constant 224 : index
        %swap3A_837 = tpu.vector_load %arg11[%swap3A_836] {strides = array<i32>} : memref<256xi32, #tpu.memory_space<vmem>>, vector<16xi32>,
        %swap3A_838 = vector.shape_cast %swap3A_837 : vector<16xi32> to vector<16xi32>
        %swap3A_839 = vector.shape_cast %add3A_835 : vector<16xi32> to vector<16xi32>
        tpu.vector_store %arg11[%swap3A_836], %swap3A_839 {strides = array<i32>} : memref<256xi32, #tpu.memory_space<vmem>>, vector<16xi32>,
        %get3A_840 = arith.constant 240 : index
        %get3A_841 = tpu.vector_load %arg9[%get3A_840] {strides = array<i32>} : memref<256xf32, #tpu.memory_space<vmem>>, vector<16xf32>,
        %get3A_842 = vector.shape_cast %get3A_841 : vector<16xf32> to vector<16xf32>
        %convert_element_type3A_843 = arith.fptosi %get3A_842 : vector<16xf32> to vector<16xi32>
        %add3A_844 = vector.broadcast %mul3A_6 : i32 to vector<16xi32>
        %add3A_845 = arith.addi %convert_element_type3A_843, %add3A_844 : vector<16xi32>
        %swap3A_846 = arith.constant 240 : index
        %swap3A_847 = tpu.vector_load %arg11[%swap3A_846] {strides = array<i32>} : memref<256xi32, #tpu.memory_space<vmem>>, vector<16xi32>,
        %swap3A_848 = vector.shape_cast %swap3A_847 : vector<16xi32> to vector<16xi32>
        %swap3A_849 = vector.shape_cast %add3A_845 : vector<16xi32> to vector<16xi32>
        tpu.vector_store %arg11[%swap3A_846], %swap3A_849 {strides = array<i32>} : memref<256xi32, #tpu.memory_space<vmem>>, vector<16xi32>,
        %sub3A_850 = arith.constant 512 : i32
        %sub3A_851 = arith.subi %add3A_677, %sub3A_850 : i32
        %dma_wait3A_852 = arith.constant 0 : i32
        %dma_wait3A_853 = tpu.memref_slice %arg4[%sub3A_851, %dma_wait3A_852] : memref<32768x128xf32, #tpu.memory_space<hbm>> -> memref<256x128xf32, #tpu.memory_space<hbm>>
        %dma_wait3A_854 = arith.constant 0 : i32
        %dma_wait3A_855 = tpu.memref_slice %arg4[%sub3A_851, %dma_wait3A_854] : memref<32768x128xf32, #tpu.memory_space<hbm>> -> memref<256x128xf32, #tpu.memory_space<hbm>>
        tpu.wait_dma2 semaphore(%arg19 : memref<!tpu.dma_semaphore, #tpu.memory_space<semaphore_mem>>) src(%arg13 : memref<256x128xf32, #tpu.memory_space<vmem>>) dst(%dma_wait3A_855 : memref<256x128xf32, #tpu.memory_space<hbm>>)
        %dma_start3A_856 = arith.constant 0 : i32
        %dma_start3A_857 = arith.constant 0 : i32
        %dma_start3A_858 = tpu.memref_slice %arg13[%dma_start3A_856, %dma_start3A_857] : memref<256x128xf32, #tpu.memory_space<vmem>> -> memref<128x128xf32, #tpu.memory_space<vmem>>
        %dma_start3A_859 = arith.constant 0 : i32
        %dma_start3A_860 = tpu.memref_slice %arg11[%dma_start3A_859] : memref<256xi32, #tpu.memory_space<vmem>> -> memref<128xi32, #tpu.memory_space<vmem>>
        %dma_start3A_861 = arith.constant 0 : i32
        %dma_start3A_862 = arith.constant 0 : i32
        %dma_start3A_863 = tpu.memref_slice %arg5[%dma_start3A_861, %dma_start3A_862] : memref<256x128xf32, #tpu.memory_space<vmem_shared>> -> memref<256x128xf32, #tpu.memory_space<vmem_shared>>
        tpu.enqueue_indirect_dma source(%dma_start3A_863 : memref<256x128xf32, #tpu.memory_space<vmem_shared>>) target(%dma_start3A_858 : memref<128x128xf32, #tpu.memory_space<vmem>>) offsets(%dma_start3A_860 : memref<128xi32, #tpu.memory_space<vmem>>) semaphore(%arg17 : memref<!tpu.dma_semaphore, #tpu.memory_space<semaphore_mem>>)
        %dma_start3A_864 = arith.constant 128 : i32
        %dma_start3A_865 = arith.constant 0 : i32
        %dma_start3A_866 = tpu.memref_slice %arg13[%dma_start3A_864, %dma_start3A_865] : memref<256x128xf32, #tpu.memory_space<vmem>> -> memref<128x128xf32, #tpu.memory_space<vmem>>
        %dma_start3A_867 = arith.constant 128 : i32
        %dma_start3A_868 = tpu.memref_slice %arg11[%dma_start3A_867] : memref<256xi32, #tpu.memory_space<vmem>> -> memref<128xi32, #tpu.memory_space<vmem>>
        %dma_start3A_869 = arith.constant 0 : i32
        %dma_start3A_870 = arith.constant 0 : i32
        %dma_start3A_871 = tpu.memref_slice %arg5[%dma_start3A_869, %dma_start3A_870] : memref<256x128xf32, #tpu.memory_space<vmem_shared>> -> memref<256x128xf32, #tpu.memory_space<vmem_shared>>
        tpu.enqueue_indirect_dma source(%dma_start3A_871 : memref<256x128xf32, #tpu.memory_space<vmem_shared>>) target(%dma_start3A_866 : memref<128x128xf32, #tpu.memory_space<vmem>>) offsets(%dma_start3A_868 : memref<128xi32, #tpu.memory_space<vmem>>) semaphore(%arg17 : memref<!tpu.dma_semaphore, #tpu.memory_space<semaphore_mem>>)
        %dma_wait3A_872 = arith.constant 0 : i32
        %dma_wait3A_873 = arith.constant 0 : i32
        %dma_wait3A_874 = tpu.memref_slice %arg13[%dma_wait3A_872, %dma_wait3A_873] : memref<256x128xf32, #tpu.memory_space<vmem>> -> memref<128x128xf32, #tpu.memory_space<vmem>>
        %dma_wait3A_875 = arith.constant 0 : i32
        %dma_wait3A_876 = tpu.memref_slice %arg11[%dma_wait3A_875] : memref<256xi32, #tpu.memory_space<vmem>> -> memref<128xi32, #tpu.memory_space<vmem>>
        %dma_wait3A_877 = arith.constant 0 : i32
        %dma_wait3A_878 = arith.constant 0 : i32
        %dma_wait3A_879 = tpu.memref_slice %arg5[%dma_wait3A_877, %dma_wait3A_878] : memref<256x128xf32, #tpu.memory_space<vmem_shared>> -> memref<256x128xf32, #tpu.memory_space<vmem_shared>>
        tpu.wait_indirect_dma semaphore(%arg17 : memref<!tpu.dma_semaphore, #tpu.memory_space<semaphore_mem>>) src(%dma_wait3A_879 : memref<256x128xf32, #tpu.memory_space<vmem_shared>>) dst(%dma_wait3A_874 : memref<128x128xf32, #tpu.memory_space<vmem>>)
        %dma_wait3A_880 = arith.constant 128 : i32
        %dma_wait3A_881 = arith.constant 0 : i32
        %dma_wait3A_882 = tpu.memref_slice %arg13[%dma_wait3A_880, %dma_wait3A_881] : memref<256x128xf32, #tpu.memory_space<vmem>> -> memref<128x128xf32, #tpu.memory_space<vmem>>
        %dma_wait3A_883 = arith.constant 128 : i32
        %dma_wait3A_884 = tpu.memref_slice %arg11[%dma_wait3A_883] : memref<256xi32, #tpu.memory_space<vmem>> -> memref<128xi32, #tpu.memory_space<vmem>>
        %dma_wait3A_885 = arith.constant 0 : i32
        %dma_wait3A_886 = arith.constant 0 : i32
        %dma_wait3A_887 = tpu.memref_slice %arg5[%dma_wait3A_885, %dma_wait3A_886] : memref<256x128xf32, #tpu.memory_space<vmem_shared>> -> memref<256x128xf32, #tpu.memory_space<vmem_shared>>
        tpu.wait_indirect_dma semaphore(%arg17 : memref<!tpu.dma_semaphore, #tpu.memory_space<semaphore_mem>>) src(%dma_wait3A_887 : memref<256x128xf32, #tpu.memory_space<vmem_shared>>) dst(%dma_wait3A_882 : memref<128x128xf32, #tpu.memory_space<vmem>>)
        %dma_start3A_888 = arith.constant 0 : i32
        %dma_start3A_889 = tpu.memref_slice %arg4[%add3A_677, %dma_start3A_888] : memref<32768x128xf32, #tpu.memory_space<hbm>> -> memref<256x128xf32, #tpu.memory_space<hbm>>
        %dma_start3A_890 = arith.constant 0 : i32
        %dma_start3A_891 = tpu.memref_slice %arg4[%add3A_677, %dma_start3A_890] : memref<32768x128xf32, #tpu.memory_space<hbm>> -> memref<256x128xf32, #tpu.memory_space<hbm>>
        tpu.enqueue_dma source(%arg13 : memref<256x128xf32, #tpu.memory_space<vmem>>) target(%dma_start3A_891 : memref<256x128xf32, #tpu.memory_space<hbm>>) target_semaphore(%arg19 : memref<!tpu.dma_semaphore, #tpu.memory_space<semaphore_mem>>)
      } else {
      }
    }
    %scan3A_216 = arith.constant 2 : i32
    %add3A_217 = arith.constant 1024 : i32
    %add3A_218 = arith.addi %mul3A_2, %add3A_217 : i32
    %sub3A = arith.constant 512 : i32
    %sub3A_219 = arith.subi %add3A_218, %sub3A : i32
    %dma_wait3A = arith.constant 0 : i32
    %dma_wait3A_220 = tpu.memref_slice %arg4[%sub3A_219, %dma_wait3A] : memref<32768x128xf32, #tpu.memory_space<hbm>> -> memref<256x128xf32, #tpu.memory_space<hbm>>
    %dma_wait3A_221 = arith.constant 0 : i32
    %dma_wait3A_222 = tpu.memref_slice %arg4[%sub3A_219, %dma_wait3A_221] : memref<32768x128xf32, #tpu.memory_space<hbm>> -> memref<256x128xf32, #tpu.memory_space<hbm>>
    tpu.wait_dma2 semaphore(%arg18 : memref<!tpu.dma_semaphore, #tpu.memory_space<semaphore_mem>>) src(%arg12 : memref<256x128xf32, #tpu.memory_space<vmem>>) dst(%dma_wait3A_222 : memref<256x128xf32, #tpu.memory_space<hbm>>)
    %sub3A_223 = arith.constant 256 : i32
    %sub3A_224 = arith.subi %add3A_218, %sub3A_223 : i32
    %dma_wait3A_225 = arith.constant 0 : i32
    %dma_wait3A_226 = tpu.memref_slice %arg4[%sub3A_224, %dma_wait3A_225] : memref<32768x128xf32, #tpu.memory_space<hbm>> -> memref<256x128xf32, #tpu.memory_space<hbm>>
    %dma_wait3A_227 = arith.constant 0 : i32
    %dma_wait3A_228 = tpu.memref_slice %arg4[%sub3A_224, %dma_wait3A_227] : memref<32768x128xf32, #tpu.memory_space<hbm>> -> memref<256x128xf32, #tpu.memory_space<hbm>>
    tpu.wait_dma2 semaphore(%arg19 : memref<!tpu.dma_semaphore, #tpu.memory_space<semaphore_mem>>) src(%arg13 : memref<256x128xf32, #tpu.memory_space<vmem>>) dst(%dma_wait3A_228 : memref<256x128xf32, #tpu.memory_space<hbm>>)
    return
  }
}

module attributes {stable_mosaic.version = 14 : i64} {
  func.func @_tc_body(%arg0: i32, %arg1: memref<8x1024xf32, #tpu.memory_space<vmem>>, %arg2: memref<1024x128xf32, #tpu.memory_space<vmem>>, %arg3: memref<16x128xf32, #tpu.memory_space<vmem>>, %arg4: memref<1024x128xf32, #tpu.memory_space<vmem>>) attributes {dimension_semantics = [#tpu.dimension_semantics<arbitrary>], iteration_bounds = array<i64: 3168>, scalar_prefetch = 0 : i64, scratch_operands = 0 : i64, tpu.core_type = #tpu.core_type<tc>, window_params = [{transform_indices = @transform_0, window_bounds = array<i64: 8, 1024>}, {pipeline_mode = #tpu.pipeline_mode<synchronous>, transform_indices = @transform_1, window_bounds = array<i64: 1024, 128>}, {pipeline_mode = #tpu.pipeline_mode<synchronous>, transform_indices = @transform_2, window_bounds = array<i64: 16, 128>}, {transform_indices = @transform_3, window_bounds = array<i64: 1024, 128>}]} {
    %get3A = arith.constant 0 : index
    %get3A_0 = arith.constant 0 : index
    %get3A_1 = vector.load %arg1[%get3A, %get3A_0] : memref<8x1024xf32, #tpu.memory_space<vmem>>, vector<8x1024xf32>
    %get3A_2 = arith.constant 0 : index
    %get3A_3 = arith.constant 0 : index
    %get3A_4 = vector.load %arg2[%get3A_2, %get3A_3] : memref<1024x128xf32, #tpu.memory_space<vmem>>, vector<1024x128xf32>
    %dot_general3A = arith.constant dense<0.000000e+00> : vector<8x128xf32>
    %dot_general3A_5 = tpu.matmul %get3A_1, %get3A_4, %dot_general3A {dimension_numbers = #tpu.dot_dimension_numbers<[1], [0], [0], [1], [0, 0, 1, 1], [], []>, transpose_lhs_hint = false} : vector<8x1024xf32>, vector<1024x128xf32>, vector<8x128xf32> -> vector<8x128xf32>
    %transpose3A = tpu.transpose %dot_general3A_5, [1, 0] : vector<8x128xf32> -> vector<128x8xf32>
    %convert_element_type3A = arith.fptosi %transpose3A : vector<128x8xf32> to vector<128x8xi32>
    %get3A_6 = arith.constant 0 : index
    %get3A_7 = arith.constant 0 : index
    %get3A_8 = vector.load %arg3[%get3A_6, %get3A_7] : memref<16x128xf32, #tpu.memory_space<vmem>>, vector<16x128xf32>
    %slice3A = vector.extract_strided_slice %convert_element_type3A {offsets = [0, 0], sizes = [128, 1], strides = [1, 1]} : vector<128x8xi32> to vector<128x1xi32>
    %iota3A = tpu.iota {dimensions = array<i32: 1>} : vector<128x16xi32>
    %eq3A = vector.broadcast %slice3A : vector<128x1xi32> to vector<128x16xi32>
    %eq3A_9 = arith.cmpi eq, %eq3A, %iota3A : vector<128x16xi32>
    %convert_element_type3A_10 = arith.extui %eq3A_9 : vector<128x16xi1> to vector<128x16xi32>
    %convert_element_type3A_11 = arith.sitofp %convert_element_type3A_10 : vector<128x16xi32> to vector<128x16xf32>
    %dot_general3A_12 = arith.constant dense<0.000000e+00> : vector<128x128xf32>
    %dot_general3A_13 = tpu.matmul %convert_element_type3A_11, %get3A_8, %dot_general3A_12 {dimension_numbers = #tpu.dot_dimension_numbers<[1], [0], [0], [1], [0, 0, 1, 1], [], []>, precision = #tpu.contract_precision<fp32>, transpose_lhs_hint = false} : vector<128x16xf32>, vector<16x128xf32>, vector<128x128xf32> -> vector<128x128xf32>
    %swap3A = arith.constant 0 : index
    %swap3A_14 = arith.constant 0 : index
    %swap3A_15 = vector.load %arg4[%swap3A, %swap3A_14] : memref<1024x128xf32, #tpu.memory_space<vmem>>, vector<128x128xf32>
    tpu.vector_store %arg4[%swap3A, %swap3A_14], %dot_general3A_13 {strides = array<i32>} : memref<1024x128xf32, #tpu.memory_space<vmem>>, vector<128x128xf32>,
    %slice3A_16 = vector.extract_strided_slice %convert_element_type3A {offsets = [0, 1], sizes = [128, 1], strides = [1, 1]} : vector<128x8xi32> to vector<128x1xi32>
    %iota3A_17 = tpu.iota {dimensions = array<i32: 1>} : vector<128x16xi32>
    %eq3A_18 = vector.broadcast %slice3A_16 : vector<128x1xi32> to vector<128x16xi32>
    %eq3A_19 = arith.cmpi eq, %eq3A_18, %iota3A_17 : vector<128x16xi32>
    %convert_element_type3A_20 = arith.extui %eq3A_19 : vector<128x16xi1> to vector<128x16xi32>
    %convert_element_type3A_21 = arith.sitofp %convert_element_type3A_20 : vector<128x16xi32> to vector<128x16xf32>
    %dot_general3A_22 = arith.constant dense<0.000000e+00> : vector<128x128xf32>
    %dot_general3A_23 = tpu.matmul %convert_element_type3A_21, %get3A_8, %dot_general3A_22 {dimension_numbers = #tpu.dot_dimension_numbers<[1], [0], [0], [1], [0, 0, 1, 1], [], []>, precision = #tpu.contract_precision<fp32>, transpose_lhs_hint = false} : vector<128x16xf32>, vector<16x128xf32>, vector<128x128xf32> -> vector<128x128xf32>
    %swap3A_24 = arith.constant 128 : index
    %swap3A_25 = arith.constant 0 : index
    %swap3A_26 = vector.load %arg4[%swap3A_24, %swap3A_25] : memref<1024x128xf32, #tpu.memory_space<vmem>>, vector<128x128xf32>
    tpu.vector_store %arg4[%swap3A_24, %swap3A_25], %dot_general3A_23 {strides = array<i32>} : memref<1024x128xf32, #tpu.memory_space<vmem>>, vector<128x128xf32>,
    %slice3A_27 = vector.extract_strided_slice %convert_element_type3A {offsets = [0, 2], sizes = [128, 1], strides = [1, 1]} : vector<128x8xi32> to vector<128x1xi32>
    %iota3A_28 = tpu.iota {dimensions = array<i32: 1>} : vector<128x16xi32>
    %eq3A_29 = vector.broadcast %slice3A_27 : vector<128x1xi32> to vector<128x16xi32>
    %eq3A_30 = arith.cmpi eq, %eq3A_29, %iota3A_28 : vector<128x16xi32>
    %convert_element_type3A_31 = arith.extui %eq3A_30 : vector<128x16xi1> to vector<128x16xi32>
    %convert_element_type3A_32 = arith.sitofp %convert_element_type3A_31 : vector<128x16xi32> to vector<128x16xf32>
    %dot_general3A_33 = arith.constant dense<0.000000e+00> : vector<128x128xf32>
    %dot_general3A_34 = tpu.matmul %convert_element_type3A_32, %get3A_8, %dot_general3A_33 {dimension_numbers = #tpu.dot_dimension_numbers<[1], [0], [0], [1], [0, 0, 1, 1], [], []>, precision = #tpu.contract_precision<fp32>, transpose_lhs_hint = false} : vector<128x16xf32>, vector<16x128xf32>, vector<128x128xf32> -> vector<128x128xf32>
    %swap3A_35 = arith.constant 256 : index
    %swap3A_36 = arith.constant 0 : index
    %swap3A_37 = vector.load %arg4[%swap3A_35, %swap3A_36] : memref<1024x128xf32, #tpu.memory_space<vmem>>, vector<128x128xf32>
    tpu.vector_store %arg4[%swap3A_35, %swap3A_36], %dot_general3A_34 {strides = array<i32>} : memref<1024x128xf32, #tpu.memory_space<vmem>>, vector<128x128xf32>,
    %slice3A_38 = vector.extract_strided_slice %convert_element_type3A {offsets = [0, 3], sizes = [128, 1], strides = [1, 1]} : vector<128x8xi32> to vector<128x1xi32>
    %iota3A_39 = tpu.iota {dimensions = array<i32: 1>} : vector<128x16xi32>
    %eq3A_40 = vector.broadcast %slice3A_38 : vector<128x1xi32> to vector<128x16xi32>
    %eq3A_41 = arith.cmpi eq, %eq3A_40, %iota3A_39 : vector<128x16xi32>
    %convert_element_type3A_42 = arith.extui %eq3A_41 : vector<128x16xi1> to vector<128x16xi32>
    %convert_element_type3A_43 = arith.sitofp %convert_element_type3A_42 : vector<128x16xi32> to vector<128x16xf32>
    %dot_general3A_44 = arith.constant dense<0.000000e+00> : vector<128x128xf32>
    %dot_general3A_45 = tpu.matmul %convert_element_type3A_43, %get3A_8, %dot_general3A_44 {dimension_numbers = #tpu.dot_dimension_numbers<[1], [0], [0], [1], [0, 0, 1, 1], [], []>, precision = #tpu.contract_precision<fp32>, transpose_lhs_hint = false} : vector<128x16xf32>, vector<16x128xf32>, vector<128x128xf32> -> vector<128x128xf32>
    %swap3A_46 = arith.constant 384 : index
    %swap3A_47 = arith.constant 0 : index
    %swap3A_48 = vector.load %arg4[%swap3A_46, %swap3A_47] : memref<1024x128xf32, #tpu.memory_space<vmem>>, vector<128x128xf32>
    tpu.vector_store %arg4[%swap3A_46, %swap3A_47], %dot_general3A_45 {strides = array<i32>} : memref<1024x128xf32, #tpu.memory_space<vmem>>, vector<128x128xf32>,
    %slice3A_49 = vector.extract_strided_slice %convert_element_type3A {offsets = [0, 4], sizes = [128, 1], strides = [1, 1]} : vector<128x8xi32> to vector<128x1xi32>
    %iota3A_50 = tpu.iota {dimensions = array<i32: 1>} : vector<128x16xi32>
    %eq3A_51 = vector.broadcast %slice3A_49 : vector<128x1xi32> to vector<128x16xi32>
    %eq3A_52 = arith.cmpi eq, %eq3A_51, %iota3A_50 : vector<128x16xi32>
    %convert_element_type3A_53 = arith.extui %eq3A_52 : vector<128x16xi1> to vector<128x16xi32>
    %convert_element_type3A_54 = arith.sitofp %convert_element_type3A_53 : vector<128x16xi32> to vector<128x16xf32>
    %dot_general3A_55 = arith.constant dense<0.000000e+00> : vector<128x128xf32>
    %dot_general3A_56 = tpu.matmul %convert_element_type3A_54, %get3A_8, %dot_general3A_55 {dimension_numbers = #tpu.dot_dimension_numbers<[1], [0], [0], [1], [0, 0, 1, 1], [], []>, precision = #tpu.contract_precision<fp32>, transpose_lhs_hint = false} : vector<128x16xf32>, vector<16x128xf32>, vector<128x128xf32> -> vector<128x128xf32>
    %swap3A_57 = arith.constant 512 : index
    %swap3A_58 = arith.constant 0 : index
    %swap3A_59 = vector.load %arg4[%swap3A_57, %swap3A_58] : memref<1024x128xf32, #tpu.memory_space<vmem>>, vector<128x128xf32>
    tpu.vector_store %arg4[%swap3A_57, %swap3A_58], %dot_general3A_56 {strides = array<i32>} : memref<1024x128xf32, #tpu.memory_space<vmem>>, vector<128x128xf32>,
    %slice3A_60 = vector.extract_strided_slice %convert_element_type3A {offsets = [0, 5], sizes = [128, 1], strides = [1, 1]} : vector<128x8xi32> to vector<128x1xi32>
    %iota3A_61 = tpu.iota {dimensions = array<i32: 1>} : vector<128x16xi32>
    %eq3A_62 = vector.broadcast %slice3A_60 : vector<128x1xi32> to vector<128x16xi32>
    %eq3A_63 = arith.cmpi eq, %eq3A_62, %iota3A_61 : vector<128x16xi32>
    %convert_element_type3A_64 = arith.extui %eq3A_63 : vector<128x16xi1> to vector<128x16xi32>
    %convert_element_type3A_65 = arith.sitofp %convert_element_type3A_64 : vector<128x16xi32> to vector<128x16xf32>
    %dot_general3A_66 = arith.constant dense<0.000000e+00> : vector<128x128xf32>
    %dot_general3A_67 = tpu.matmul %convert_element_type3A_65, %get3A_8, %dot_general3A_66 {dimension_numbers = #tpu.dot_dimension_numbers<[1], [0], [0], [1], [0, 0, 1, 1], [], []>, precision = #tpu.contract_precision<fp32>, transpose_lhs_hint = false} : vector<128x16xf32>, vector<16x128xf32>, vector<128x128xf32> -> vector<128x128xf32>
    %swap3A_68 = arith.constant 640 : index
    %swap3A_69 = arith.constant 0 : index
    %swap3A_70 = vector.load %arg4[%swap3A_68, %swap3A_69] : memref<1024x128xf32, #tpu.memory_space<vmem>>, vector<128x128xf32>
    tpu.vector_store %arg4[%swap3A_68, %swap3A_69], %dot_general3A_67 {strides = array<i32>} : memref<1024x128xf32, #tpu.memory_space<vmem>>, vector<128x128xf32>,
    %slice3A_71 = vector.extract_strided_slice %convert_element_type3A {offsets = [0, 6], sizes = [128, 1], strides = [1, 1]} : vector<128x8xi32> to vector<128x1xi32>
    %iota3A_72 = tpu.iota {dimensions = array<i32: 1>} : vector<128x16xi32>
    %eq3A_73 = vector.broadcast %slice3A_71 : vector<128x1xi32> to vector<128x16xi32>
    %eq3A_74 = arith.cmpi eq, %eq3A_73, %iota3A_72 : vector<128x16xi32>
    %convert_element_type3A_75 = arith.extui %eq3A_74 : vector<128x16xi1> to vector<128x16xi32>
    %convert_element_type3A_76 = arith.sitofp %convert_element_type3A_75 : vector<128x16xi32> to vector<128x16xf32>
    %dot_general3A_77 = arith.constant dense<0.000000e+00> : vector<128x128xf32>
    %dot_general3A_78 = tpu.matmul %convert_element_type3A_76, %get3A_8, %dot_general3A_77 {dimension_numbers = #tpu.dot_dimension_numbers<[1], [0], [0], [1], [0, 0, 1, 1], [], []>, precision = #tpu.contract_precision<fp32>, transpose_lhs_hint = false} : vector<128x16xf32>, vector<16x128xf32>, vector<128x128xf32> -> vector<128x128xf32>
    %swap3A_79 = arith.constant 768 : index
    %swap3A_80 = arith.constant 0 : index
    %swap3A_81 = vector.load %arg4[%swap3A_79, %swap3A_80] : memref<1024x128xf32, #tpu.memory_space<vmem>>, vector<128x128xf32>
    tpu.vector_store %arg4[%swap3A_79, %swap3A_80], %dot_general3A_78 {strides = array<i32>} : memref<1024x128xf32, #tpu.memory_space<vmem>>, vector<128x128xf32>,
    %slice3A_82 = vector.extract_strided_slice %convert_element_type3A {offsets = [0, 7], sizes = [128, 1], strides = [1, 1]} : vector<128x8xi32> to vector<128x1xi32>
    %iota3A_83 = tpu.iota {dimensions = array<i32: 1>} : vector<128x16xi32>
    %eq3A_84 = vector.broadcast %slice3A_82 : vector<128x1xi32> to vector<128x16xi32>
    %eq3A_85 = arith.cmpi eq, %eq3A_84, %iota3A_83 : vector<128x16xi32>
    %convert_element_type3A_86 = arith.extui %eq3A_85 : vector<128x16xi1> to vector<128x16xi32>
    %convert_element_type3A_87 = arith.sitofp %convert_element_type3A_86 : vector<128x16xi32> to vector<128x16xf32>
    %dot_general3A_88 = arith.constant dense<0.000000e+00> : vector<128x128xf32>
    %dot_general3A_89 = tpu.matmul %convert_element_type3A_87, %get3A_8, %dot_general3A_88 {dimension_numbers = #tpu.dot_dimension_numbers<[1], [0], [0], [1], [0, 0, 1, 1], [], []>, precision = #tpu.contract_precision<fp32>, transpose_lhs_hint = false} : vector<128x16xf32>, vector<16x128xf32>, vector<128x128xf32> -> vector<128x128xf32>
    %swap3A_90 = arith.constant 896 : index
    %swap3A_91 = arith.constant 0 : index
    %swap3A_92 = vector.load %arg4[%swap3A_90, %swap3A_91] : memref<1024x128xf32, #tpu.memory_space<vmem>>, vector<128x128xf32>
    tpu.vector_store %arg4[%swap3A_90, %swap3A_91], %dot_general3A_89 {strides = array<i32>} : memref<1024x128xf32, #tpu.memory_space<vmem>>, vector<128x128xf32>,
    return
  }
  func.func @transform_0(%arg0: i32) -> (i32, i32) {
    %add3A = arith.constant 32 : i32
    %add3A_0 = arith.addi %add3A, %arg0 : i32
    %c0_i32 = arith.constant 0 : i32
    %c0_i32_1 = arith.constant 0 : i32
    return %add3A_0, %c0_i32 : i32, i32
  }
  func.func @transform_1(%arg0: i32) -> (i32, i32) {
    %c0_i32 = arith.constant 0 : i32
    %c0_i32_0 = arith.constant 0 : i32
    %c0_i32_1 = arith.constant 0 : i32
    return %c0_i32, %c0_i32_0 : i32, i32
  }
  func.func @transform_2(%arg0: i32) -> (i32, i32) {
    %c0_i32 = arith.constant 0 : i32
    %c0_i32_0 = arith.constant 0 : i32
    %c0_i32_1 = arith.constant 0 : i32
    return %c0_i32, %c0_i32_0 : i32, i32
  }
  func.func @transform_3(%arg0: i32) -> (i32, i32) {
    %c0_i32 = arith.constant 0 : i32
    %c0_i32_0 = arith.constant 0 : i32
    return %arg0, %c0_i32 : i32, i32
  }
}

</mosaic_0001>

<sc_bundles>
// kernel: kernel.4.cloned.1.call-start
scs
__scs_entry_jumppad:
0x0: {  	(pc) =	sbr.rel $0x88, $3  }
0x1: {  	(tag) =	ssettag $0x0;
	lr =	simm.s32 $0x1  }
0x2: {  	[smem:$0x3F9F] =	sst lr;
	_ =	strace $0xD0000000  }
0x3: {  	_ = 	snop  }
0x4: {  	_ = 	snop  }
0x5: {  	_ = 	snop  }
0x6: {  	_ = 	snop  }
0x7: {  	_ = 	snop  }
__scs_overlays_trampoline_lowered:
0x8: {  	[smem:$0x3FAE] =	sst s0  }
0x9: {  	[smem:$0x3FAF] =	sst s1  }
0xa: {  	[smem:$0x3FB0] =	sst s2  }
0xb: {  	[smem:$0x3FB1] =	sst s3  }
0xc: {  	[smem:$0x3FB2] =	sst s4  }
0xd: {  	[smem:$0x3FB3] =	sst s5  }
0xe: {  	[smem:$0x3FB4] =	sst s6  }
0xf: {  	[smem:$0x3FB5] =	sst s7  }
0x10: {  	[smem:$0x3FB6] =	sst s8  }
0x11: {  	[smem:$0x3FB7] =	sst s9;
	s0 =	simm.s32 @!p0 $0x0  }
0x12: {  	s1 =	sld [smem:$0x3F9D];
	s0 =	simm.s32 @p0 $0x1  }
0x13: {  	[smem:$0x3FB8] =	sst s0;
	s0 =	simm.s32 @!p1 $0x0  }
0x14: {  	s2 =	sld [smem:$0x3F9C];
	s0 =	simm.s32 @p1 $0x1  }
0x15: {  	[smem:$0x3FB9] =	sst s0;
	s0 =	simm.s32 @!p2 $0x0  }
0x16: {  	s3 =	sld [smem:$0x3FDB];
	s0 =	simm.s32 @p2 $0x1  }
0x17: {  	s4 =	simm.s32 $0x1BF5;
	[smem:$0x3FBB] =	sst s0  }
0x18: {  	s0 =	sld [smem:$0x3F9E];
	_ =	swait.ge [sflag:s4], $0x0  }
0x19: {  	s7 =	sld [smem:$0x3F9F]  }
0x1a: {  	s8 =	sadd.s32 $0xFFFFE003, lr  }
0x1b: {  	s9 =	sadd.s32 $0xFFFFFEF7, lr;
	s5 =	simm.s32 $0xFFFFFFFF;
	p2 =	slt.u32 s8, $0xFFFFF086  }
0x1c: {  	p1 =	slt.u32 s9, $0xF7A;
	s5 =	simm.s32 @!p2 $0x0  }
0x1d: {  	s5 =	simm.s32 @p1 $0x1;
	p0 =	seq.s32 s7, s2  }
0x1e: {  	s7 =	smul.u32 @!p0 $0xF7A, s2;
	p2 =	seq.s32 @!p0 s5, $0x0  }
0x1f: {  	s9 =	smul.u32 $0xF7A, s1;
	s8 =	simm.s32 @!p0 $0x1BF5;
	p2 =	por !p2, p0  }
0x20: {  	[sflag:s8] =	ssyncset.s32 @!p0 $0xFFFFF086;
	s6 =	sadd.s32 @!p0 s3, s7;
	s7 =	simm.s32 @!p0 $0x108  }
0x21: {  	s3 =	sadd.s32 s3, s9;
	s6 =	sadd.s32 @!p0 $0x88, s6;
	s7 =	simm.s32 @p2 $0x1082  }
0x22: {  	[simem:s7], [sflag:s8] =	dma.local @!p0 [hbm:s6], $0xF7A  }
0x23: {  	s9 =	sor.u32 $0xD0000000, s2;
	s6 =	simm.s32 $0x108;
	_ =	swait.ge @!p0 [sflag:s8], $0x0  }
0x24: {  	s3 =	sadd.s32 $0x88, s3;
	s6 =	simm.s32 @!p1 $0x1082;
	[sflag:s4] =	ssyncset.s32 $0xFFFFF086  }
0x25: {  	[simem:s6], [sflag:s4] =	dma.local [hbm:s3], $0xF7A  }
0x26: {  	[smem:$0x3F9F] =	sst s1;
	(tag) =	ssettag s2;
	_ =	strace s9  }
0x27: {  	s1 =	sld [smem:$0x3FAF]  }
0x28: {  	s2 =	sld [smem:$0x3FB0]  }
0x29: {  	s4 =	sld [smem:$0x3FB2]  }
0x2a: {  	p0 =	seq.s32 s5, $0x0;
	s5 =	sld [smem:$0x3FB3]  }
0x2b: {  	s6 =	sld [smem:$0x3FB4]  }
0x2c: {  	s7 =	sld [smem:$0x3FB5]  }
0x2d: {  	s3 =	simm.s32 $0x108;
	s8 =	sld [smem:$0x3FB6]  }
0x2e: {  	s3 =	simm.s32 @!p0 $0x1082;
	s9 =	sld [smem:$0x3FB7]  }
0x2f: {  	lr =	sadd.s32 s0, s3;
	s0 =	sld [smem:$0x3FAE]  }
0x30: {  	s3 =	sld [smem:$0x3FB1]  }
0x31: {  	[smem:$0x3FBA] =	sst s10  }
0x32: {  	s10 =	sld [smem:$0x3FB8];
	_ =	sdelay $0x3  }
0x33: {  	p0 =	seq.s32 s10, $0x1;
	s10 =	sld [smem:$0x3FBA];
	_ =	sdelay $0x3  }
0x34: {  	[smem:$0x3FBA] =	sst s10  }
0x35: {  	s10 =	sld [smem:$0x3FB9];
	_ =	sdelay $0x3  }
0x36: {  	p1 =	seq.s32 s10, $0x1;
	s10 =	sld [smem:$0x3FBA];
	_ =	sdelay $0x3  }
0x37: {  	[smem:$0x3FBA] =	sst s10  }
0x38: {  	s10 =	sld [smem:$0x3FBB]  }
0x39: {  	_ = 	snop;
	(pc) =	sbr.ind lr, $3  }
0x3a: {  	_ = 	snop  }
0x3b: {  	_ = 	snop  }
0x3c: {  	p2 =	seq.s32 s10, $0x1;
	s10 =	sld [smem:$0x3FBA]  }
0x3d: {  	_ =	shalt  }
0x3e: {  	_ =	shalt  }
0x3f: {  	_ =	shalt  }
0x40: {  	_ =	shalt  }
0x41: {  	_ =	shalt  }
0x42: {  	_ =	shalt  }
0x43: {  	_ =	shalt  }
0x44: {  	_ =	shalt  }
0x45: {  	_ =	shalt  }
0x46: {  	_ =	shalt  }
0x47: {  	_ =	shalt  }
0x48: {  	_ =	shalt  }
0x49: {  	_ =	shalt  }
0x4a: {  	_ =	shalt  }
0x4b: {  	_ =	shalt  }
0x4c: {  	_ =	shalt  }
0x4d: {  	_ =	shalt  }
0x4e: {  	_ =	shalt  }
0x4f: {  	_ =	shalt  }
0x50: {  	_ =	shalt  }
0x51: {  	_ =	shalt  }
0x52: {  	_ =	shalt  }
0x53: {  	_ =	shalt  }
0x54: {  	_ =	shalt  }
0x55: {  	_ =	shalt  }
0x56: {  	_ =	shalt  }
0x57: {  	_ =	shalt  }
0x58: {  	_ =	shalt  }
0x59: {  	_ =	shalt  }
0x5a: {  	_ =	shalt  }
0x5b: {  	_ =	shalt  }
0x5c: {  	_ =	shalt  }
0x5d: {  	_ =	shalt  }
0x5e: {  	_ =	shalt  }
0x5f: {  	_ =	shalt  }
0x60: {  	_ =	shalt  }
0x61: {  	_ =	shalt  }
0x62: {  	_ =	shalt  }
0x63: {  	_ =	shalt  }
0x64: {  	_ =	shalt  }
0x65: {  	_ =	shalt  }
0x66: {  	_ =	shalt  }
0x67: {  	_ =	shalt  }
0x68: {  	_ =	shalt  }
0x69: {  	_ =	shalt  }
0x6a: {  	_ =	shalt  }
0x6b: {  	_ =	shalt  }
0x6c: {  	_ =	shalt  }
0x6d: {  	_ =	shalt  }
0x6e: {  	_ =	shalt  }
0x6f: {  	_ =	shalt  }
0x70: {  	_ =	shalt  }
0x71: {  	_ =	shalt  }
0x72: {  	_ =	shalt  }
0x73: {  	_ =	shalt  }
0x74: {  	_ =	shalt  }
0x75: {  	_ =	shalt  }
0x76: {  	_ =	shalt  }
0x77: {  	_ =	shalt  }
0x78: {  	_ =	shalt  }
0x79: {  	_ =	shalt  }
0x7a: {  	_ =	shalt  }
0x7b: {  	_ =	shalt  }
0x7c: {  	_ =	shalt  }
0x7d: {  	_ =	shalt  }
0x7e: {  	_ =	shalt  }
0x7f: {  	_ =	shalt  }
0x80: {  	_ =	shalt  }
0x81: {  	_ =	shalt  }
0x82: {  	_ =	shalt  }
0x83: {  	_ =	shalt  }
0x84: {  	_ =	shalt  }
0x85: {  	_ =	shalt  }
0x86: {  	_ =	shalt  }
0x87: {  	_ =	shalt  }
.Lfunc_end0:
.L_simem_size_0:
called_computation_lowered:
.L_overlay_start_0:
0x88: {  	s2 =	sld [smem:$0x3FD9]  }
0x89: {  	s3 =	sld [smem:$0x3FFE];
	_ =	sdelay $0x1  }
0x8a: {  	s1 =	srdreg.scid  }
0x8b: {  	s0 =	sand.u32 $0x1, s1  }
0x8c: {  	s17 =	sshll.u32 s0, $0xA;
	s2 =	sadd.s32 s3, s2  }
0x8d: {  	s2 =	sadd.s32 s2, s17  }
0x8e: {  	[smem:$0x3FC6] =	sst s2  }
0x8f: {  	_ = 	snop  }
0x90: {  	s2 =	sld [smem:$0x3FC8];
	(tm) =	ssettm $0x1  }
0x91: {  	s18 =	sld [smem:$0x3FFB];
	_ =	sdelay $0x3  }
0x92: {  	_ =	strace s18  }
0x93: {  	s3 =	sld [smem:$0x3FFC];
	_ =	sdelay $0x3  }
0x94: {  	_ =	strace s3  }
0x95: {  	s3 =	sld [smem:$0x3FFD];
	_ =	sdelay $0x3  }
0x96: {  	_ =	strace s3  }
0x97: {  	_ =	strace $0x8FFFFFFF  }
0x98: {  	s19 =	sld [smem:$0x3FDB];
	_ =	sdelay $0x1  }
0x99: {  	s4 =	simm.s32 $_scs_section_size  }
0x9a: {  	s5 =	simm.s32 $_size__tile_overlayer_lowered;
	s6 =	simm.s32 $_tile_overlayer_lowered  }
0x9b: {  	s22 =	simm.s32 $0x1BFF;
	s21 =	sshll.u32 s6, $0x1;
	s3 =	sadd.s32 s4, s19  }
0x9c: {  	s7 =	simm.s32 $0x0;
	s20 =	sshll.u32 s5, $0x1;
	s5 =	sadd.s32 s21, s3  }
0x9d: {  	[timem:s7], [sflag:s22] =	dma.local [hbm:s5], s20  }
0x9e: {  	_ =	swait.ge [sflag:s22], s20  }
0x9f: {  	s4 =	ssub.s32 $0x0, s20;
	[sflag:s22] =	ssyncset.done $0x0  }
0xa0: {  	[sflag:s22] =	ssyncadd.s32 s4;
	_ =	sdelay $0x1  }
0xa1: {  	s23 =	simm.s32 $0x1B8B  }
0xa2: {  	_ =	swait.ge [sflag:s23], $0x1  }
0xa3: {  	[sflag:s23] =	ssyncset.done $0x0  }
0xa4: {  	s25 =	simm.s32 $0x1B8E;
	s24 =	sld [smem:$0x3FFE];
	[sflag:s23] =	ssyncadd.s32 $0xFFFFFFFF  }
0xa5: {  	s26 =	simm.s32 $execute0_lowered;
	[smem:$0x3FD2] =	sst s25  }
0xa6: {  	s5 =	sshll.u32 s26, $0x1;
	_ =	strace $0x80000046;
	[dreg:$0x1] =	wrdreg $0xFFFFFFFF  }
0xa7: {  	s28 =	simm.s32 $_size_execute0_lowered;
	s3 =	sadd.s32 s3, s5;
	[dreg:$0x0] =	wrdreg $0x0  }
0xa8: {  	s5 =	sshll.u32 s28, $0x1;
	[dreg:$0x2] =	wrdreg s3  }
0xa9: {  	[dreg:$0x3] =	wrdreg s5  }
0xaa: {  	[dreg:$0x4] =	wrdreg $0xC0  }
0xab: {  	_ =	task [dreg:s7], $0x5FFFF  }
0xac: {  	[dreg:$0x1] =	wrdreg $0xFFFFFFFF  }
0xad: {  	[dreg:$0x0] =	wrdreg $0x60  }
0xae: {  	[dreg:$0x2] =	wrdreg s24  }
0xaf: {  	[dreg:$0x3] =	wrdreg s2  }
0xb0: {  	[dreg:$0x4] =	wrdreg $0x0  }
0xb1: {  	[dreg:$0x5] =	wrdreg $0x9  }
0xb2: {  	_ =	task.clear_ibuf [dreg:s7], $0x6FFFF;
	_ =	strace $0x90000046  }
0xb3: {  	s29 =	simm.s32 $0x9;
	_ =	strace $0x80000048  }
0xb4: {  	_ =	swait.ge [sflag:s29], $0x1  }
0xb5: {  	[sflag:s29] =	ssyncadd.s32 $0xFFFFFFFF  }
0xb6: {  	_ =	strace $0x90000048  }
0xb7: {  	_ =	sfence  }
0xb8: {  	s30 =	sld [smem:$0x0];
	_ =	sdelay $0x2  }
0xb9: {  	s31 =	sshll.u32 s1, $0xD;
	s1 =	sshrl.u32 s1, $0x2  }
0xba: {  	s3 =	sand.u32 $0x4000, s31;
	s1 =	sadd.s32 s1, s30  }
0xbb: {  	s0 =	sor.u32 s3, s0;
	s1 =	sshll.u32 s1, $0x11  }
0xbc: {  	s0 =	sor.u32 s1, s0  }
0xbd: {  	s0 =	sadd.s32 $0x8F2B, s0  }
0xbe: {  	[sflag:s0] =	ssyncadd.remote.s32 $0x1  }
0xbf: {  	_ =	sfence.sel $0xFFFF  }
0xc0: {  	[dreg:$0x0] =	wrdreg $0xFFFFFFFF;
	(pc) =	sbr.abs _section_cstart, $3  }
0xc1: {  	[dreg:$0x1] =	wrdreg $0xFFFFFFFF  }
0xc2: {  	_ =	task.clear_ibuf [dreg:s7], $0x2FFFF;
	_ =	strace $0x9FFFFFFF  }
0xc3: {  	(tm) =	ssettm $0x7FFFFFFF  }
tec
execute0_lowered:
.L_overlay_start_1:
0x0: {  	(tag) =	ssettag $0x1  }
0x1: {  	s0 =	rddreg [dreg:$0x0]  }
0x2: {  	s2 =	rddreg [dreg:$0x2];
	s4 =	simm.s32 $0x0;
	s1 =	srdreg.scid  }
0x3: {  	s8 =	stileid.u32;
	[smem:$0x7FF] =	sst s4  }
0x4: {  	s1 =	sand.u32 $0x1, s1;
	s5 =	sadd.s32 $0x600, s0;
	s6 =	sshll.u32 s8, $0x1  }
0x5: {  	s9 =	sadd.s32 $0x320600, s0;
	s18 =	sshll.u32 s8, $0x4;
	s19 =	sshll.u32 s8, $0xB  }
0x6: {  	s10 =	sshll.u32 s8, $0x6;
	_ =	strace $0x80000047;
	s3 =	ssub.s32 $0x2, s1  }
0x7: {  	s6 =	sor.u32 s1, s6;
	[dreg:$0xc] =	wrdreg s18;
	s20 =	sadd.s32 s19, s2  }
0x8: {  	s21 =	sor.u32 $0x1C07, s10;
	s17 =	sshrl.u32 s3, $0x1;
	[dreg:$0xa] =	wrdreg s20  }
0x9: {  	s7 =	sshll.u32 s6, $0xA;
	[dreg:$0x4] =	wrdreg s21;
	s0 =	ssub.s32 s3, s17  }
0xa: {  	s3 =	sshll.u32 s6, $0xD;
	s19 =	sor.u32 $0x300, s7;
	s6 =	sshll.u32 s6, $0xE  }
0xb: {  	s21 =	sor.u32 $0x100, s7;
	[dreg:$0x9] =	wrdreg s0;
	s10 =	sor.u32 $0x7, s3  }
0xc: {  	s11 =	sor.u32 $0x87, s3;
	s12 =	sor.u32 $0x107, s3;
	s13 =	sor.u32 $0x187, s3  }
0xd: {  	s14 =	sor.u32 $0x207, s3;
	s15 =	sor.u32 $0x287, s3;
	s16 =	sor.u32 $0x307, s3  }
0xe: {  	s17 =	sor.u32 $0x387, s3;
	s18 =	sor.u32 $0x407, s3;
	s20 =	sshll.u32 s19, $0x4  }
0xf: {  	s7 =	sadd.s32 s9, s6;
	s23 =	sshll.u32 s21, $0x4;
	s24 =	sshllo.u32 s19, $0x3  }
0x10: {  	s25 =	sshllo.u32 s21, $0x3;
	s21 =	sor.u32 $0x507, s3;
	s26 =	sor.u32 $0x787, s3  }
0x11: {  	s28 =	sor.u32 $0x1887, s3;
	s29 =	sor.u32 $0x1907, s3;
	s30 =	sor.u32 $0x1987, s3  }
0x12: {  	s31 =	sor.u32 $0x1A07, s3;
	s0 =	sor.u32 $0x1A87, s3;
	s1 =	sor.u32 $0x1B07, s3  }
0x13: {  	v0 =	vlaneseq.u32;
	s6 =	sor.u32 $0x1B87, s3;
	s8 =	sor.u32 $0x1C07, s3;
	s19 =	sor.u32 $0x1D87, s3  }
0x14: {  	v0 =	vmul.u32 $0x8, v0;
	s22 =	sadd.s32 s9, s20;
	s9 =	sadd.s32 s9, s23;
	[dreg:$0x14] =	wrdreg s24  }
0x15: {  	s20 =	sor.u32 $0x487, s3;
	[dreg:$0xb] =	wrdreg s25;
	s23 =	sor.u32 $0x607, s3  }
0x16: {  	s24 =	sor.u32 $0x687, s3;
	s25 =	sor.u32 $0x707, s3;
	v1 =	vor.u32 s10, v0;
	s10 =	sor.u32 $0x1C87, s3;
	v10 =	vor.u32 s21, v0  }
0x17: {  	s21 =	sor.u32 $0xA87, s3;
	v15 =	vor.u32 s26, v0;
	s26 =	rddreg [dreg:$0xc];
	v18 =	vor.u32 s28, v0;
	v19 =	vor.u32 s29, v0;
	s28 =	sor.u32 $0xE07, s3  }
0x18: {  	s29 =	sor.u32 $0xE87, s3;
	v20 =	vor.u32 s30, v0;
	v22 =	vor.u32 s0, v0;
	s0 =	sor.u32 $0xF87, s3;
	s30 =	sor.u32 $0x1007, s3;
	v23 =	vor.u32 s1, v0  }
0x19: {  	v24 =	vor.u32 s6, v0;
	s1 =	sor.u32 $0x1107, s3;
	v28 =	vor.u32 s19, v0;
	s19 =	sor.u32 $0x1387, s3;
	[dreg:$0x5] =	wrdreg s22;
	[tilespmem:$0x1FF60] =	vst v1;
	v1 =	vor.u32 s11, v0  }
0x1a: {  	v25 =	vor.u32 s8, v0;
	s6 =	sor.u32 $0x1187, s3;
	s22 =	sor.u32 $0x587, s3;
	v12 =	vor.u32 s23, v0;
	[dreg:$0x12] =	wrdreg s19;
	[tilespmem:$0x1FF70] =	vst v1;
	v1 =	vor.u32 s12, v0  }
0x1b: {  	s23 =	sor.u32 $0xB87, s3;
	v52 =	vor.u32 s6, v0;
	v11 =	vor.u32 s22, v0;
	s22 =	sor.u32 $0xB07, s3;
	s6 =	rddreg [dreg:$0x12];
	[tilespmem:$0x1FF80] =	vst v1;
	v1 =	vor.u32 s13, v0  }
0x1c: {  	s8 =	sor.u32 $0x1407, s3;
	v40 =	vor.u32 s23, v0;
	s23 =	sadd.s32 $0x2000, s7;
	v39 =	vor.u32 s22, v0;
	s22 =	rddreg [dreg:$0xa];
	[tilespmem:$0x1FF90] =	vst v1;
	v1 =	vor.u32 s14, v0  }
0x1d: {  	v21 =	vor.u32 s31, v0;
	[dreg:$0x8] =	wrdreg s23;
	s14 =	sor.u32 $0x1F07, s3;
	[tilespmem:$0x1FFA0] =	vst v1;
	v1 =	vor.u32 s15, v0;
	s15 =	sor.u32 $0x1F87, s3  }
0x1e: {  	s31 =	sor.u32 $0x1487, s3;
	v31 =	vor.u32 s14, v0;
	s14 =	rddreg [dreg:$0xb];
	[tilespmem:$0x1FFB0] =	vst v1;
	v1 =	vor.u32 s16, v0;
	v32 =	vor.u32 s15, v0;
	s15 =	sor.u32 $0x1587, s3  }
0x1f: {  	s16 =	sor.u32 $0x887, s3;
	[tilespmem:$0x1FFC0] =	vst v1;
	v1 =	vor.u32 s17, v0;
	s17 =	sor.u32 $0x907, s3;
	[dreg:$0x15] =	wrdreg s15  }
0x20: {  	s11 =	sor.u32 $0x1D07, s3;
	v34 =	vor.u32 s16, v0;
	s16 =	sor.u32 $0x1607, s3;
	[dreg:$0xe] =	wrdreg s17  }
0x21: {  	v13 =	vor.u32 s24, v0;
	s24 =	sor.u32 $0xC07, s3;
	v14 =	vor.u32 s25, v0;
	s25 =	sor.u32 $0xC87, s3;
	[dreg:$0x16] =	wrdreg s16  }
0x22: {  	v16 =	vmov s26;
	s26 =	sor.u32 $0xD07, s3;
	v57 =	vor.u32 s8, v0;
	s17 =	sor.u32 $0xD87, s3;
	s8 =	rddreg [dreg:$0x15]  }
0x23: {  	v26 =	vor.u32 s10, v0;
	s10 =	sor.u32 $0x1287, s3;
	v38 =	vor.u32 s21, v0;
	s21 =	simm.s32 $0xE00;
	[dreg:$0xd] =	wrdreg s17  }
0x24: {  	v45 =	vor.u32 s28, v0;
	v46 =	vor.u32 s29, v0;
	s28 =	simm.s32 $0xB80;
	s29 =	simm.s32 $0x3;
	s17 =	rddreg [dreg:$0x14]  }
0x25: {  	v49 =	vor.u32 s30, v0;
	v58 =	vor.u32 s31, v0;
	s30 =	simm.s32 $0x2;
	s31 =	simm.s32 $0xD00;
	[tilespmem:$0x1FFD0] =	vst v1;
	v1 =	vor.u32 s18, v0;
	s19 =	rddreg [dreg:$0xe]  }
0x26: {  	v48 =	vor.u32 s0, v0;
	s0 =	simm.s32 $0x8E00;
	v54 =	vor.u32 s10, v0;
	[tilespmem:$0x1FFE0] =	vst v1;
	v1 =	vor.u32 s20, v0;
	s20 =	sor.u32 $0xA07, s3;
	s10 =	rddreg [dreg:$0x16]  }
0x27: {  	v51 =	vor.u32 s1, v0;
	s1 =	simm.s32 $0xCE00;
	s12 =	sor.u32 $0x1E07, s3;
	v37 =	vor.u32 s20, v0;
	s20 =	rddreg [dreg:$0x9]  }
0x28: {  	v27 =	vor.u32 s11, v0;
	s11 =	sor.u32 $0x1307, s3;
	v41 =	vor.u32 s24, v0;
	v17 =	vor.u32 s17, v0;
	s17 =	sor.u32 $0xF07, s3;
	s24 =	rddreg [dreg:$0xd]  }
0x29: {  	s13 =	sor.u32 $0x1E87, s3;
	[dreg:$0xf] =	wrdreg s17;
	s17 =	sor.u32 $0x1087, s3  }
0x2a: {  	v29 =	vor.u32 s12, v0;
	s12 =	sor.u32 $0x1707, s3;
	s23 =	simm.s32 $0x4E00;
	[dreg:$0x10] =	wrdreg s17  }
0x2b: {  	v42 =	vor.u32 s25, v0;
	v56 =	vor.u32 s6, v0;
	s6 =	simm.s32 $0x4;
	s17 =	sor.u32 $0x1207, s3;
	s25 =	rddreg [dreg:$0xf]  }
0x2c: {  	v30 =	vor.u32 s13, v0;
	s13 =	sor.u32 $0x1507, s3;
	v33 =	vor.u32 s14, v0;
	s14 =	simm.s32 $0x80;
	[dreg:$0x11] =	wrdreg s17  }
0x2d: {  	v43 =	vor.u32 s26, v0;
	s15 =	simm.s32 $0x800;
	s17 =	sor.u32 $0x1687, s3;
	s26 =	rddreg [dreg:$0x10]  }
0x2e: {  	s18 =	sor.u32 $0x987, s3;
	s3 =	sor.u32 $0x1787, s3;
	[dreg:$0x13] =	wrdreg s17  }
0x2f: {  	s16 =	simm.s32 $0xA00;
	[dreg:$0x17] =	wrdreg s3;
	s3 =	smax.u32 s20, $0x1  }
0x30: {  	v36 =	vor.u32 s18, v0;
	s18 =	simm.s32 $0xA80;
	v35 =	vor.u32 s19, v0;
	s19 =	simm.s32 $0x1;
	[dreg:$0x6] =	wrdreg s3  }
.Ltmp0:
0x31: {  	v55 =	vor.u32 s11, v0;
	v61 =	vor.u32 s10, v0;
	s10 =	simm.s32 $0x6;
	s11 =	rddreg [dreg:$0x13];
	(pc) =	sbr.rel .LBB2_1-.Ltmp0, $4  }
0x32: {  	v59 =	vor.u32 s13, v0;
	v44 =	vor.u32 s24, v0;
	s24 =	simm.s32 $0x900;
	s3 =	sshrl.u32 s22, $0x3;
	s13 =	rddreg [dreg:$0x17]  }
0x33: {  	v47 =	vor.u32 s25, v0;
	s25 =	simm.s32 $0xB00;
	s17 =	simm.s32 $0x880;
	[dreg:$0x7] =	wrdreg s3  }
0x34: {  	v63 =	vor.u32 s12, v0;
	v60 =	vor.u32 s8, v0;
	s20 =	simm.s32 $0xC00;
	v50 =	vor.u32 s26, v0;
	s26 =	simm.s32 $0x980;
	s3 =	rddreg [dreg:$0x11]  }
0x35: {  	[tilespmem:$0x1FFF0] =	vst v1;
	s22 =	simm.s32 $0xC80;
	v62 =	vor.u32 s11, v0;
	s11 =	simm.s32 $0x0;
	v53 =	vor.u32 s3, v0;
	s3 =	simm.s32 $0xD80;
	v0 =	vor.u32 s13, v0  }
.LBB2_4:
0x36: {  	s13 =	simm.s32 $0x5  }
0x37: {  	_ =	swait.ge [sflag:s13], $0x8000  }
0x38: {  	[sflag:s13] =	ssyncset.done $0x0  }
0x39: {  	[sflag:s13] =	ssyncadd.s32 $0xFFFF8000  }
0x3a: {  	[tilespmem:s21], [sflag:$0x3] =	stream.indirect.gather [spmem:s2], $0x80, s20, s14, $0xb8;
	[tilespmem:$0x10E00] =	vst v63  }
0x3b: {  	_ = 	snop  }
0x3c: {  	[tilespmem:s23], [sflag:$0x3] =	stream.indirect.gather [spmem:s2], $0x80, s22, s14, $0xb8;
	[tilespmem:$0x10E00] =	vst v63  }
0x3d: {  	[tilespmem:$0x900] =	vst v17  }
0x3e: {  	[tilespmem:$0x910] =	vst v18  }
0x3f: {  	[tilespmem:$0x920] =	vst v19  }
0x40: {  	[tilespmem:$0x930] =	vst v20  }
0x41: {  	[tilespmem:$0x940] =	vst v21  }
0x42: {  	[tilespmem:$0x950] =	vst v22  }
0x43: {  	[tilespmem:$0x960] =	vst v23  }
0x44: {  	[tilespmem:$0x970] =	vst v24  }
0x45: {  	[tilespmem:$0x980] =	vst v25  }
0x46: {  	[tilespmem:$0x990] =	vst v26  }
0x47: {  	[tilespmem:$0x9A0] =	vst v27  }
0x48: {  	[tilespmem:$0x9B0] =	vst v28  }
0x49: {  	[tilespmem:$0x9C0] =	vst v29  }
0x4a: {  	[tilespmem:$0x9D0] =	vst v30  }
0x4b: {  	[tilespmem:$0x9E0] =	vst v31  }
0x4c: {  	[tilespmem:$0x9F0] =	vst v32  }
0x4d: {  	[tilespmem:s25], [sflag:$0x2] =	stream.indirect.gather [hbm4b:s5+s14], $0x1, s24, s14, $0xb8;
	[tilespmem:$0x10E00] =	vst v63  }
0x4e: {  	_ = 	snop  }
0x4f: {  	[tilespmem:s28], [sflag:$0x2] =	stream.indirect.gather [hbm4b:s5+s14], $0x1, s26, s14, $0xb8;
	[tilespmem:$0x10E00] =	vst v63  }
0x50: {  	_ =	swait.ge [sflag:s29], $0x4000  }
0x51: {  	[sflag:s29] =	ssyncset.done $0x0  }
0x52: {  	[sflag:s29] =	ssyncadd.s32 $0xFFFFC000  }
0x53: {  	_ =	swait.ge [sflag:s29], $0x4000  }
0x54: {  	[sflag:s29] =	ssyncset.done $0x0  }
0x55: {  	s8 =	rddreg [dreg:$0x8];
	[sflag:s29] =	ssyncadd.s32 $0xFFFFC000  }
0x56: {  	[hbm4b:s8+s4] =	stream.linear.scatter [tilespmem:s21], [sflag:$0x5], $0x8000, $0x38;
	[tilespmem:$0x10E00] =	vst v63  }
0x57: {  	_ =	swait.ge [sflag:s30], $0x80  }
0x58: {  	[sflag:s30] =	ssyncset.done $0x0  }
0x59: {  	[sflag:s30] =	ssyncadd.s32 $0xFFFFFF80  }
0x5a: {  	_ =	swait.ge [sflag:s30], $0x80  }
0x5b: {  	[sflag:s30] =	ssyncset.done $0x0  }
0x5c: {  	[sflag:s30] =	ssyncadd.s32 $0xFFFFFF80  }
0x5d: {  	v1 =	vld [tilespmem:$0xB00]  }
0x5e: {  	v2 =	vld [tilespmem:$0xB10]  }
0x5f: {  	v3 =	vld [tilespmem:$0xB20]  }
0x60: {  	v4 =	vld [tilespmem:$0xB30]  }
0x61: {  	v5 =	vld [tilespmem:$0xB40]  }
0x62: {  	v6 =	vld [tilespmem:$0xB50];
	v1 =	vtrunc.f32 v1  }
0x63: {  	v7 =	vld [tilespmem:$0xB60];
	v2 =	vtrunc.f32 v2;
	v1 =	vcvt.f32.s32 v1  }
0x64: {  	v8 =	vld [tilespmem:$0xB70];
	v3 =	vtrunc.f32 v3;
	v2 =	vcvt.f32.s32 v2  }
0x65: {  	v9 =	vld [tilespmem:$0xB80];
	v4 =	vtrunc.f32 v4;
	v3 =	vcvt.f32.s32 v3;
	v1 =	vadd.s32 v1, v16  }
0x66: {  	[tilespmem:$0xD00] =	vst v1;
	v1 =	vadd.s32 v2, v16;
	v2 =	vcvt.f32.s32 v4;
	v4 =	vtrunc.f32 v5;
	v5 =	vld [tilespmem:$0xB90]  }
0x67: {  	[tilespmem:$0xD10] =	vst v1;
	v1 =	vadd.s32 v3, v16;
	v3 =	vcvt.f32.s32 v4;
	v4 =	vtrunc.f32 v6;
	v6 =	vld [tilespmem:$0xBA0]  }
0x68: {  	[tilespmem:$0xD20] =	vst v1;
	v1 =	vadd.s32 v2, v16;
	v2 =	vcvt.f32.s32 v4;
	v4 =	vtrunc.f32 v7;
	v7 =	vld [tilespmem:$0xBB0]  }
0x69: {  	[tilespmem:$0xD30] =	vst v1;
	v1 =	vadd.s32 v3, v16;
	v3 =	vcvt.f32.s32 v4;
	v4 =	vtrunc.f32 v8;
	v8 =	vld [tilespmem:$0xBC0]  }
0x6a: {  	[tilespmem:$0xD40] =	vst v1;
	v1 =	vadd.s32 v2, v16;
	v2 =	vcvt.f32.s32 v4;
	v4 =	vtrunc.f32 v9;
	v9 =	vld [tilespmem:$0xBD0]  }
0x6b: {  	[tilespmem:$0xD50] =	vst v1;
	v1 =	vadd.s32 v3, v16;
	v3 =	vcvt.f32.s32 v4;
	v4 =	vtrunc.f32 v5;
	v5 =	vld [tilespmem:$0xBE0]  }
0x6c: {  	[tilespmem:$0xD60] =	vst v1;
	v1 =	vadd.s32 v2, v16;
	v2 =	vcvt.f32.s32 v4;
	v4 =	vtrunc.f32 v6;
	v6 =	vld [tilespmem:$0xBF0]  }
0x6d: {  	[tilespmem:$0xD70] =	vst v1;
	v1 =	vadd.s32 v3, v16;
	v3 =	vcvt.f32.s32 v4;
	v4 =	vtrunc.f32 v7  }
0x6e: {  	[tilespmem:$0xD80] =	vst v1;
	v1 =	vadd.s32 v2, v16;
	v2 =	vcvt.f32.s32 v4;
	v4 =	vtrunc.f32 v8  }
0x6f: {  	[tilespmem:$0xD90] =	vst v1;
	v1 =	vadd.s32 v3, v16;
	v3 =	vcvt.f32.s32 v4;
	v4 =	vtrunc.f32 v9  }
0x70: {  	[tilespmem:$0xDA0] =	vst v1;
	v1 =	vadd.s32 v2, v16;
	v2 =	vcvt.f32.s32 v4;
	v4 =	vtrunc.f32 v5  }
0x71: {  	[tilespmem:$0xDB0] =	vst v1;
	v1 =	vadd.s32 v3, v16;
	v3 =	vcvt.f32.s32 v4;
	v4 =	vtrunc.f32 v6  }
0x72: {  	[tilespmem:$0xDC0] =	vst v1;
	v1 =	vadd.s32 v2, v16;
	v2 =	vcvt.f32.s32 v4  }
0x73: {  	[tilespmem:$0xDD0] =	vst v1;
	v1 =	vadd.s32 v3, v16  }
0x74: {  	[tilespmem:$0xDE0] =	vst v1;
	v1 =	vadd.s32 v2, v16  }
0x75: {  	[tilespmem:$0xDF0] =	vst v1  }
0x76: {  	_ =	swait.ge [sflag:s10], $0x8000  }
0x77: {  	[sflag:s10] =	ssyncset.done $0x0  }
0x78: {  	[sflag:s10] =	ssyncadd.s32 $0xFFFF8000  }
0x79: {  	[tilespmem:s0], [sflag:$0x4] =	stream.indirect.gather [spmem:s2], $0x80, s31, s14, $0xb8;
	[tilespmem:$0x10E00] =	vst v63  }
0x7a: {  	_ = 	snop  }
0x7b: {  	[tilespmem:s1], [sflag:$0x4] =	stream.indirect.gather [spmem:s2], $0x80, s3, s14, $0xb8;
	[tilespmem:$0x10E00] =	vst v63  }
0x7c: {  	_ =	swait.ge [sflag:s6], $0x4000  }
0x7d: {  	[sflag:s6] =	ssyncset.done $0x0  }
0x7e: {  	[sflag:s6] =	ssyncadd.s32 $0xFFFFC000  }
0x7f: {  	_ =	swait.ge [sflag:s6], $0x4000  }
0x80: {  	[sflag:s6] =	ssyncset.done $0x0  }
0x81: {  	s12 =	rddreg [dreg:$0x5];
	[sflag:s6] =	ssyncadd.s32 $0xFFFFC000  }
0x82: {  	[hbm4b:s12+s4] =	stream.linear.scatter [tilespmem:s0], [sflag:$0x6], $0x8000, $0x38;
	[tilespmem:$0x10E00] =	vst v63  }
0x83: {  	_ =	swait.ge [sflag:s13], $0x8000  }
0x84: {  	[sflag:s13] =	ssyncset.done $0x0  }
0x85: {  	[sflag:s13] =	ssyncadd.s32 $0xFFFF8000  }
0x86: {  	_ =	swait.ge [sflag:s10], $0x8000  }
0x87: {  	s11 =	sadd.s32 $0x1, s11;
	s13 =	rddreg [dreg:$0x6]  }
0x88: {  	p0 =	sne.s32 s11, s13  }
.Ltmp1:
0x89: {  	_ = 	snop;
	(pc) =	sbr.rel @!p0 .LBB2_5-.Ltmp1, $3  }
0x8a: {  	_ =	sdelay $0x1  }
0x8b: {  	[sflag:s10] =	ssyncset.done $0x0  }
0x8c: {  	[sflag:s10] =	ssyncadd.s32 $0xFFFF8000  }
.LBB2_1:
0x8d: {  	s12 =	rddreg [dreg:$0x1]  }
0x8e: {  	s13 =	rddreg [dreg:$0x4]  }
0x8f: {  	s8 =	rddreg [dreg:$0x7]  }
0x90: {  	[spmem:s8], [sflag:s13] =	dma.local [hbm:s12], $0xA0  }
0x91: {  	s13 =	simm.s32 $0x7  }
0x92: {  	_ =	swait.ge [sflag:s13], $0xA0  }
0x93: {  	[sflag:s13] =	ssyncset.done $0x0  }
0x94: {  	[sflag:s13] =	ssyncadd.s32 $0xFFFFFF60  }
0x95: {  	[bflag:$0x0] =	sbarrier.arrive $0xFFFF  }
0x96: {  	v1 =	vld [tilespmem:$0x1FF60];
	_ =	sdelay $0x4  }
0x97: {  	[tilespmem:$0x800] =	vst v1;
	v1 =	vld [tilespmem:$0x1FF70];
	_ =	sdelay $0x4  }
0x98: {  	[tilespmem:$0x810] =	vst v1;
	v1 =	vld [tilespmem:$0x1FF80];
	_ =	sdelay $0x4  }
0x99: {  	[tilespmem:$0x820] =	vst v1;
	v1 =	vld [tilespmem:$0x1FF90];
	_ =	sdelay $0x4  }
0x9a: {  	[tilespmem:$0x830] =	vst v1;
	v1 =	vld [tilespmem:$0x1FFA0];
	_ =	sdelay $0x4  }
0x9b: {  	[tilespmem:$0x840] =	vst v1;
	v1 =	vld [tilespmem:$0x1FFB0];
	_ =	sdelay $0x4  }
0x9c: {  	[tilespmem:$0x850] =	vst v1;
	v1 =	vld [tilespmem:$0x1FFC0];
	_ =	sdelay $0x4  }
0x9d: {  	[tilespmem:$0x860] =	vst v1;
	v1 =	vld [tilespmem:$0x1FFD0];
	_ =	sdelay $0x4  }
0x9e: {  	[tilespmem:$0x870] =	vst v1;
	v1 =	vld [tilespmem:$0x1FFE0];
	_ =	sdelay $0x2  }
0x9f: {  	[tilespmem:$0x8A0] =	vst v10  }
0xa0: {  	[tilespmem:$0x8B0] =	vst v11  }
0xa1: {  	[tilespmem:$0x880] =	vst v1;
	v1 =	vld [tilespmem:$0x1FFF0]  }
0xa2: {  	[tilespmem:$0x8C0] =	vst v12  }
0xa3: {  	[tilespmem:$0x8D0] =	vst v13  }
0xa4: {  	[tilespmem:$0x8E0] =	vst v14  }
0xa5: {  	[tilespmem:$0x8F0] =	vst v15  }
0xa6: {  	[tilespmem:$0x890] =	vst v1  }
0xa7: {  	[tilespmem:s16], [sflag:$0x1] =	stream.indirect.gather [hbm4b:s5+s14], $0x1, s15, s14, $0xb8;
	[tilespmem:$0x10E00] =	vst v63  }
0xa8: {  	p0 =	por $0x1, $0x1  }
0xa9: {  	[tilespmem:s18], [sflag:$0x1] =	stream.indirect.gather [hbm4b:s5+s14], $0x1, s17, s14, $0xb8;
	[tilespmem:$0x10E00] =	vst v63  }
.LBB2_2:
0xaa: {  	_ =	swait.ge [sflag:s19], $0x80  }
0xab: {  	[sflag:s19] =	ssyncset.done $0x0  }
0xac: {  	[sflag:s19] =	ssyncadd.s32 $0xFFFFFF80  }
0xad: {  	_ =	swait.ge [sflag:s19], $0x80  }
0xae: {  	[sflag:s19] =	ssyncset.done $0x0  }
0xaf: {  	[sflag:s19] =	ssyncadd.s32 $0xFFFFFF80  }
0xb0: {  	v1 =	vld [tilespmem:$0xA00]  }
0xb1: {  	v2 =	vld [tilespmem:$0xA10]  }
0xb2: {  	v3 =	vld [tilespmem:$0xA20]  }
0xb3: {  	v4 =	vld [tilespmem:$0xA30]  }
0xb4: {  	v5 =	vld [tilespmem:$0xA40]  }
0xb5: {  	v6 =	vld [tilespmem:$0xA50];
	v1 =	vtrunc.f32 v1  }
0xb6: {  	v7 =	vld [tilespmem:$0xA60];
	v2 =	vtrunc.f32 v2;
	v1 =	vcvt.f32.s32 v1  }
0xb7: {  	v8 =	vld [tilespmem:$0xA70];
	v3 =	vtrunc.f32 v3;
	v2 =	vcvt.f32.s32 v2  }
0xb8: {  	v9 =	vld [tilespmem:$0xA80];
	v4 =	vtrunc.f32 v4;
	v3 =	vcvt.f32.s32 v3;
	v1 =	vadd.s32 v1, v16  }
0xb9: {  	[tilespmem:$0xC00] =	vst v1;
	v1 =	vadd.s32 v2, v16;
	v2 =	vcvt.f32.s32 v4;
	v4 =	vtrunc.f32 v5;
	v5 =	vld [tilespmem:$0xA90]  }
0xba: {  	[tilespmem:$0xC10] =	vst v1;
	v1 =	vadd.s32 v3, v16;
	v3 =	vcvt.f32.s32 v4;
	v4 =	vtrunc.f32 v6;
	v6 =	vld [tilespmem:$0xAA0]  }
0xbb: {  	[tilespmem:$0xC20] =	vst v1;
	v1 =	vadd.s32 v2, v16;
	v2 =	vcvt.f32.s32 v4;
	v4 =	vtrunc.f32 v7;
	v7 =	vld [tilespmem:$0xAB0]  }
0xbc: {  	[tilespmem:$0xC30] =	vst v1;
	v1 =	vadd.s32 v3, v16;
	v3 =	vcvt.f32.s32 v4;
	v4 =	vtrunc.f32 v8;
	v8 =	vld [tilespmem:$0xAC0]  }
0xbd: {  	[tilespmem:$0xC40] =	vst v1;
	v1 =	vadd.s32 v2, v16;
	v2 =	vcvt.f32.s32 v4;
	v4 =	vtrunc.f32 v9;
	v9 =	vld [tilespmem:$0xAD0]  }
0xbe: {  	[tilespmem:$0xC50] =	vst v1;
	v1 =	vadd.s32 v3, v16;
	v3 =	vcvt.f32.s32 v4;
	v4 =	vtrunc.f32 v5;
	v5 =	vld [tilespmem:$0xAE0]  }
0xbf: {  	[tilespmem:$0xC60] =	vst v1;
	v1 =	vadd.s32 v2, v16;
	v2 =	vcvt.f32.s32 v4;
	v4 =	vtrunc.f32 v6;
	v6 =	vld [tilespmem:$0xAF0]  }
0xc0: {  	[tilespmem:$0xC70] =	vst v1;
	v1 =	vadd.s32 v3, v16;
	v3 =	vcvt.f32.s32 v4;
	v4 =	vtrunc.f32 v7  }
0xc1: {  	[tilespmem:$0xC80] =	vst v1;
	v1 =	vadd.s32 v2, v16;
	v2 =	vcvt.f32.s32 v4;
	v4 =	vtrunc.f32 v8  }
0xc2: {  	[tilespmem:$0xC90] =	vst v1;
	v1 =	vadd.s32 v3, v16;
	v3 =	vcvt.f32.s32 v4;
	v4 =	vtrunc.f32 v9  }
0xc3: {  	[tilespmem:$0xCA0] =	vst v1;
	v1 =	vadd.s32 v2, v16;
	v2 =	vcvt.f32.s32 v4;
	v4 =	vtrunc.f32 v5  }
.Ltmp2:
0xc4: {  	[tilespmem:$0xCB0] =	vst v1;
	v1 =	vadd.s32 v3, v16;
	v3 =	vcvt.f32.s32 v4;
	v4 =	vtrunc.f32 v6;
	(pc) =	sbr.rel @!p0 .LBB2_4-.Ltmp2, $4  }
0xc5: {  	[tilespmem:$0xCC0] =	vst v1;
	v1 =	vadd.s32 v2, v16;
	v2 =	vcvt.f32.s32 v4  }
0xc6: {  	[tilespmem:$0xCD0] =	vst v1;
	v1 =	vadd.s32 v3, v16  }
0xc7: {  	[tilespmem:$0xCE0] =	vst v1;
	v1 =	vadd.s32 v2, v16  }
0xc8: {  	[tilespmem:$0xCF0] =	vst v1  }
0xc9: {  	[tilespmem:s21], [sflag:$0x3] =	stream.indirect.gather [spmem:s2], $0x80, s20, s14, $0xb8;
	[tilespmem:$0x10E00] =	vst v63  }
0xca: {  	_ = 	snop  }
0xcb: {  	[tilespmem:s23], [sflag:$0x3] =	stream.indirect.gather [spmem:s2], $0x80, s22, s14, $0xb8;
	[tilespmem:$0x10E00] =	vst v63  }
0xcc: {  	[tilespmem:$0x900] =	vst v33  }
0xcd: {  	[tilespmem:$0x910] =	vst v34  }
0xce: {  	[tilespmem:$0x920] =	vst v35  }
0xcf: {  	[tilespmem:$0x930] =	vst v36  }
0xd0: {  	[tilespmem:$0x940] =	vst v37  }
0xd1: {  	[tilespmem:$0x950] =	vst v38  }
0xd2: {  	[tilespmem:$0x960] =	vst v39  }
0xd3: {  	[tilespmem:$0x970] =	vst v40  }
0xd4: {  	[tilespmem:$0x980] =	vst v41  }
0xd5: {  	[tilespmem:$0x990] =	vst v42  }
0xd6: {  	[tilespmem:$0x9A0] =	vst v43  }
0xd7: {  	[tilespmem:$0x9B0] =	vst v44  }
0xd8: {  	[tilespmem:$0x9C0] =	vst v45  }
0xd9: {  	[tilespmem:$0x9D0] =	vst v46  }
0xda: {  	[tilespmem:$0x9E0] =	vst v47  }
0xdb: {  	[tilespmem:$0x9F0] =	vst v48  }
0xdc: {  	[tilespmem:s25], [sflag:$0x2] =	stream.indirect.gather [hbm4b:s5+s14], $0x1, s24, s14, $0xb8;
	[tilespmem:$0x10E00] =	vst v63  }
0xdd: {  	_ = 	snop  }
0xde: {  	[tilespmem:s28], [sflag:$0x2] =	stream.indirect.gather [hbm4b:s5+s14], $0x1, s26, s14, $0xb8;
	[tilespmem:$0x10E00] =	vst v63  }
0xdf: {  	_ =	swait.ge [sflag:s29], $0x4000  }
0xe0: {  	[sflag:s29] =	ssyncset.done $0x0  }
0xe1: {  	[sflag:s29] =	ssyncadd.s32 $0xFFFFC000  }
0xe2: {  	_ =	swait.ge [sflag:s29], $0x4000  }
0xe3: {  	[sflag:s29] =	ssyncset.done $0x0  }
0xe4: {  	[sflag:s29] =	ssyncadd.s32 $0xFFFFC000  }
0xe5: {  	[hbm4b:s7+s4] =	stream.linear.scatter [tilespmem:s21], [sflag:$0x5], $0x8000, $0x38;
	[tilespmem:$0x10E00] =	vst v63  }
0xe6: {  	_ =	swait.ge [sflag:s30], $0x80  }
0xe7: {  	[sflag:s30] =	ssyncset.done $0x0  }
0xe8: {  	[sflag:s30] =	ssyncadd.s32 $0xFFFFFF80  }
0xe9: {  	_ =	swait.ge [sflag:s30], $0x80  }
0xea: {  	[sflag:s30] =	ssyncset.done $0x0  }
0xeb: {  	[sflag:s30] =	ssyncadd.s32 $0xFFFFFF80  }
0xec: {  	v1 =	vld [tilespmem:$0xB00]  }
0xed: {  	v2 =	vld [tilespmem:$0xB10]  }
0xee: {  	v3 =	vld [tilespmem:$0xB20]  }
0xef: {  	v4 =	vld [tilespmem:$0xB30]  }
0xf0: {  	v5 =	vld [tilespmem:$0xB40]  }
0xf1: {  	v6 =	vld [tilespmem:$0xB50];
	v1 =	vtrunc.f32 v1  }
0xf2: {  	v7 =	vld [tilespmem:$0xB60];
	v2 =	vtrunc.f32 v2;
	v1 =	vcvt.f32.s32 v1  }
0xf3: {  	v8 =	vld [tilespmem:$0xB70];
	v3 =	vtrunc.f32 v3;
	v2 =	vcvt.f32.s32 v2  }
0xf4: {  	v9 =	vld [tilespmem:$0xB80];
	v4 =	vtrunc.f32 v4;
	v3 =	vcvt.f32.s32 v3;
	v1 =	vadd.s32 v1, v16  }
0xf5: {  	[tilespmem:$0xD00] =	vst v1;
	v1 =	vadd.s32 v2, v16;
	v2 =	vcvt.f32.s32 v4;
	v4 =	vtrunc.f32 v5;
	v5 =	vld [tilespmem:$0xB90]  }
0xf6: {  	[tilespmem:$0xD10] =	vst v1;
	v1 =	vadd.s32 v3, v16;
	v3 =	vcvt.f32.s32 v4;
	v4 =	vtrunc.f32 v6;
	v6 =	vld [tilespmem:$0xBA0]  }
0xf7: {  	[tilespmem:$0xD20] =	vst v1;
	v1 =	vadd.s32 v2, v16;
	v2 =	vcvt.f32.s32 v4;
	v4 =	vtrunc.f32 v7;
	v7 =	vld [tilespmem:$0xBB0]  }
0xf8: {  	[tilespmem:$0xD30] =	vst v1;
	v1 =	vadd.s32 v3, v16;
	v3 =	vcvt.f32.s32 v4;
	v4 =	vtrunc.f32 v8;
	v8 =	vld [tilespmem:$0xBC0]  }
0xf9: {  	[tilespmem:$0xD40] =	vst v1;
	v1 =	vadd.s32 v2, v16;
	v2 =	vcvt.f32.s32 v4;
	v4 =	vtrunc.f32 v9;
	v9 =	vld [tilespmem:$0xBD0]  }
0xfa: {  	[tilespmem:$0xD50] =	vst v1;
	v1 =	vadd.s32 v3, v16;
	v3 =	vcvt.f32.s32 v4;
	v4 =	vtrunc.f32 v5;
	v5 =	vld [tilespmem:$0xBE0]  }
0xfb: {  	[tilespmem:$0xD60] =	vst v1;
	v1 =	vadd.s32 v2, v16;
	v2 =	vcvt.f32.s32 v4;
	v4 =	vtrunc.f32 v6;
	v6 =	vld [tilespmem:$0xBF0]  }
0xfc: {  	[tilespmem:$0xD70] =	vst v1;
	v1 =	vadd.s32 v3, v16;
	v3 =	vcvt.f32.s32 v4;
	v4 =	vtrunc.f32 v7  }
0xfd: {  	[tilespmem:$0xD80] =	vst v1;
	v1 =	vadd.s32 v2, v16;
	v2 =	vcvt.f32.s32 v4;
	v4 =	vtrunc.f32 v8  }
0xfe: {  	[tilespmem:$0xD90] =	vst v1;
	v1 =	vadd.s32 v3, v16;
	v3 =	vcvt.f32.s32 v4;
	v4 =	vtrunc.f32 v9  }
0xff: {  	[tilespmem:$0xDA0] =	vst v1;
	v1 =	vadd.s32 v2, v16;
	v2 =	vcvt.f32.s32 v4;
	v4 =	vtrunc.f32 v5  }
0x100: {  	[tilespmem:$0xDB0] =	vst v1;
	v1 =	vadd.s32 v3, v16;
	v3 =	vcvt.f32.s32 v4;
	v4 =	vtrunc.f32 v6  }
0x101: {  	[tilespmem:$0xDC0] =	vst v1;
	v1 =	vadd.s32 v2, v16;
	v2 =	vcvt.f32.s32 v4  }
0x102: {  	[tilespmem:$0xDD0] =	vst v1;
	v1 =	vadd.s32 v3, v16  }
0x103: {  	[tilespmem:$0xDE0] =	vst v1;
	v1 =	vadd.s32 v2, v16  }
0x104: {  	[tilespmem:$0xDF0] =	vst v1  }
0x105: {  	[tilespmem:s0], [sflag:$0x4] =	stream.indirect.gather [spmem:s2], $0x80, s31, s14, $0xb8;
	[tilespmem:$0x10E00] =	vst v63  }
0x106: {  	_ = 	snop  }
0x107: {  	[tilespmem:s1], [sflag:$0x4] =	stream.indirect.gather [spmem:s2], $0x80, s3, s14, $0xb8;
	[tilespmem:$0x10E00] =	vst v63  }
0x108: {  	[tilespmem:$0x800] =	vst v49  }
0x109: {  	[tilespmem:$0x810] =	vst v50  }
0x10a: {  	[tilespmem:$0x820] =	vst v51  }
0x10b: {  	[tilespmem:$0x830] =	vst v52  }
0x10c: {  	[tilespmem:$0x840] =	vst v53  }
0x10d: {  	[tilespmem:$0x850] =	vst v54  }
0x10e: {  	[tilespmem:$0x860] =	vst v55  }
0x10f: {  	[tilespmem:$0x870] =	vst v56  }
0x110: {  	[tilespmem:$0x880] =	vst v57  }
0x111: {  	[tilespmem:$0x890] =	vst v58  }
0x112: {  	[tilespmem:$0x8A0] =	vst v59  }
0x113: {  	[tilespmem:$0x8B0] =	vst v60  }
0x114: {  	[tilespmem:$0x8C0] =	vst v61  }
0x115: {  	[tilespmem:$0x8D0] =	vst v62  }
0x116: {  	[tilespmem:$0x8E0] =	vst v63  }
0x117: {  	[tilespmem:$0x8F0] =	vst v0  }
0x118: {  	[tilespmem:s16], [sflag:$0x1] =	stream.indirect.gather [hbm4b:s5+s14], $0x1, s15, s14, $0xb8;
	[tilespmem:$0x10E00] =	vst v63  }
0x119: {  	_ = 	snop  }
0x11a: {  	[tilespmem:s18], [sflag:$0x1] =	stream.indirect.gather [hbm4b:s5+s14], $0x1, s17, s14, $0xb8;
	[tilespmem:$0x10E00] =	vst v63  }
0x11b: {  	_ =	swait.ge [sflag:s6], $0x4000  }
0x11c: {  	[sflag:s6] =	ssyncset.done $0x0  }
.Ltmp3:
0x11d: {  	[sflag:s6] =	ssyncadd.s32 $0xFFFFC000;
	(pc) =	sbr.rel .LBB2_2-.Ltmp3, $4  }
0x11e: {  	_ =	swait.ge [sflag:s6], $0x4000  }
0x11f: {  	[sflag:s6] =	ssyncset.done $0x0  }
0x120: {  	p0 =	por $0x0, $0x0;
	[sflag:s6] =	ssyncadd.s32 $0xFFFFC000  }
0x121: {  	[hbm4b:s9+s4] =	stream.linear.scatter [tilespmem:s0], [sflag:$0x6], $0x8000, $0x38;
	[tilespmem:$0x10E00] =	vst v63  }
.LBB2_5:
0x122: {  	_ =	sfence.sel $0x180000  }
0x123: {  	[bflag:$0x0] =	sbarrier.arrive $0xFFFF  }
0x124: {  	_ =	strace $0x90000047  }
0x125: {  	s0 =	stileid.u32;
	[bflag:$0x2] =	sbarrier.arrive $0xFFFF  }
0x126: {  	p0 =	sne.s32 s0, $0x0;
	s0 =	rddreg [dreg:$0x3]  }
0x127: {  	s0 =	sadd.s32 @!p0 $0x100000, s0  }
0x128: {  	[sflag:s0] =	ssyncadd.tile.s32 @!p0 $0x1;
	_ =	shalt  }
.Lfunc_end2:
_tile_overlayer_lowered:
.L_overlay_start_2:
0x129: {  	(tag) =	ssettag $0x2  }
0x12a: {  	s0 =	rddreg [dreg:$0x0];
	s2 =	stileid.u32  }
0x12b: {  	s1 =	rddreg [dreg:$0x1];
	p0 =	sne.s32 s2, $0x0  }
0x12c: {  	s3 =	rddreg [dreg:$0x2];
	[bflag:$0x3] =	sbarrier.arrive $0xFFFF;
	s2 =	simm.s32 @!p0 $0x1C07  }
0x12d: {  	[timem:s3], [sflag:s2] =	dma.local @!p0 [hbm:s0], s1  }
0x12e: {  	s0 =	simm.s32 @!p0 $0x7  }
0x12f: {  	_ =	swait.ge @!p0 [sflag:s0], s1  }
0x130: {  	s1 =	ssub.s32 @!p0 $0x0, s1;
	[sflag:s0] =	ssyncset.done @!p0 $0x0  }
0x131: {  	[sflag:s0] =	ssyncadd.s32 @!p0 s1  }
0x132: {  	[bflag:$0x3] =	sbarrier.arrive $0xFFFF  }
0x133: {  	_ =	shalt  }

</sc_bundles>
